<compile_context>
chip_gen: v7x
topology: tpu7x:2x2x1
jax: 0.10.2.dev20260603
libtpu: 0.0.44.dev20260713+nightly
codegen_flags: <defaults>
</compile_context>

<pallas_src>
import functools

import jax
import jax.numpy as jnp
from jax import lax
from jax.experimental import pallas as pl
from jax.experimental.pallas import tpu as pltpu
from jax.experimental.pallas import tpu_sc as plsc

N = 320000
D = 128
S = 10000

Q = 4
NC = N // Q

B = 4000
NBLK = NC // B
K = 128

NW = 32
RPW = NC // NW
CS = 125
NCH = RPW // CS
STRIPE = S // 16



def _score_body(h_ref, idx_ref, w1_ref, b1_ref, w2_ref, b2_ref,
                g_ref, den_ref, dacc_ref):
    i = pl.program_id(0)

    @pl.when(i == 0)
    def _init():
        dacc_ref[...] = jnp.zeros_like(dacc_ref)

    hb = h_ref[...]
    hidden = jnp.tanh(
        lax.dot(hb, w1_ref[...], preferred_element_type=jnp.float32)
        + b1_ref[...])
    s = lax.dot(hidden, w2_ref[...],
                preferred_element_type=jnp.float32) + b2_ref[...]
    e = jnp.exp(s)
    g_ref[...] = hb * e

    idx = idx_ref[0]
    lo0 = jnp.min(idx)
    hi = jnp.max(idx)

    def cond(lo):
        return lo <= hi

    def body(lo):
        lo_c = jnp.minimum(lo - lax.rem(lo, 8), S - K)
        kio = lax.broadcasted_iota(jnp.int32, (K, B), 0)
        idxb = jnp.broadcast_to(idx, (K, B))
        oh = (idxb == kio + lo_c) & (idxb >= lo)
        ohf = oh.astype(jnp.float32)
        dwin = lax.dot(ohf, e, preferred_element_type=jnp.float32)
        dacc_ref[pl.ds(lo_c, K), :] += dwin
        return lo_c + K

    lax.while_loop(cond, body, lo0)

    @pl.when(i == NBLK - 1)
    def _finish():
        den_ref[...] = dacc_ref[...]


def _stage_a(h, idx3, W1, b1r, W2, b2r, q):
    off = q * NBLK
    return pl.pallas_call(
        _score_body,
        grid=(NBLK,),
        in_specs=[
            pl.BlockSpec((B, D), lambda i: (off + i, 0)),
            pl.BlockSpec((1, 1, B), lambda i: (off + i, 0, 0)),
            pl.BlockSpec((D, D), lambda i: (0, 0)),
            pl.BlockSpec((1, D), lambda i: (0, 0)),
            pl.BlockSpec((D, 1), lambda i: (0, 0)),
            pl.BlockSpec((1, 1), lambda i: (0, 0)),
        ],
        out_specs=[
            pl.BlockSpec((B, D), lambda i: (i, 0)),
            pl.BlockSpec((S, 1), lambda i: (0, 0)),
        ],
        out_shape=[
            jax.ShapeDtypeStruct((NC, D), jnp.float32),
            jax.ShapeDtypeStruct((S, 1), jnp.float32),
        ],
        scratch_shapes=[pltpu.VMEM((S, 1), jnp.float32)],
    )(h, idx3, W1, b1r, W2, b2r)



def _sc_body(q, g_hbm, idx_hbm, zeros_hbm, npart_hbm,
             iv, gv0, gv1, num_shared, sem0, sem1):
    c = lax.axis_index("c")
    sid = lax.axis_index("s")
    w = sid * 2 + c
    base = w * RPW

    pltpu.sync_copy(zeros_hbm, num_shared.at[pl.ds(sid * STRIPE, STRIPE)])
    pltpu.sync_copy(idx_hbm.at[w], iv)
    plsc.subcore_barrier()

    def dma(jj, buf, sem):
        return pltpu.make_async_copy(
            g_hbm.at[pl.ds(base + jj * CS, CS)], buf, sem)

    dma(0, gv0, sem0).start()
    dma(1, gv1, sem1).start()

    @pl.loop(0, NCH, step=2)
    def _(j):
        for b, (buf, sem) in enumerate(((gv0, sem0), (gv1, sem1))):
            jj = j + b
            dma(jj, buf, sem).wait()
            pltpu.sync_copy(buf, num_shared.at[iv.at[jj]], add=True)
            nxt = jj + 2

            @pl.when(nxt < NCH)
            def _():
                dma(nxt, buf, sem).start()

    plsc.subcore_barrier()
    pltpu.sync_copy(num_shared.at[pl.ds(sid * STRIPE, STRIPE)],
                    npart_hbm.at[c, pl.ds(sid * STRIPE, STRIPE)])


def _stage_b(gq, idx4, zeros, q):
    mesh = plsc.VectorSubcoreMesh(core_axis_name="c", subcore_axis_name="s")
    cp = pltpu.CompilerParams(use_tc_tiling_on_sc=False)
    f = pl.kernel(
        functools.partial(_sc_body, q),
        out_type=jax.ShapeDtypeStruct((2, S, D), jnp.float32),
        mesh=mesh,
        scratch_types=[
            pltpu.VMEM((NCH, CS), jnp.int32),
            pltpu.VMEM((CS, D), jnp.float32),
            pltpu.VMEM((CS, D), jnp.float32),
            pltpu.VMEM_SHARED((S, D), jnp.float32),
            pltpu.SemaphoreType.DMA,
            pltpu.SemaphoreType.DMA,
        ],
        compiler_params=cp,
    )
    return f(gq, idx4, zeros)



SB = 1000


def _combine_body(*refs):
    n_refs = refs[:Q]
    d_refs = refs[Q:2 * Q]
    out_ref = refs[2 * Q]
    num = n_refs[0][0] + n_refs[0][1]
    for r in n_refs[1:]:
        num = num + r[0] + r[1]
    den = d_refs[0][...]
    for r in d_refs[1:]:
        den = den + r[...]
    out_ref[...] = num / jnp.where(den > 0.0, den, 1.0)


def _stage_c(nparts, dens):
    npart_spec = pl.BlockSpec((2, SB, D), lambda i: (0, i, 0))
    den_spec = pl.BlockSpec((SB, 1), lambda i: (i, 0))
    return pl.pallas_call(
        _combine_body,
        grid=(S // SB,),
        in_specs=[npart_spec] * Q + [den_spec] * Q,
        out_specs=pl.BlockSpec((SB, D), lambda i: (i, 0)),
        out_shape=jax.ShapeDtypeStruct((S, D), jnp.float32),
    )(*nparts, *dens)


@jax.jit
def kernel(h, batch_indices, W1, b1, W2, b2):
    b1r = b1.reshape(1, D)
    b2r = b2.reshape(1, 1)
    zeros = jnp.zeros((STRIPE, D), jnp.float32)
    idx3a = batch_indices.reshape(N // B, 1, B)
    idx4 = batch_indices.reshape(Q, NW, NCH, CS)
    nparts, dens = [], []
    for q in range(Q):
        gq, dq = _stage_a(h, idx3a, W1, b1r, W2, b2r, q)
        nparts.append(_stage_b(gq, idx4[q], zeros, q))
        dens.append(dq)
    return _stage_c(nparts, dens)

# --- scband reference (transcript-rebuilt; emitter-appended) ---
"""Pipeline reference for scband-softmax-pooling-85100482003249 (READ-ONLY COPY).

The authoritative reference and input builder live on the scoring server;
editing this copy changes nothing except your own understanding.
"""

import jax, jax.numpy as jnp
import numpy as np

N = 320000
D = 128
S = 10000

def setup_inputs(seed: int = 0) -> dict:
    key = jax.random.key(seed)
    k1, k2, k3, k4, k5, k6 = jax.random.split(key, 6)
    h = jax.random.normal(k1, (N, D), dtype=jnp.float32)
    batch_indices = jnp.sort(jax.random.randint(k2, (N,), 0, S, dtype=jnp.int32))
    # ensure max segment id is S-1 so num_tracks == S (keeps sorted order)
    batch_indices = batch_indices.at[-1].set(S - 1)
    bound1 = 1.0 / np.sqrt(D)
    W1 = jax.random.uniform(k3, (D, D), dtype=jnp.float32, minval=-bound1, maxval=bound1)
    b1 = jax.random.uniform(k4, (D,), dtype=jnp.float32, minval=-bound1, maxval=bound1)
    W2 = jax.random.uniform(k5, (D, 1), dtype=jnp.float32, minval=-bound1, maxval=bound1)
    b2 = jax.random.uniform(k6, (1,), dtype=jnp.float32, minval=-bound1, maxval=bound1)
    return {"h": h, "batch_indices": batch_indices, "W1": W1, "b1": b1, "W2": W2, "b2": b2}

def reference(h, batch_indices, W1, b1, W2, b2):
    # score_net: Linear(D,D) -> Tanh -> Linear(D,1)
    hidden = jnp.tanh(h @ W1 + b1)
    scores = (hidden @ W2 + b2).squeeze(-1)  # (N,)
    # per-segment (per-track) softmax, numerically stable
    seg_max = jax.ops.segment_max(scores, batch_indices, num_segments=S)
    exp_s = jnp.exp(scores - seg_max[batch_indices])
    denom = jax.ops.segment_sum(exp_s, batch_indices, num_segments=S)
    w = exp_s / denom[batch_indices]  # (N,)
    pooled = jax.ops.segment_sum(w[:, None] * h, batch_indices, num_segments=S)  # (S, D)
    return pooled

if __name__ == "__main__":
    import jax
    _d = setup_inputs()
    print(jax.jit(kernel)(*tuple(_d.values())))

</pallas_src>

<mosaic_0001>
#map = affine_map<(d0, d1) -> (0, 0)>
#map1 = affine_map<(d0, d1) -> (0, 0, 0)>
module attributes {stable_mosaic.version = 14 : i64} {
  func.func @_sc_body(%arg0: i32, %arg1: i32, %arg2: memref<80000x128xf32, #tpu.memory_space<hbm>>, %arg3: memref<32x20x125xi32, #tpu.memory_space<hbm>>, %arg4: memref<625x128xf32, #tpu.memory_space<hbm>>, %arg5: memref<2x10000x128xf32, #tpu.memory_space<hbm>>, %arg6: memref<20x125xi32, #tpu.memory_space<vmem>>, %arg7: memref<125x128xf32, #tpu.memory_space<vmem>>, %arg8: memref<125x128xf32, #tpu.memory_space<vmem>>, %arg9: memref<10000x128xf32, #tpu.memory_space<vmem_shared>>, %arg10: memref<!tpu.dma_semaphore, #tpu.memory_space<semaphore_mem>>, %arg11: memref<!tpu.dma_semaphore, #tpu.memory_space<semaphore_mem>>) attributes {dimension_semantics = [#tpu.dimension_semantics<core_parallel>, #tpu.dimension_semantics<subcore_parallel>], iteration_bounds = array<i64: 2, 16>, scalar_prefetch = 0 : i64, scratch_operands = 6 : i64, tpu.core_type = #tpu.core_type<sc_vector_subcore>, window_params = [{transform_indices = #map}, {transform_indices = #map1}, {transform_indices = #map}, {transform_indices = #map1}]} {
    %mul3A = arith.constant 2 : i32
    %mul3A_0 = arith.muli %arg1, %mul3A : i32
    %add3A = arith.addi %mul3A_0, %arg0 : i32
    %mul3A_1 = arith.constant 2500 : i32
    %mul3A_2 = arith.muli %add3A, %mul3A_1 : i32
    %mul3A_3 = arith.constant 625 : i32
    %mul3A_4 = arith.muli %arg1, %mul3A_3 : i32
    "tpu.region"() ({
      %run_scoped3A = tpu.sem_alloc : memref<!tpu.dma_semaphore, #tpu.memory_space<semaphore_mem>>
      %dma_start3A_25 = arith.constant 0 : i32
      %dma_start3A_26 = tpu.memref_slice %arg9[%mul3A_4, %dma_start3A_25] : memref<10000x128xf32, #tpu.memory_space<vmem_shared>> -> memref<625x128xf32, #tpu.memory_space<vmem_shared>>
      tpu.enqueue_dma source(%arg4 : memref<625x128xf32, #tpu.memory_space<hbm>>) target(%dma_start3A_26 : memref<625x128xf32, #tpu.memory_space<vmem_shared>>) target_semaphore(%run_scoped3A : memref<!tpu.dma_semaphore, #tpu.memory_space<semaphore_mem>>)
      %dma_wait3A = arith.constant 0 : i32
      %dma_wait3A_27 = tpu.memref_slice %arg9[%mul3A_4, %dma_wait3A] : memref<10000x128xf32, #tpu.memory_space<vmem_shared>> -> memref<625x128xf32, #tpu.memory_space<vmem_shared>>
      tpu.wait_dma2 semaphore(%run_scoped3A : memref<!tpu.dma_semaphore, #tpu.memory_space<semaphore_mem>>) src(%arg4 : memref<625x128xf32, #tpu.memory_space<hbm>>) dst(%dma_wait3A_27 : memref<625x128xf32, #tpu.memory_space<vmem_shared>>)
      tpu.yield
    }) : () -> ()
    "tpu.region"() ({
      %run_scoped3A = tpu.sem_alloc : memref<!tpu.dma_semaphore, #tpu.memory_space<semaphore_mem>>
      %dma_start3A_25 = arith.constant 0 : i32
      %dma_start3A_26 = arith.constant 0 : i32
      %dma_start3A_27 = tpu.memref_slice %arg3[%add3A, %dma_start3A_25, %dma_start3A_26] : memref<32x20x125xi32, #tpu.memory_space<hbm>> -> memref<1x20x125xi32, #tpu.memory_space<hbm>>
      %dma_start3A_28 = tpu.memref_squeeze %dma_start3A_27 : memref<1x20x125xi32, #tpu.memory_space<hbm>> -> memref<20x125xi32, #tpu.memory_space<hbm>>
      %dma_start3A_29 = arith.constant 0 : i32
      %dma_start3A_30 = arith.constant 0 : i32
      %dma_start3A_31 = tpu.memref_slice %arg3[%add3A, %dma_start3A_29, %dma_start3A_30] : memref<32x20x125xi32, #tpu.memory_space<hbm>> -> memref<1x20x125xi32, #tpu.memory_space<hbm>>
      %dma_start3A_32 = tpu.memref_squeeze %dma_start3A_31 : memref<1x20x125xi32, #tpu.memory_space<hbm>> -> memref<20x125xi32, #tpu.memory_space<hbm>>
      tpu.enqueue_dma source(%dma_start3A_32 : memref<20x125xi32, #tpu.memory_space<hbm>>) target(%arg6 : memref<20x125xi32, #tpu.memory_space<vmem>>) target_semaphore(%run_scoped3A : memref<!tpu.dma_semaphore, #tpu.memory_space<semaphore_mem>>)
      %dma_wait3A = arith.constant 0 : i32
      %dma_wait3A_33 = arith.constant 0 : i32
      %dma_wait3A_34 = tpu.memref_slice %arg3[%add3A, %dma_wait3A, %dma_wait3A_33] : memref<32x20x125xi32, #tpu.memory_space<hbm>> -> memref<1x20x125xi32, #tpu.memory_space<hbm>>
      %dma_wait3A_35 = tpu.memref_squeeze %dma_wait3A_34 : memref<1x20x125xi32, #tpu.memory_space<hbm>> -> memref<20x125xi32, #tpu.memory_space<hbm>>
      %dma_wait3A_36 = arith.constant 0 : i32
      %dma_wait3A_37 = arith.constant 0 : i32
      %dma_wait3A_38 = tpu.memref_slice %arg3[%add3A, %dma_wait3A_36, %dma_wait3A_37] : memref<32x20x125xi32, #tpu.memory_space<hbm>> -> memref<1x20x125xi32, #tpu.memory_space<hbm>>
      %dma_wait3A_39 = tpu.memref_squeeze %dma_wait3A_38 : memref<1x20x125xi32, #tpu.memory_space<hbm>> -> memref<20x125xi32, #tpu.memory_space<hbm>>
      tpu.wait_dma2 semaphore(%run_scoped3A : memref<!tpu.dma_semaphore, #tpu.memory_space<semaphore_mem>>) src(%dma_wait3A_39 : memref<20x125xi32, #tpu.memory_space<hbm>>) dst(%arg6 : memref<20x125xi32, #tpu.memory_space<vmem>>)
      tpu.yield
    }) : () -> ()
    %barrier3A = arith.constant 0 : index
    tpu.barrier barrier_id(%barrier3A)
    %add3A_5 = arith.constant 0 : i32
    %add3A_6 = arith.addi %mul3A_2, %add3A_5 : i32
    %dma_start3A = arith.constant 0 : i32
    %dma_start3A_7 = tpu.memref_slice %arg2[%add3A_6, %dma_start3A] : memref<80000x128xf32, #tpu.memory_space<hbm>> -> memref<125x128xf32, #tpu.memory_space<hbm>>
    %dma_start3A_8 = arith.constant 0 : i32
    %dma_start3A_9 = tpu.memref_slice %arg2[%add3A_6, %dma_start3A_8] : memref<80000x128xf32, #tpu.memory_space<hbm>> -> memref<125x128xf32, #tpu.memory_space<hbm>>
    tpu.enqueue_dma source(%dma_start3A_9 : memref<125x128xf32, #tpu.memory_space<hbm>>) target(%arg7 : memref<125x128xf32, #tpu.memory_space<vmem>>) target_semaphore(%arg10 : memref<!tpu.dma_semaphore, #tpu.memory_space<semaphore_mem>>)
    %add3A_10 = arith.constant 125 : i32
    %add3A_11 = arith.addi %mul3A_2, %add3A_10 : i32
    %dma_start3A_12 = arith.constant 0 : i32
    %dma_start3A_13 = tpu.memref_slice %arg2[%add3A_11, %dma_start3A_12] : memref<80000x128xf32, #tpu.memory_space<hbm>> -> memref<125x128xf32, #tpu.memory_space<hbm>>
    %dma_start3A_14 = arith.constant 0 : i32
    %dma_start3A_15 = tpu.memref_slice %arg2[%add3A_11, %dma_start3A_14] : memref<80000x128xf32, #tpu.memory_space<hbm>> -> memref<125x128xf32, #tpu.memory_space<hbm>>
    tpu.enqueue_dma source(%dma_start3A_15 : memref<125x128xf32, #tpu.memory_space<hbm>>) target(%arg8 : memref<125x128xf32, #tpu.memory_space<vmem>>) target_semaphore(%arg11 : memref<!tpu.dma_semaphore, #tpu.memory_space<semaphore_mem>>)
    %scan3A = arith.constant 0 : i32
    %scan3A_16 = arith.constant 10 : i32
    %scan3A_17 = arith.addi %scan3A, %scan3A_16 : i32
    %scan3A_18 = arith.constant 1 : i32
    scf.for %scan3A_25 = %scan3A to %scan3A_17 step %scan3A_18  : i32 {
      %mul3A_26 = arith.constant 2 : i32
      %mul3A_27 = arith.muli %scan3A_25, %mul3A_26 : i32
      %add3A_28 = arith.constant 0 : i32
      %add3A_29 = arith.addi %add3A_28, %mul3A_27 : i32
      %add3A_30 = arith.constant 0 : i32
      %add3A_31 = arith.addi %add3A_29, %add3A_30 : i32
      %mul3A_32 = arith.constant 125 : i32
      %mul3A_33 = arith.muli %add3A_31, %mul3A_32 : i32
      %add3A_34 = arith.addi %mul3A_2, %mul3A_33 : i32
      %dma_wait3A = arith.constant 0 : i32
      %dma_wait3A_35 = tpu.memref_slice %arg2[%add3A_34, %dma_wait3A] : memref<80000x128xf32, #tpu.memory_space<hbm>> -> memref<125x128xf32, #tpu.memory_space<hbm>>
      %dma_wait3A_36 = arith.constant 0 : i32
      %dma_wait3A_37 = tpu.memref_slice %arg2[%add3A_34, %dma_wait3A_36] : memref<80000x128xf32, #tpu.memory_space<hbm>> -> memref<125x128xf32, #tpu.memory_space<hbm>>
      tpu.wait_dma2 semaphore(%arg10 : memref<!tpu.dma_semaphore, #tpu.memory_space<semaphore_mem>>) src(%dma_wait3A_37 : memref<125x128xf32, #tpu.memory_space<hbm>>) dst(%arg7 : memref<125x128xf32, #tpu.memory_space<vmem>>)
      "tpu.region"() ({
        %run_scoped3A = tpu.sem_alloc : memref<!tpu.dma_semaphore, #tpu.memory_space<semaphore_mem>>
        %dma_start3A_58 = arith.constant 0 : i32
        %dma_start3A_59 = tpu.memref_slice %arg6[%add3A_31, %dma_start3A_58] : memref<20x125xi32, #tpu.memory_space<vmem>> -> memref<1x125xi32, #tpu.memory_space<vmem>>
        %dma_start3A_60 = tpu.memref_squeeze %dma_start3A_59 : memref<1x125xi32, #tpu.memory_space<vmem>> -> memref<125xi32, #tpu.memory_space<vmem>>
        %dma_start3A_61 = arith.constant 0 : i32
        %dma_start3A_62 = arith.constant 0 : i32
        %dma_start3A_63 = tpu.memref_slice %arg9[%dma_start3A_61, %dma_start3A_62] : memref<10000x128xf32, #tpu.memory_space<vmem_shared>> -> memref<10000x128xf32, #tpu.memory_space<vmem_shared>>
        tpu.enqueue_indirect_dma source(%arg7 : memref<125x128xf32, #tpu.memory_space<vmem>>) target(%dma_start3A_63 : memref<10000x128xf32, #tpu.memory_space<vmem_shared>>) offsets(%dma_start3A_60 : memref<125xi32, #tpu.memory_space<vmem>>) semaphore(%run_scoped3A : memref<!tpu.dma_semaphore, #tpu.memory_space<semaphore_mem>>) {add = true}
        %dma_wait3A_64 = arith.constant 0 : i32
        %dma_wait3A_65 = tpu.memref_slice %arg6[%add3A_31, %dma_wait3A_64] : memref<20x125xi32, #tpu.memory_space<vmem>> -> memref<1x125xi32, #tpu.memory_space<vmem>>
        %dma_wait3A_66 = tpu.memref_squeeze %dma_wait3A_65 : memref<1x125xi32, #tpu.memory_space<vmem>> -> memref<125xi32, #tpu.memory_space<vmem>>
        %dma_wait3A_67 = arith.constant 0 : i32
        %dma_wait3A_68 = arith.constant 0 : i32
        %dma_wait3A_69 = tpu.memref_slice %arg9[%dma_wait3A_67, %dma_wait3A_68] : memref<10000x128xf32, #tpu.memory_space<vmem_shared>> -> memref<10000x128xf32, #tpu.memory_space<vmem_shared>>
        tpu.wait_indirect_dma semaphore(%run_scoped3A : memref<!tpu.dma_semaphore, #tpu.memory_space<semaphore_mem>>) src(%arg7 : memref<125x128xf32, #tpu.memory_space<vmem>>) dst(%dma_wait3A_69 : memref<10000x128xf32, #tpu.memory_space<vmem_shared>>)
        tpu.yield
      }) : () -> ()
      %add3A_38 = arith.constant 2 : i32
      %add3A_39 = arith.addi %add3A_31, %add3A_38 : i32
      %lt3A = arith.constant 20 : i32
      %lt3A_40 = arith.cmpi slt, %add3A_39, %lt3A : i32
      %convert_element_type3A = arith.extui %lt3A_40 : i1 to i32
      %cond3A = arith.constant 0 : i32
      %cond3A_41 = arith.cmpi ne, %convert_element_type3A, %cond3A : i32
      scf.if %cond3A_41 {
        %mul3A_58 = arith.constant 125 : i32
        %mul3A_59 = arith.muli %add3A_39, %mul3A_58 : i32
        %add3A_60 = arith.addi %mul3A_2, %mul3A_59 : i32
        %dma_start3A_61 = arith.constant 0 : i32
        %dma_start3A_62 = tpu.memref_slice %arg2[%add3A_60, %dma_start3A_61] : memref<80000x128xf32, #tpu.memory_space<hbm>> -> memref<125x128xf32, #tpu.memory_space<hbm>>
        %dma_start3A_63 = arith.constant 0 : i32
        %dma_start3A_64 = tpu.memref_slice %arg2[%add3A_60, %dma_start3A_63] : memref<80000x128xf32, #tpu.memory_space<hbm>> -> memref<125x128xf32, #tpu.memory_space<hbm>>
        tpu.enqueue_dma source(%dma_start3A_64 : memref<125x128xf32, #tpu.memory_space<hbm>>) target(%arg7 : memref<125x128xf32, #tpu.memory_space<vmem>>) target_semaphore(%arg10 : memref<!tpu.dma_semaphore, #tpu.memory_space<semaphore_mem>>)
      } else {
      }
      %add3A_42 = arith.constant 1 : i32
      %add3A_43 = arith.addi %add3A_29, %add3A_42 : i32
      %mul3A_44 = arith.constant 125 : i32
      %mul3A_45 = arith.muli %add3A_43, %mul3A_44 : i32
      %add3A_46 = arith.addi %mul3A_2, %mul3A_45 : i32
      %dma_wait3A_47 = arith.constant 0 : i32
      %dma_wait3A_48 = tpu.memref_slice %arg2[%add3A_46, %dma_wait3A_47] : memref<80000x128xf32, #tpu.memory_space<hbm>> -> memref<125x128xf32, #tpu.memory_space<hbm>>
      %dma_wait3A_49 = arith.constant 0 : i32
      %dma_wait3A_50 = tpu.memref_slice %arg2[%add3A_46, %dma_wait3A_49] : memref<80000x128xf32, #tpu.memory_space<hbm>> -> memref<125x128xf32, #tpu.memory_space<hbm>>
      tpu.wait_dma2 semaphore(%arg11 : memref<!tpu.dma_semaphore, #tpu.memory_space<semaphore_mem>>) src(%dma_wait3A_50 : memref<125x128xf32, #tpu.memory_space<hbm>>) dst(%arg8 : memref<125x128xf32, #tpu.memory_space<vmem>>)
      "tpu.region"() ({
        %run_scoped3A = tpu.sem_alloc : memref<!tpu.dma_semaphore, #tpu.memory_space<semaphore_mem>>
        %dma_start3A_58 = arith.constant 0 : i32
        %dma_start3A_59 = tpu.memref_slice %arg6[%add3A_43, %dma_start3A_58] : memref<20x125xi32, #tpu.memory_space<vmem>> -> memref<1x125xi32, #tpu.memory_space<vmem>>
        %dma_start3A_60 = tpu.memref_squeeze %dma_start3A_59 : memref<1x125xi32, #tpu.memory_space<vmem>> -> memref<125xi32, #tpu.memory_space<vmem>>
        %dma_start3A_61 = arith.constant 0 : i32
        %dma_start3A_62 = arith.constant 0 : i32
        %dma_start3A_63 = tpu.memref_slice %arg9[%dma_start3A_61, %dma_start3A_62] : memref<10000x128xf32, #tpu.memory_space<vmem_shared>> -> memref<10000x128xf32, #tpu.memory_space<vmem_shared>>
        tpu.enqueue_indirect_dma source(%arg8 : memref<125x128xf32, #tpu.memory_space<vmem>>) target(%dma_start3A_63 : memref<10000x128xf32, #tpu.memory_space<vmem_shared>>) offsets(%dma_start3A_60 : memref<125xi32, #tpu.memory_space<vmem>>) semaphore(%run_scoped3A : memref<!tpu.dma_semaphore, #tpu.memory_space<semaphore_mem>>) {add = true}
        %dma_wait3A_64 = arith.constant 0 : i32
        %dma_wait3A_65 = tpu.memref_slice %arg6[%add3A_43, %dma_wait3A_64] : memref<20x125xi32, #tpu.memory_space<vmem>> -> memref<1x125xi32, #tpu.memory_space<vmem>>
        %dma_wait3A_66 = tpu.memref_squeeze %dma_wait3A_65 : memref<1x125xi32, #tpu.memory_space<vmem>> -> memref<125xi32, #tpu.memory_space<vmem>>
        %dma_wait3A_67 = arith.constant 0 : i32
        %dma_wait3A_68 = arith.constant 0 : i32
        %dma_wait3A_69 = tpu.memref_slice %arg9[%dma_wait3A_67, %dma_wait3A_68] : memref<10000x128xf32, #tpu.memory_space<vmem_shared>> -> memref<10000x128xf32, #tpu.memory_space<vmem_shared>>
        tpu.wait_indirect_dma semaphore(%run_scoped3A : memref<!tpu.dma_semaphore, #tpu.memory_space<semaphore_mem>>) src(%arg8 : memref<125x128xf32, #tpu.memory_space<vmem>>) dst(%dma_wait3A_69 : memref<10000x128xf32, #tpu.memory_space<vmem_shared>>)
        tpu.yield
      }) : () -> ()
      %add3A_51 = arith.constant 2 : i32
      %add3A_52 = arith.addi %add3A_43, %add3A_51 : i32
      %lt3A_53 = arith.constant 20 : i32
      %lt3A_54 = arith.cmpi slt, %add3A_52, %lt3A_53 : i32
      %convert_element_type3A_55 = arith.extui %lt3A_54 : i1 to i32
      %cond3A_56 = arith.constant 0 : i32
      %cond3A_57 = arith.cmpi ne, %convert_element_type3A_55, %cond3A_56 : i32
      scf.if %cond3A_57 {
        %mul3A_58 = arith.constant 125 : i32
        %mul3A_59 = arith.muli %add3A_52, %mul3A_58 : i32
        %add3A_60 = arith.addi %mul3A_2, %mul3A_59 : i32
        %dma_start3A_61 = arith.constant 0 : i32
        %dma_start3A_62 = tpu.memref_slice %arg2[%add3A_60, %dma_start3A_61] : memref<80000x128xf32, #tpu.memory_space<hbm>> -> memref<125x128xf32, #tpu.memory_space<hbm>>
        %dma_start3A_63 = arith.constant 0 : i32
        %dma_start3A_64 = tpu.memref_slice %arg2[%add3A_60, %dma_start3A_63] : memref<80000x128xf32, #tpu.memory_space<hbm>> -> memref<125x128xf32, #tpu.memory_space<hbm>>
        tpu.enqueue_dma source(%dma_start3A_64 : memref<125x128xf32, #tpu.memory_space<hbm>>) target(%arg8 : memref<125x128xf32, #tpu.memory_space<vmem>>) target_semaphore(%arg11 : memref<!tpu.dma_semaphore, #tpu.memory_space<semaphore_mem>>)
      } else {
      }
    }
    %scan3A_19 = arith.constant 10 : i32
    %barrier3A_20 = arith.constant 0 : index
    tpu.barrier barrier_id(%barrier3A_20)
    %mul3A_21 = arith.constant 625 : i32
    %mul3A_22 = arith.muli %arg1, %mul3A_21 : i32
    %mul3A_23 = arith.constant 625 : i32
    %mul3A_24 = arith.muli %arg1, %mul3A_23 : i32
    "tpu.region"() ({
      %run_scoped3A = tpu.sem_alloc : memref<!tpu.dma_semaphore, #tpu.memory_space<semaphore_mem>>
      %dma_start3A_25 = arith.constant 0 : i32
      %dma_start3A_26 = tpu.memref_slice %arg5[%arg0, %mul3A_24, %dma_start3A_25] : memref<2x10000x128xf32, #tpu.memory_space<hbm>> -> memref<1x625x128xf32, #tpu.memory_space<hbm>>
      %dma_start3A_27 = tpu.memref_squeeze %dma_start3A_26 : memref<1x625x128xf32, #tpu.memory_space<hbm>> -> memref<625x128xf32, #tpu.memory_space<hbm>>
      %dma_start3A_28 = arith.constant 0 : i32
      %dma_start3A_29 = tpu.memref_slice %arg9[%mul3A_22, %dma_start3A_28] : memref<10000x128xf32, #tpu.memory_space<vmem_shared>> -> memref<625x128xf32, #tpu.memory_space<vmem_shared>>
      tpu.enqueue_dma source(%dma_start3A_29 : memref<625x128xf32, #tpu.memory_space<vmem_shared>>) target(%dma_start3A_27 : memref<625x128xf32, #tpu.memory_space<hbm>>) target_semaphore(%run_scoped3A : memref<!tpu.dma_semaphore, #tpu.memory_space<semaphore_mem>>)
      %dma_wait3A = arith.constant 0 : i32
      %dma_wait3A_30 = tpu.memref_slice %arg5[%arg0, %mul3A_24, %dma_wait3A] : memref<2x10000x128xf32, #tpu.memory_space<hbm>> -> memref<1x625x128xf32, #tpu.memory_space<hbm>>
      %dma_wait3A_31 = tpu.memref_squeeze %dma_wait3A_30 : memref<1x625x128xf32, #tpu.memory_space<hbm>> -> memref<625x128xf32, #tpu.memory_space<hbm>>
      %dma_wait3A_32 = arith.constant 0 : i32
      %dma_wait3A_33 = tpu.memref_slice %arg9[%mul3A_22, %dma_wait3A_32] : memref<10000x128xf32, #tpu.memory_space<vmem_shared>> -> memref<625x128xf32, #tpu.memory_space<vmem_shared>>
      tpu.wait_dma2 semaphore(%run_scoped3A : memref<!tpu.dma_semaphore, #tpu.memory_space<semaphore_mem>>) src(%dma_wait3A_33 : memref<625x128xf32, #tpu.memory_space<vmem_shared>>) dst(%dma_wait3A_31 : memref<625x128xf32, #tpu.memory_space<hbm>>)
      tpu.yield
    }) : () -> ()
    return
  }
}

#map = affine_map<(d0, d1) -> (0, 0)>
#map1 = affine_map<(d0, d1) -> (0, 0, 0)>
module attributes {stable_mosaic.version = 14 : i64} {
  func.func @_sc_body(%arg0: i32, %arg1: i32, %arg2: memref<80000x128xf32, #tpu.memory_space<hbm>>, %arg3: memref<32x20x125xi32, #tpu.memory_space<hbm>>, %arg4: memref<625x128xf32, #tpu.memory_space<hbm>>, %arg5: memref<2x10000x128xf32, #tpu.memory_space<hbm>>, %arg6: memref<20x125xi32, #tpu.memory_space<vmem>>, %arg7: memref<125x128xf32, #tpu.memory_space<vmem>>, %arg8: memref<125x128xf32, #tpu.memory_space<vmem>>, %arg9: memref<10000x128xf32, #tpu.memory_space<vmem_shared>>, %arg10: memref<!tpu.dma_semaphore, #tpu.memory_space<semaphore_mem>>, %arg11: memref<!tpu.dma_semaphore, #tpu.memory_space<semaphore_mem>>) attributes {dimension_semantics = [#tpu.dimension_semantics<core_parallel>, #tpu.dimension_semantics<subcore_parallel>], iteration_bounds = array<i64: 2, 16>, scalar_prefetch = 0 : i64, scratch_operands = 6 : i64, tpu.core_type = #tpu.core_type<sc_vector_subcore>, window_params = [{transform_indices = #map}, {transform_indices = #map1}, {transform_indices = #map}, {transform_indices = #map1}]} {
    %mul3A = arith.constant 2 : i32
    %mul3A_0 = arith.muli %arg1, %mul3A : i32
    %add3A = arith.addi %mul3A_0, %arg0 : i32
    %mul3A_1 = arith.constant 2500 : i32
    %mul3A_2 = arith.muli %add3A, %mul3A_1 : i32
    %mul3A_3 = arith.constant 625 : i32
    %mul3A_4 = arith.muli %arg1, %mul3A_3 : i32
    "tpu.region"() ({
      %run_scoped3A = tpu.sem_alloc : memref<!tpu.dma_semaphore, #tpu.memory_space<semaphore_mem>>
      %dma_start3A_25 = arith.constant 0 : i32
      %dma_start3A_26 = tpu.memref_slice %arg9[%mul3A_4, %dma_start3A_25] : memref<10000x128xf32, #tpu.memory_space<vmem_shared>> -> memref<625x128xf32, #tpu.memory_space<vmem_shared>>
      tpu.enqueue_dma source(%arg4 : memref<625x128xf32, #tpu.memory_space<hbm>>) target(%dma_start3A_26 : memref<625x128xf32, #tpu.memory_space<vmem_shared>>) target_semaphore(%run_scoped3A : memref<!tpu.dma_semaphore, #tpu.memory_space<semaphore_mem>>)
      %dma_wait3A = arith.constant 0 : i32
      %dma_wait3A_27 = tpu.memref_slice %arg9[%mul3A_4, %dma_wait3A] : memref<10000x128xf32, #tpu.memory_space<vmem_shared>> -> memref<625x128xf32, #tpu.memory_space<vmem_shared>>
      tpu.wait_dma2 semaphore(%run_scoped3A : memref<!tpu.dma_semaphore, #tpu.memory_space<semaphore_mem>>) src(%arg4 : memref<625x128xf32, #tpu.memory_space<hbm>>) dst(%dma_wait3A_27 : memref<625x128xf32, #tpu.memory_space<vmem_shared>>)
      tpu.yield
    }) : () -> ()
    "tpu.region"() ({
      %run_scoped3A = tpu.sem_alloc : memref<!tpu.dma_semaphore, #tpu.memory_space<semaphore_mem>>
      %dma_start3A_25 = arith.constant 0 : i32
      %dma_start3A_26 = arith.constant 0 : i32
      %dma_start3A_27 = tpu.memref_slice %arg3[%add3A, %dma_start3A_25, %dma_start3A_26] : memref<32x20x125xi32, #tpu.memory_space<hbm>> -> memref<1x20x125xi32, #tpu.memory_space<hbm>>
      %dma_start3A_28 = tpu.memref_squeeze %dma_start3A_27 : memref<1x20x125xi32, #tpu.memory_space<hbm>> -> memref<20x125xi32, #tpu.memory_space<hbm>>
      %dma_start3A_29 = arith.constant 0 : i32
      %dma_start3A_30 = arith.constant 0 : i32
      %dma_start3A_31 = tpu.memref_slice %arg3[%add3A, %dma_start3A_29, %dma_start3A_30] : memref<32x20x125xi32, #tpu.memory_space<hbm>> -> memref<1x20x125xi32, #tpu.memory_space<hbm>>
      %dma_start3A_32 = tpu.memref_squeeze %dma_start3A_31 : memref<1x20x125xi32, #tpu.memory_space<hbm>> -> memref<20x125xi32, #tpu.memory_space<hbm>>
      tpu.enqueue_dma source(%dma_start3A_32 : memref<20x125xi32, #tpu.memory_space<hbm>>) target(%arg6 : memref<20x125xi32, #tpu.memory_space<vmem>>) target_semaphore(%run_scoped3A : memref<!tpu.dma_semaphore, #tpu.memory_space<semaphore_mem>>)
      %dma_wait3A = arith.constant 0 : i32
      %dma_wait3A_33 = arith.constant 0 : i32
      %dma_wait3A_34 = tpu.memref_slice %arg3[%add3A, %dma_wait3A, %dma_wait3A_33] : memref<32x20x125xi32, #tpu.memory_space<hbm>> -> memref<1x20x125xi32, #tpu.memory_space<hbm>>
      %dma_wait3A_35 = tpu.memref_squeeze %dma_wait3A_34 : memref<1x20x125xi32, #tpu.memory_space<hbm>> -> memref<20x125xi32, #tpu.memory_space<hbm>>
      %dma_wait3A_36 = arith.constant 0 : i32
      %dma_wait3A_37 = arith.constant 0 : i32
      %dma_wait3A_38 = tpu.memref_slice %arg3[%add3A, %dma_wait3A_36, %dma_wait3A_37] : memref<32x20x125xi32, #tpu.memory_space<hbm>> -> memref<1x20x125xi32, #tpu.memory_space<hbm>>
      %dma_wait3A_39 = tpu.memref_squeeze %dma_wait3A_38 : memref<1x20x125xi32, #tpu.memory_space<hbm>> -> memref<20x125xi32, #tpu.memory_space<hbm>>
      tpu.wait_dma2 semaphore(%run_scoped3A : memref<!tpu.dma_semaphore, #tpu.memory_space<semaphore_mem>>) src(%dma_wait3A_39 : memref<20x125xi32, #tpu.memory_space<hbm>>) dst(%arg6 : memref<20x125xi32, #tpu.memory_space<vmem>>)
      tpu.yield
    }) : () -> ()
    %barrier3A = arith.constant 0 : index
    tpu.barrier barrier_id(%barrier3A)
    %add3A_5 = arith.constant 0 : i32
    %add3A_6 = arith.addi %mul3A_2, %add3A_5 : i32
    %dma_start3A = arith.constant 0 : i32
    %dma_start3A_7 = tpu.memref_slice %arg2[%add3A_6, %dma_start3A] : memref<80000x128xf32, #tpu.memory_space<hbm>> -> memref<125x128xf32, #tpu.memory_space<hbm>>
    %dma_start3A_8 = arith.constant 0 : i32
    %dma_start3A_9 = tpu.memref_slice %arg2[%add3A_6, %dma_start3A_8] : memref<80000x128xf32, #tpu.memory_space<hbm>> -> memref<125x128xf32, #tpu.memory_space<hbm>>
    tpu.enqueue_dma source(%dma_start3A_9 : memref<125x128xf32, #tpu.memory_space<hbm>>) target(%arg7 : memref<125x128xf32, #tpu.memory_space<vmem>>) target_semaphore(%arg10 : memref<!tpu.dma_semaphore, #tpu.memory_space<semaphore_mem>>)
    %add3A_10 = arith.constant 125 : i32
    %add3A_11 = arith.addi %mul3A_2, %add3A_10 : i32
    %dma_start3A_12 = arith.constant 0 : i32
    %dma_start3A_13 = tpu.memref_slice %arg2[%add3A_11, %dma_start3A_12] : memref<80000x128xf32, #tpu.memory_space<hbm>> -> memref<125x128xf32, #tpu.memory_space<hbm>>
    %dma_start3A_14 = arith.constant 0 : i32
    %dma_start3A_15 = tpu.memref_slice %arg2[%add3A_11, %dma_start3A_14] : memref<80000x128xf32, #tpu.memory_space<hbm>> -> memref<125x128xf32, #tpu.memory_space<hbm>>
    tpu.enqueue_dma source(%dma_start3A_15 : memref<125x128xf32, #tpu.memory_space<hbm>>) target(%arg8 : memref<125x128xf32, #tpu.memory_space<vmem>>) target_semaphore(%arg11 : memref<!tpu.dma_semaphore, #tpu.memory_space<semaphore_mem>>)
    %scan3A = arith.constant 0 : i32
    %scan3A_16 = arith.constant 10 : i32
    %scan3A_17 = arith.addi %scan3A, %scan3A_16 : i32
    %scan3A_18 = arith.constant 1 : i32
    scf.for %scan3A_25 = %scan3A to %scan3A_17 step %scan3A_18  : i32 {
      %mul3A_26 = arith.constant 2 : i32
      %mul3A_27 = arith.muli %scan3A_25, %mul3A_26 : i32
      %add3A_28 = arith.constant 0 : i32
      %add3A_29 = arith.addi %add3A_28, %mul3A_27 : i32
      %add3A_30 = arith.constant 0 : i32
      %add3A_31 = arith.addi %add3A_29, %add3A_30 : i32
      %mul3A_32 = arith.constant 125 : i32
      %mul3A_33 = arith.muli %add3A_31, %mul3A_32 : i32
      %add3A_34 = arith.addi %mul3A_2, %mul3A_33 : i32
      %dma_wait3A = arith.constant 0 : i32
      %dma_wait3A_35 = tpu.memref_slice %arg2[%add3A_34, %dma_wait3A] : memref<80000x128xf32, #tpu.memory_space<hbm>> -> memref<125x128xf32, #tpu.memory_space<hbm>>
      %dma_wait3A_36 = arith.constant 0 : i32
      %dma_wait3A_37 = tpu.memref_slice %arg2[%add3A_34, %dma_wait3A_36] : memref<80000x128xf32, #tpu.memory_space<hbm>> -> memref<125x128xf32, #tpu.memory_space<hbm>>
      tpu.wait_dma2 semaphore(%arg10 : memref<!tpu.dma_semaphore, #tpu.memory_space<semaphore_mem>>) src(%dma_wait3A_37 : memref<125x128xf32, #tpu.memory_space<hbm>>) dst(%arg7 : memref<125x128xf32, #tpu.memory_space<vmem>>)
      "tpu.region"() ({
        %run_scoped3A = tpu.sem_alloc : memref<!tpu.dma_semaphore, #tpu.memory_space<semaphore_mem>>
        %dma_start3A_58 = arith.constant 0 : i32
        %dma_start3A_59 = tpu.memref_slice %arg6[%add3A_31, %dma_start3A_58] : memref<20x125xi32, #tpu.memory_space<vmem>> -> memref<1x125xi32, #tpu.memory_space<vmem>>
        %dma_start3A_60 = tpu.memref_squeeze %dma_start3A_59 : memref<1x125xi32, #tpu.memory_space<vmem>> -> memref<125xi32, #tpu.memory_space<vmem>>
        %dma_start3A_61 = arith.constant 0 : i32
        %dma_start3A_62 = arith.constant 0 : i32
        %dma_start3A_63 = tpu.memref_slice %arg9[%dma_start3A_61, %dma_start3A_62] : memref<10000x128xf32, #tpu.memory_space<vmem_shared>> -> memref<10000x128xf32, #tpu.memory_space<vmem_shared>>
        tpu.enqueue_indirect_dma source(%arg7 : memref<125x128xf32, #tpu.memory_space<vmem>>) target(%dma_start3A_63 : memref<10000x128xf32, #tpu.memory_space<vmem_shared>>) offsets(%dma_start3A_60 : memref<125xi32, #tpu.memory_space<vmem>>) semaphore(%run_scoped3A : memref<!tpu.dma_semaphore, #tpu.memory_space<semaphore_mem>>) {add = true}
        %dma_wait3A_64 = arith.constant 0 : i32
        %dma_wait3A_65 = tpu.memref_slice %arg6[%add3A_31, %dma_wait3A_64] : memref<20x125xi32, #tpu.memory_space<vmem>> -> memref<1x125xi32, #tpu.memory_space<vmem>>
        %dma_wait3A_66 = tpu.memref_squeeze %dma_wait3A_65 : memref<1x125xi32, #tpu.memory_space<vmem>> -> memref<125xi32, #tpu.memory_space<vmem>>
        %dma_wait3A_67 = arith.constant 0 : i32
        %dma_wait3A_68 = arith.constant 0 : i32
        %dma_wait3A_69 = tpu.memref_slice %arg9[%dma_wait3A_67, %dma_wait3A_68] : memref<10000x128xf32, #tpu.memory_space<vmem_shared>> -> memref<10000x128xf32, #tpu.memory_space<vmem_shared>>
        tpu.wait_indirect_dma semaphore(%run_scoped3A : memref<!tpu.dma_semaphore, #tpu.memory_space<semaphore_mem>>) src(%arg7 : memref<125x128xf32, #tpu.memory_space<vmem>>) dst(%dma_wait3A_69 : memref<10000x128xf32, #tpu.memory_space<vmem_shared>>)
        tpu.yield
      }) : () -> ()
      %add3A_38 = arith.constant 2 : i32
      %add3A_39 = arith.addi %add3A_31, %add3A_38 : i32
      %lt3A = arith.constant 20 : i32
      %lt3A_40 = arith.cmpi slt, %add3A_39, %lt3A : i32
      %convert_element_type3A = arith.extui %lt3A_40 : i1 to i32
      %cond3A = arith.constant 0 : i32
      %cond3A_41 = arith.cmpi ne, %convert_element_type3A, %cond3A : i32
      scf.if %cond3A_41 {
        %mul3A_58 = arith.constant 125 : i32
        %mul3A_59 = arith.muli %add3A_39, %mul3A_58 : i32
        %add3A_60 = arith.addi %mul3A_2, %mul3A_59 : i32
        %dma_start3A_61 = arith.constant 0 : i32
        %dma_start3A_62 = tpu.memref_slice %arg2[%add3A_60, %dma_start3A_61] : memref<80000x128xf32, #tpu.memory_space<hbm>> -> memref<125x128xf32, #tpu.memory_space<hbm>>
        %dma_start3A_63 = arith.constant 0 : i32
        %dma_start3A_64 = tpu.memref_slice %arg2[%add3A_60, %dma_start3A_63] : memref<80000x128xf32, #tpu.memory_space<hbm>> -> memref<125x128xf32, #tpu.memory_space<hbm>>
        tpu.enqueue_dma source(%dma_start3A_64 : memref<125x128xf32, #tpu.memory_space<hbm>>) target(%arg7 : memref<125x128xf32, #tpu.memory_space<vmem>>) target_semaphore(%arg10 : memref<!tpu.dma_semaphore, #tpu.memory_space<semaphore_mem>>)
      } else {
      }
      %add3A_42 = arith.constant 1 : i32
      %add3A_43 = arith.addi %add3A_29, %add3A_42 : i32
      %mul3A_44 = arith.constant 125 : i32
      %mul3A_45 = arith.muli %add3A_43, %mul3A_44 : i32
      %add3A_46 = arith.addi %mul3A_2, %mul3A_45 : i32
      %dma_wait3A_47 = arith.constant 0 : i32
      %dma_wait3A_48 = tpu.memref_slice %arg2[%add3A_46, %dma_wait3A_47] : memref<80000x128xf32, #tpu.memory_space<hbm>> -> memref<125x128xf32, #tpu.memory_space<hbm>>
      %dma_wait3A_49 = arith.constant 0 : i32
      %dma_wait3A_50 = tpu.memref_slice %arg2[%add3A_46, %dma_wait3A_49] : memref<80000x128xf32, #tpu.memory_space<hbm>> -> memref<125x128xf32, #tpu.memory_space<hbm>>
      tpu.wait_dma2 semaphore(%arg11 : memref<!tpu.dma_semaphore, #tpu.memory_space<semaphore_mem>>) src(%dma_wait3A_50 : memref<125x128xf32, #tpu.memory_space<hbm>>) dst(%arg8 : memref<125x128xf32, #tpu.memory_space<vmem>>)
      "tpu.region"() ({
        %run_scoped3A = tpu.sem_alloc : memref<!tpu.dma_semaphore, #tpu.memory_space<semaphore_mem>>
        %dma_start3A_58 = arith.constant 0 : i32
        %dma_start3A_59 = tpu.memref_slice %arg6[%add3A_43, %dma_start3A_58] : memref<20x125xi32, #tpu.memory_space<vmem>> -> memref<1x125xi32, #tpu.memory_space<vmem>>
        %dma_start3A_60 = tpu.memref_squeeze %dma_start3A_59 : memref<1x125xi32, #tpu.memory_space<vmem>> -> memref<125xi32, #tpu.memory_space<vmem>>
        %dma_start3A_61 = arith.constant 0 : i32
        %dma_start3A_62 = arith.constant 0 : i32
        %dma_start3A_63 = tpu.memref_slice %arg9[%dma_start3A_61, %dma_start3A_62] : memref<10000x128xf32, #tpu.memory_space<vmem_shared>> -> memref<10000x128xf32, #tpu.memory_space<vmem_shared>>
        tpu.enqueue_indirect_dma source(%arg8 : memref<125x128xf32, #tpu.memory_space<vmem>>) target(%dma_start3A_63 : memref<10000x128xf32, #tpu.memory_space<vmem_shared>>) offsets(%dma_start3A_60 : memref<125xi32, #tpu.memory_space<vmem>>) semaphore(%run_scoped3A : memref<!tpu.dma_semaphore, #tpu.memory_space<semaphore_mem>>) {add = true}
        %dma_wait3A_64 = arith.constant 0 : i32
        %dma_wait3A_65 = tpu.memref_slice %arg6[%add3A_43, %dma_wait3A_64] : memref<20x125xi32, #tpu.memory_space<vmem>> -> memref<1x125xi32, #tpu.memory_space<vmem>>
        %dma_wait3A_66 = tpu.memref_squeeze %dma_wait3A_65 : memref<1x125xi32, #tpu.memory_space<vmem>> -> memref<125xi32, #tpu.memory_space<vmem>>
        %dma_wait3A_67 = arith.constant 0 : i32
        %dma_wait3A_68 = arith.constant 0 : i32
        %dma_wait3A_69 = tpu.memref_slice %arg9[%dma_wait3A_67, %dma_wait3A_68] : memref<10000x128xf32, #tpu.memory_space<vmem_shared>> -> memref<10000x128xf32, #tpu.memory_space<vmem_shared>>
        tpu.wait_indirect_dma semaphore(%run_scoped3A : memref<!tpu.dma_semaphore, #tpu.memory_space<semaphore_mem>>) src(%arg8 : memref<125x128xf32, #tpu.memory_space<vmem>>) dst(%dma_wait3A_69 : memref<10000x128xf32, #tpu.memory_space<vmem_shared>>)
        tpu.yield
      }) : () -> ()
      %add3A_51 = arith.constant 2 : i32
      %add3A_52 = arith.addi %add3A_43, %add3A_51 : i32
      %lt3A_53 = arith.constant 20 : i32
      %lt3A_54 = arith.cmpi slt, %add3A_52, %lt3A_53 : i32
      %convert_element_type3A_55 = arith.extui %lt3A_54 : i1 to i32
      %cond3A_56 = arith.constant 0 : i32
      %cond3A_57 = arith.cmpi ne, %convert_element_type3A_55, %cond3A_56 : i32
      scf.if %cond3A_57 {
        %mul3A_58 = arith.constant 125 : i32
        %mul3A_59 = arith.muli %add3A_52, %mul3A_58 : i32
        %add3A_60 = arith.addi %mul3A_2, %mul3A_59 : i32
        %dma_start3A_61 = arith.constant 0 : i32
        %dma_start3A_62 = tpu.memref_slice %arg2[%add3A_60, %dma_start3A_61] : memref<80000x128xf32, #tpu.memory_space<hbm>> -> memref<125x128xf32, #tpu.memory_space<hbm>>
        %dma_start3A_63 = arith.constant 0 : i32
        %dma_start3A_64 = tpu.memref_slice %arg2[%add3A_60, %dma_start3A_63] : memref<80000x128xf32, #tpu.memory_space<hbm>> -> memref<125x128xf32, #tpu.memory_space<hbm>>
        tpu.enqueue_dma source(%dma_start3A_64 : memref<125x128xf32, #tpu.memory_space<hbm>>) target(%arg8 : memref<125x128xf32, #tpu.memory_space<vmem>>) target_semaphore(%arg11 : memref<!tpu.dma_semaphore, #tpu.memory_space<semaphore_mem>>)
      } else {
      }
    }
    %scan3A_19 = arith.constant 10 : i32
    %barrier3A_20 = arith.constant 0 : index
    tpu.barrier barrier_id(%barrier3A_20)
    %mul3A_21 = arith.constant 625 : i32
    %mul3A_22 = arith.muli %arg1, %mul3A_21 : i32
    %mul3A_23 = arith.constant 625 : i32
    %mul3A_24 = arith.muli %arg1, %mul3A_23 : i32
    "tpu.region"() ({
      %run_scoped3A = tpu.sem_alloc : memref<!tpu.dma_semaphore, #tpu.memory_space<semaphore_mem>>
      %dma_start3A_25 = arith.constant 0 : i32
      %dma_start3A_26 = tpu.memref_slice %arg5[%arg0, %mul3A_24, %dma_start3A_25] : memref<2x10000x128xf32, #tpu.memory_space<hbm>> -> memref<1x625x128xf32, #tpu.memory_space<hbm>>
      %dma_start3A_27 = tpu.memref_squeeze %dma_start3A_26 : memref<1x625x128xf32, #tpu.memory_space<hbm>> -> memref<625x128xf32, #tpu.memory_space<hbm>>
      %dma_start3A_28 = arith.constant 0 : i32
      %dma_start3A_29 = tpu.memref_slice %arg9[%mul3A_22, %dma_start3A_28] : memref<10000x128xf32, #tpu.memory_space<vmem_shared>> -> memref<625x128xf32, #tpu.memory_space<vmem_shared>>
      tpu.enqueue_dma source(%dma_start3A_29 : memref<625x128xf32, #tpu.memory_space<vmem_shared>>) target(%dma_start3A_27 : memref<625x128xf32, #tpu.memory_space<hbm>>) target_semaphore(%run_scoped3A : memref<!tpu.dma_semaphore, #tpu.memory_space<semaphore_mem>>)
      %dma_wait3A = arith.constant 0 : i32
      %dma_wait3A_30 = tpu.memref_slice %arg5[%arg0, %mul3A_24, %dma_wait3A] : memref<2x10000x128xf32, #tpu.memory_space<hbm>> -> memref<1x625x128xf32, #tpu.memory_space<hbm>>
      %dma_wait3A_31 = tpu.memref_squeeze %dma_wait3A_30 : memref<1x625x128xf32, #tpu.memory_space<hbm>> -> memref<625x128xf32, #tpu.memory_space<hbm>>
      %dma_wait3A_32 = arith.constant 0 : i32
      %dma_wait3A_33 = tpu.memref_slice %arg9[%mul3A_22, %dma_wait3A_32] : memref<10000x128xf32, #tpu.memory_space<vmem_shared>> -> memref<625x128xf32, #tpu.memory_space<vmem_shared>>
      tpu.wait_dma2 semaphore(%run_scoped3A : memref<!tpu.dma_semaphore, #tpu.memory_space<semaphore_mem>>) src(%dma_wait3A_33 : memref<625x128xf32, #tpu.memory_space<vmem_shared>>) dst(%dma_wait3A_31 : memref<625x128xf32, #tpu.memory_space<hbm>>)
      tpu.yield
    }) : () -> ()
    return
  }
}

#map = affine_map<(d0, d1) -> (0, 0)>
#map1 = affine_map<(d0, d1) -> (0, 0, 0)>
module attributes {stable_mosaic.version = 14 : i64} {
  func.func @_sc_body(%arg0: i32, %arg1: i32, %arg2: memref<80000x128xf32, #tpu.memory_space<hbm>>, %arg3: memref<32x20x125xi32, #tpu.memory_space<hbm>>, %arg4: memref<625x128xf32, #tpu.memory_space<hbm>>, %arg5: memref<2x10000x128xf32, #tpu.memory_space<hbm>>, %arg6: memref<20x125xi32, #tpu.memory_space<vmem>>, %arg7: memref<125x128xf32, #tpu.memory_space<vmem>>, %arg8: memref<125x128xf32, #tpu.memory_space<vmem>>, %arg9: memref<10000x128xf32, #tpu.memory_space<vmem_shared>>, %arg10: memref<!tpu.dma_semaphore, #tpu.memory_space<semaphore_mem>>, %arg11: memref<!tpu.dma_semaphore, #tpu.memory_space<semaphore_mem>>) attributes {dimension_semantics = [#tpu.dimension_semantics<core_parallel>, #tpu.dimension_semantics<subcore_parallel>], iteration_bounds = array<i64: 2, 16>, scalar_prefetch = 0 : i64, scratch_operands = 6 : i64, tpu.core_type = #tpu.core_type<sc_vector_subcore>, window_params = [{transform_indices = #map}, {transform_indices = #map1}, {transform_indices = #map}, {transform_indices = #map1}]} {
    %mul3A = arith.constant 2 : i32
    %mul3A_0 = arith.muli %arg1, %mul3A : i32
    %add3A = arith.addi %mul3A_0, %arg0 : i32
    %mul3A_1 = arith.constant 2500 : i32
    %mul3A_2 = arith.muli %add3A, %mul3A_1 : i32
    %mul3A_3 = arith.constant 625 : i32
    %mul3A_4 = arith.muli %arg1, %mul3A_3 : i32
    "tpu.region"() ({
      %run_scoped3A = tpu.sem_alloc : memref<!tpu.dma_semaphore, #tpu.memory_space<semaphore_mem>>
      %dma_start3A_25 = arith.constant 0 : i32
      %dma_start3A_26 = tpu.memref_slice %arg9[%mul3A_4, %dma_start3A_25] : memref<10000x128xf32, #tpu.memory_space<vmem_shared>> -> memref<625x128xf32, #tpu.memory_space<vmem_shared>>
      tpu.enqueue_dma source(%arg4 : memref<625x128xf32, #tpu.memory_space<hbm>>) target(%dma_start3A_26 : memref<625x128xf32, #tpu.memory_space<vmem_shared>>) target_semaphore(%run_scoped3A : memref<!tpu.dma_semaphore, #tpu.memory_space<semaphore_mem>>)
      %dma_wait3A = arith.constant 0 : i32
      %dma_wait3A_27 = tpu.memref_slice %arg9[%mul3A_4, %dma_wait3A] : memref<10000x128xf32, #tpu.memory_space<vmem_shared>> -> memref<625x128xf32, #tpu.memory_space<vmem_shared>>
      tpu.wait_dma2 semaphore(%run_scoped3A : memref<!tpu.dma_semaphore, #tpu.memory_space<semaphore_mem>>) src(%arg4 : memref<625x128xf32, #tpu.memory_space<hbm>>) dst(%dma_wait3A_27 : memref<625x128xf32, #tpu.memory_space<vmem_shared>>)
      tpu.yield
    }) : () -> ()
    "tpu.region"() ({
      %run_scoped3A = tpu.sem_alloc : memref<!tpu.dma_semaphore, #tpu.memory_space<semaphore_mem>>
      %dma_start3A_25 = arith.constant 0 : i32
      %dma_start3A_26 = arith.constant 0 : i32
      %dma_start3A_27 = tpu.memref_slice %arg3[%add3A, %dma_start3A_25, %dma_start3A_26] : memref<32x20x125xi32, #tpu.memory_space<hbm>> -> memref<1x20x125xi32, #tpu.memory_space<hbm>>
      %dma_start3A_28 = tpu.memref_squeeze %dma_start3A_27 : memref<1x20x125xi32, #tpu.memory_space<hbm>> -> memref<20x125xi32, #tpu.memory_space<hbm>>
      %dma_start3A_29 = arith.constant 0 : i32
      %dma_start3A_30 = arith.constant 0 : i32
      %dma_start3A_31 = tpu.memref_slice %arg3[%add3A, %dma_start3A_29, %dma_start3A_30] : memref<32x20x125xi32, #tpu.memory_space<hbm>> -> memref<1x20x125xi32, #tpu.memory_space<hbm>>
      %dma_start3A_32 = tpu.memref_squeeze %dma_start3A_31 : memref<1x20x125xi32, #tpu.memory_space<hbm>> -> memref<20x125xi32, #tpu.memory_space<hbm>>
      tpu.enqueue_dma source(%dma_start3A_32 : memref<20x125xi32, #tpu.memory_space<hbm>>) target(%arg6 : memref<20x125xi32, #tpu.memory_space<vmem>>) target_semaphore(%run_scoped3A : memref<!tpu.dma_semaphore, #tpu.memory_space<semaphore_mem>>)
      %dma_wait3A = arith.constant 0 : i32
      %dma_wait3A_33 = arith.constant 0 : i32
      %dma_wait3A_34 = tpu.memref_slice %arg3[%add3A, %dma_wait3A, %dma_wait3A_33] : memref<32x20x125xi32, #tpu.memory_space<hbm>> -> memref<1x20x125xi32, #tpu.memory_space<hbm>>
      %dma_wait3A_35 = tpu.memref_squeeze %dma_wait3A_34 : memref<1x20x125xi32, #tpu.memory_space<hbm>> -> memref<20x125xi32, #tpu.memory_space<hbm>>
      %dma_wait3A_36 = arith.constant 0 : i32
      %dma_wait3A_37 = arith.constant 0 : i32
      %dma_wait3A_38 = tpu.memref_slice %arg3[%add3A, %dma_wait3A_36, %dma_wait3A_37] : memref<32x20x125xi32, #tpu.memory_space<hbm>> -> memref<1x20x125xi32, #tpu.memory_space<hbm>>
      %dma_wait3A_39 = tpu.memref_squeeze %dma_wait3A_38 : memref<1x20x125xi32, #tpu.memory_space<hbm>> -> memref<20x125xi32, #tpu.memory_space<hbm>>
      tpu.wait_dma2 semaphore(%run_scoped3A : memref<!tpu.dma_semaphore, #tpu.memory_space<semaphore_mem>>) src(%dma_wait3A_39 : memref<20x125xi32, #tpu.memory_space<hbm>>) dst(%arg6 : memref<20x125xi32, #tpu.memory_space<vmem>>)
      tpu.yield
    }) : () -> ()
    %barrier3A = arith.constant 0 : index
    tpu.barrier barrier_id(%barrier3A)
    %add3A_5 = arith.constant 0 : i32
    %add3A_6 = arith.addi %mul3A_2, %add3A_5 : i32
    %dma_start3A = arith.constant 0 : i32
    %dma_start3A_7 = tpu.memref_slice %arg2[%add3A_6, %dma_start3A] : memref<80000x128xf32, #tpu.memory_space<hbm>> -> memref<125x128xf32, #tpu.memory_space<hbm>>
    %dma_start3A_8 = arith.constant 0 : i32
    %dma_start3A_9 = tpu.memref_slice %arg2[%add3A_6, %dma_start3A_8] : memref<80000x128xf32, #tpu.memory_space<hbm>> -> memref<125x128xf32, #tpu.memory_space<hbm>>
    tpu.enqueue_dma source(%dma_start3A_9 : memref<125x128xf32, #tpu.memory_space<hbm>>) target(%arg7 : memref<125x128xf32, #tpu.memory_space<vmem>>) target_semaphore(%arg10 : memref<!tpu.dma_semaphore, #tpu.memory_space<semaphore_mem>>)
    %add3A_10 = arith.constant 125 : i32
    %add3A_11 = arith.addi %mul3A_2, %add3A_10 : i32
    %dma_start3A_12 = arith.constant 0 : i32
    %dma_start3A_13 = tpu.memref_slice %arg2[%add3A_11, %dma_start3A_12] : memref<80000x128xf32, #tpu.memory_space<hbm>> -> memref<125x128xf32, #tpu.memory_space<hbm>>
    %dma_start3A_14 = arith.constant 0 : i32
    %dma_start3A_15 = tpu.memref_slice %arg2[%add3A_11, %dma_start3A_14] : memref<80000x128xf32, #tpu.memory_space<hbm>> -> memref<125x128xf32, #tpu.memory_space<hbm>>
    tpu.enqueue_dma source(%dma_start3A_15 : memref<125x128xf32, #tpu.memory_space<hbm>>) target(%arg8 : memref<125x128xf32, #tpu.memory_space<vmem>>) target_semaphore(%arg11 : memref<!tpu.dma_semaphore, #tpu.memory_space<semaphore_mem>>)
    %scan3A = arith.constant 0 : i32
    %scan3A_16 = arith.constant 10 : i32
    %scan3A_17 = arith.addi %scan3A, %scan3A_16 : i32
    %scan3A_18 = arith.constant 1 : i32
    scf.for %scan3A_25 = %scan3A to %scan3A_17 step %scan3A_18  : i32 {
      %mul3A_26 = arith.constant 2 : i32
      %mul3A_27 = arith.muli %scan3A_25, %mul3A_26 : i32
      %add3A_28 = arith.constant 0 : i32
      %add3A_29 = arith.addi %add3A_28, %mul3A_27 : i32
      %add3A_30 = arith.constant 0 : i32
      %add3A_31 = arith.addi %add3A_29, %add3A_30 : i32
      %mul3A_32 = arith.constant 125 : i32
      %mul3A_33 = arith.muli %add3A_31, %mul3A_32 : i32
      %add3A_34 = arith.addi %mul3A_2, %mul3A_33 : i32
      %dma_wait3A = arith.constant 0 : i32
      %dma_wait3A_35 = tpu.memref_slice %arg2[%add3A_34, %dma_wait3A] : memref<80000x128xf32, #tpu.memory_space<hbm>> -> memref<125x128xf32, #tpu.memory_space<hbm>>
      %dma_wait3A_36 = arith.constant 0 : i32
      %dma_wait3A_37 = tpu.memref_slice %arg2[%add3A_34, %dma_wait3A_36] : memref<80000x128xf32, #tpu.memory_space<hbm>> -> memref<125x128xf32, #tpu.memory_space<hbm>>
      tpu.wait_dma2 semaphore(%arg10 : memref<!tpu.dma_semaphore, #tpu.memory_space<semaphore_mem>>) src(%dma_wait3A_37 : memref<125x128xf32, #tpu.memory_space<hbm>>) dst(%arg7 : memref<125x128xf32, #tpu.memory_space<vmem>>)
      "tpu.region"() ({
        %run_scoped3A = tpu.sem_alloc : memref<!tpu.dma_semaphore, #tpu.memory_space<semaphore_mem>>
        %dma_start3A_58 = arith.constant 0 : i32
        %dma_start3A_59 = tpu.memref_slice %arg6[%add3A_31, %dma_start3A_58] : memref<20x125xi32, #tpu.memory_space<vmem>> -> memref<1x125xi32, #tpu.memory_space<vmem>>
        %dma_start3A_60 = tpu.memref_squeeze %dma_start3A_59 : memref<1x125xi32, #tpu.memory_space<vmem>> -> memref<125xi32, #tpu.memory_space<vmem>>
        %dma_start3A_61 = arith.constant 0 : i32
        %dma_start3A_62 = arith.constant 0 : i32
        %dma_start3A_63 = tpu.memref_slice %arg9[%dma_start3A_61, %dma_start3A_62] : memref<10000x128xf32, #tpu.memory_space<vmem_shared>> -> memref<10000x128xf32, #tpu.memory_space<vmem_shared>>
        tpu.enqueue_indirect_dma source(%arg7 : memref<125x128xf32, #tpu.memory_space<vmem>>) target(%dma_start3A_63 : memref<10000x128xf32, #tpu.memory_space<vmem_shared>>) offsets(%dma_start3A_60 : memref<125xi32, #tpu.memory_space<vmem>>) semaphore(%run_scoped3A : memref<!tpu.dma_semaphore, #tpu.memory_space<semaphore_mem>>) {add = true}
        %dma_wait3A_64 = arith.constant 0 : i32
        %dma_wait3A_65 = tpu.memref_slice %arg6[%add3A_31, %dma_wait3A_64] : memref<20x125xi32, #tpu.memory_space<vmem>> -> memref<1x125xi32, #tpu.memory_space<vmem>>
        %dma_wait3A_66 = tpu.memref_squeeze %dma_wait3A_65 : memref<1x125xi32, #tpu.memory_space<vmem>> -> memref<125xi32, #tpu.memory_space<vmem>>
        %dma_wait3A_67 = arith.constant 0 : i32
        %dma_wait3A_68 = arith.constant 0 : i32
        %dma_wait3A_69 = tpu.memref_slice %arg9[%dma_wait3A_67, %dma_wait3A_68] : memref<10000x128xf32, #tpu.memory_space<vmem_shared>> -> memref<10000x128xf32, #tpu.memory_space<vmem_shared>>
        tpu.wait_indirect_dma semaphore(%run_scoped3A : memref<!tpu.dma_semaphore, #tpu.memory_space<semaphore_mem>>) src(%arg7 : memref<125x128xf32, #tpu.memory_space<vmem>>) dst(%dma_wait3A_69 : memref<10000x128xf32, #tpu.memory_space<vmem_shared>>)
        tpu.yield
      }) : () -> ()
      %add3A_38 = arith.constant 2 : i32
      %add3A_39 = arith.addi %add3A_31, %add3A_38 : i32
      %lt3A = arith.constant 20 : i32
      %lt3A_40 = arith.cmpi slt, %add3A_39, %lt3A : i32
      %convert_element_type3A = arith.extui %lt3A_40 : i1 to i32
      %cond3A = arith.constant 0 : i32
      %cond3A_41 = arith.cmpi ne, %convert_element_type3A, %cond3A : i32
      scf.if %cond3A_41 {
        %mul3A_58 = arith.constant 125 : i32
        %mul3A_59 = arith.muli %add3A_39, %mul3A_58 : i32
        %add3A_60 = arith.addi %mul3A_2, %mul3A_59 : i32
        %dma_start3A_61 = arith.constant 0 : i32
        %dma_start3A_62 = tpu.memref_slice %arg2[%add3A_60, %dma_start3A_61] : memref<80000x128xf32, #tpu.memory_space<hbm>> -> memref<125x128xf32, #tpu.memory_space<hbm>>
        %dma_start3A_63 = arith.constant 0 : i32
        %dma_start3A_64 = tpu.memref_slice %arg2[%add3A_60, %dma_start3A_63] : memref<80000x128xf32, #tpu.memory_space<hbm>> -> memref<125x128xf32, #tpu.memory_space<hbm>>
        tpu.enqueue_dma source(%dma_start3A_64 : memref<125x128xf32, #tpu.memory_space<hbm>>) target(%arg7 : memref<125x128xf32, #tpu.memory_space<vmem>>) target_semaphore(%arg10 : memref<!tpu.dma_semaphore, #tpu.memory_space<semaphore_mem>>)
      } else {
      }
      %add3A_42 = arith.constant 1 : i32
      %add3A_43 = arith.addi %add3A_29, %add3A_42 : i32
      %mul3A_44 = arith.constant 125 : i32
      %mul3A_45 = arith.muli %add3A_43, %mul3A_44 : i32
      %add3A_46 = arith.addi %mul3A_2, %mul3A_45 : i32
      %dma_wait3A_47 = arith.constant 0 : i32
      %dma_wait3A_48 = tpu.memref_slice %arg2[%add3A_46, %dma_wait3A_47] : memref<80000x128xf32, #tpu.memory_space<hbm>> -> memref<125x128xf32, #tpu.memory_space<hbm>>
      %dma_wait3A_49 = arith.constant 0 : i32
      %dma_wait3A_50 = tpu.memref_slice %arg2[%add3A_46, %dma_wait3A_49] : memref<80000x128xf32, #tpu.memory_space<hbm>> -> memref<125x128xf32, #tpu.memory_space<hbm>>
      tpu.wait_dma2 semaphore(%arg11 : memref<!tpu.dma_semaphore, #tpu.memory_space<semaphore_mem>>) src(%dma_wait3A_50 : memref<125x128xf32, #tpu.memory_space<hbm>>) dst(%arg8 : memref<125x128xf32, #tpu.memory_space<vmem>>)
      "tpu.region"() ({
        %run_scoped3A = tpu.sem_alloc : memref<!tpu.dma_semaphore, #tpu.memory_space<semaphore_mem>>
        %dma_start3A_58 = arith.constant 0 : i32
        %dma_start3A_59 = tpu.memref_slice %arg6[%add3A_43, %dma_start3A_58] : memref<20x125xi32, #tpu.memory_space<vmem>> -> memref<1x125xi32, #tpu.memory_space<vmem>>
        %dma_start3A_60 = tpu.memref_squeeze %dma_start3A_59 : memref<1x125xi32, #tpu.memory_space<vmem>> -> memref<125xi32, #tpu.memory_space<vmem>>
        %dma_start3A_61 = arith.constant 0 : i32
        %dma_start3A_62 = arith.constant 0 : i32
        %dma_start3A_63 = tpu.memref_slice %arg9[%dma_start3A_61, %dma_start3A_62] : memref<10000x128xf32, #tpu.memory_space<vmem_shared>> -> memref<10000x128xf32, #tpu.memory_space<vmem_shared>>
        tpu.enqueue_indirect_dma source(%arg8 : memref<125x128xf32, #tpu.memory_space<vmem>>) target(%dma_start3A_63 : memref<10000x128xf32, #tpu.memory_space<vmem_shared>>) offsets(%dma_start3A_60 : memref<125xi32, #tpu.memory_space<vmem>>) semaphore(%run_scoped3A : memref<!tpu.dma_semaphore, #tpu.memory_space<semaphore_mem>>) {add = true}
        %dma_wait3A_64 = arith.constant 0 : i32
        %dma_wait3A_65 = tpu.memref_slice %arg6[%add3A_43, %dma_wait3A_64] : memref<20x125xi32, #tpu.memory_space<vmem>> -> memref<1x125xi32, #tpu.memory_space<vmem>>
        %dma_wait3A_66 = tpu.memref_squeeze %dma_wait3A_65 : memref<1x125xi32, #tpu.memory_space<vmem>> -> memref<125xi32, #tpu.memory_space<vmem>>
        %dma_wait3A_67 = arith.constant 0 : i32
        %dma_wait3A_68 = arith.constant 0 : i32
        %dma_wait3A_69 = tpu.memref_slice %arg9[%dma_wait3A_67, %dma_wait3A_68] : memref<10000x128xf32, #tpu.memory_space<vmem_shared>> -> memref<10000x128xf32, #tpu.memory_space<vmem_shared>>
        tpu.wait_indirect_dma semaphore(%run_scoped3A : memref<!tpu.dma_semaphore, #tpu.memory_space<semaphore_mem>>) src(%arg8 : memref<125x128xf32, #tpu.memory_space<vmem>>) dst(%dma_wait3A_69 : memref<10000x128xf32, #tpu.memory_space<vmem_shared>>)
        tpu.yield
      }) : () -> ()
      %add3A_51 = arith.constant 2 : i32
      %add3A_52 = arith.addi %add3A_43, %add3A_51 : i32
      %lt3A_53 = arith.constant 20 : i32
      %lt3A_54 = arith.cmpi slt, %add3A_52, %lt3A_53 : i32
      %convert_element_type3A_55 = arith.extui %lt3A_54 : i1 to i32
      %cond3A_56 = arith.constant 0 : i32
      %cond3A_57 = arith.cmpi ne, %convert_element_type3A_55, %cond3A_56 : i32
      scf.if %cond3A_57 {
        %mul3A_58 = arith.constant 125 : i32
        %mul3A_59 = arith.muli %add3A_52, %mul3A_58 : i32
        %add3A_60 = arith.addi %mul3A_2, %mul3A_59 : i32
        %dma_start3A_61 = arith.constant 0 : i32
        %dma_start3A_62 = tpu.memref_slice %arg2[%add3A_60, %dma_start3A_61] : memref<80000x128xf32, #tpu.memory_space<hbm>> -> memref<125x128xf32, #tpu.memory_space<hbm>>
        %dma_start3A_63 = arith.constant 0 : i32
        %dma_start3A_64 = tpu.memref_slice %arg2[%add3A_60, %dma_start3A_63] : memref<80000x128xf32, #tpu.memory_space<hbm>> -> memref<125x128xf32, #tpu.memory_space<hbm>>
        tpu.enqueue_dma source(%dma_start3A_64 : memref<125x128xf32, #tpu.memory_space<hbm>>) target(%arg8 : memref<125x128xf32, #tpu.memory_space<vmem>>) target_semaphore(%arg11 : memref<!tpu.dma_semaphore, #tpu.memory_space<semaphore_mem>>)
      } else {
      }
    }
    %scan3A_19 = arith.constant 10 : i32
    %barrier3A_20 = arith.constant 0 : index
    tpu.barrier barrier_id(%barrier3A_20)
    %mul3A_21 = arith.constant 625 : i32
    %mul3A_22 = arith.muli %arg1, %mul3A_21 : i32
    %mul3A_23 = arith.constant 625 : i32
    %mul3A_24 = arith.muli %arg1, %mul3A_23 : i32
    "tpu.region"() ({
      %run_scoped3A = tpu.sem_alloc : memref<!tpu.dma_semaphore, #tpu.memory_space<semaphore_mem>>
      %dma_start3A_25 = arith.constant 0 : i32
      %dma_start3A_26 = tpu.memref_slice %arg5[%arg0, %mul3A_24, %dma_start3A_25] : memref<2x10000x128xf32, #tpu.memory_space<hbm>> -> memref<1x625x128xf32, #tpu.memory_space<hbm>>
      %dma_start3A_27 = tpu.memref_squeeze %dma_start3A_26 : memref<1x625x128xf32, #tpu.memory_space<hbm>> -> memref<625x128xf32, #tpu.memory_space<hbm>>
      %dma_start3A_28 = arith.constant 0 : i32
      %dma_start3A_29 = tpu.memref_slice %arg9[%mul3A_22, %dma_start3A_28] : memref<10000x128xf32, #tpu.memory_space<vmem_shared>> -> memref<625x128xf32, #tpu.memory_space<vmem_shared>>
      tpu.enqueue_dma source(%dma_start3A_29 : memref<625x128xf32, #tpu.memory_space<vmem_shared>>) target(%dma_start3A_27 : memref<625x128xf32, #tpu.memory_space<hbm>>) target_semaphore(%run_scoped3A : memref<!tpu.dma_semaphore, #tpu.memory_space<semaphore_mem>>)
      %dma_wait3A = arith.constant 0 : i32
      %dma_wait3A_30 = tpu.memref_slice %arg5[%arg0, %mul3A_24, %dma_wait3A] : memref<2x10000x128xf32, #tpu.memory_space<hbm>> -> memref<1x625x128xf32, #tpu.memory_space<hbm>>
      %dma_wait3A_31 = tpu.memref_squeeze %dma_wait3A_30 : memref<1x625x128xf32, #tpu.memory_space<hbm>> -> memref<625x128xf32, #tpu.memory_space<hbm>>
      %dma_wait3A_32 = arith.constant 0 : i32
      %dma_wait3A_33 = tpu.memref_slice %arg9[%mul3A_22, %dma_wait3A_32] : memref<10000x128xf32, #tpu.memory_space<vmem_shared>> -> memref<625x128xf32, #tpu.memory_space<vmem_shared>>
      tpu.wait_dma2 semaphore(%run_scoped3A : memref<!tpu.dma_semaphore, #tpu.memory_space<semaphore_mem>>) src(%dma_wait3A_33 : memref<625x128xf32, #tpu.memory_space<vmem_shared>>) dst(%dma_wait3A_31 : memref<625x128xf32, #tpu.memory_space<hbm>>)
      tpu.yield
    }) : () -> ()
    return
  }
}

#map = affine_map<(d0, d1) -> (0, 0)>
#map1 = affine_map<(d0, d1) -> (0, 0, 0)>
module attributes {stable_mosaic.version = 14 : i64} {
  func.func @_sc_body(%arg0: i32, %arg1: i32, %arg2: memref<80000x128xf32, #tpu.memory_space<hbm>>, %arg3: memref<32x20x125xi32, #tpu.memory_space<hbm>>, %arg4: memref<625x128xf32, #tpu.memory_space<hbm>>, %arg5: memref<2x10000x128xf32, #tpu.memory_space<hbm>>, %arg6: memref<20x125xi32, #tpu.memory_space<vmem>>, %arg7: memref<125x128xf32, #tpu.memory_space<vmem>>, %arg8: memref<125x128xf32, #tpu.memory_space<vmem>>, %arg9: memref<10000x128xf32, #tpu.memory_space<vmem_shared>>, %arg10: memref<!tpu.dma_semaphore, #tpu.memory_space<semaphore_mem>>, %arg11: memref<!tpu.dma_semaphore, #tpu.memory_space<semaphore_mem>>) attributes {dimension_semantics = [#tpu.dimension_semantics<core_parallel>, #tpu.dimension_semantics<subcore_parallel>], iteration_bounds = array<i64: 2, 16>, scalar_prefetch = 0 : i64, scratch_operands = 6 : i64, tpu.core_type = #tpu.core_type<sc_vector_subcore>, window_params = [{transform_indices = #map}, {transform_indices = #map1}, {transform_indices = #map}, {transform_indices = #map1}]} {
    %mul3A = arith.constant 2 : i32
    %mul3A_0 = arith.muli %arg1, %mul3A : i32
    %add3A = arith.addi %mul3A_0, %arg0 : i32
    %mul3A_1 = arith.constant 2500 : i32
    %mul3A_2 = arith.muli %add3A, %mul3A_1 : i32
    %mul3A_3 = arith.constant 625 : i32
    %mul3A_4 = arith.muli %arg1, %mul3A_3 : i32
    "tpu.region"() ({
      %run_scoped3A = tpu.sem_alloc : memref<!tpu.dma_semaphore, #tpu.memory_space<semaphore_mem>>
      %dma_start3A_25 = arith.constant 0 : i32
      %dma_start3A_26 = tpu.memref_slice %arg9[%mul3A_4, %dma_start3A_25] : memref<10000x128xf32, #tpu.memory_space<vmem_shared>> -> memref<625x128xf32, #tpu.memory_space<vmem_shared>>
      tpu.enqueue_dma source(%arg4 : memref<625x128xf32, #tpu.memory_space<hbm>>) target(%dma_start3A_26 : memref<625x128xf32, #tpu.memory_space<vmem_shared>>) target_semaphore(%run_scoped3A : memref<!tpu.dma_semaphore, #tpu.memory_space<semaphore_mem>>)
      %dma_wait3A = arith.constant 0 : i32
      %dma_wait3A_27 = tpu.memref_slice %arg9[%mul3A_4, %dma_wait3A] : memref<10000x128xf32, #tpu.memory_space<vmem_shared>> -> memref<625x128xf32, #tpu.memory_space<vmem_shared>>
      tpu.wait_dma2 semaphore(%run_scoped3A : memref<!tpu.dma_semaphore, #tpu.memory_space<semaphore_mem>>) src(%arg4 : memref<625x128xf32, #tpu.memory_space<hbm>>) dst(%dma_wait3A_27 : memref<625x128xf32, #tpu.memory_space<vmem_shared>>)
      tpu.yield
    }) : () -> ()
    "tpu.region"() ({
      %run_scoped3A = tpu.sem_alloc : memref<!tpu.dma_semaphore, #tpu.memory_space<semaphore_mem>>
      %dma_start3A_25 = arith.constant 0 : i32
      %dma_start3A_26 = arith.constant 0 : i32
      %dma_start3A_27 = tpu.memref_slice %arg3[%add3A, %dma_start3A_25, %dma_start3A_26] : memref<32x20x125xi32, #tpu.memory_space<hbm>> -> memref<1x20x125xi32, #tpu.memory_space<hbm>>
      %dma_start3A_28 = tpu.memref_squeeze %dma_start3A_27 : memref<1x20x125xi32, #tpu.memory_space<hbm>> -> memref<20x125xi32, #tpu.memory_space<hbm>>
      %dma_start3A_29 = arith.constant 0 : i32
      %dma_start3A_30 = arith.constant 0 : i32
      %dma_start3A_31 = tpu.memref_slice %arg3[%add3A, %dma_start3A_29, %dma_start3A_30] : memref<32x20x125xi32, #tpu.memory_space<hbm>> -> memref<1x20x125xi32, #tpu.memory_space<hbm>>
      %dma_start3A_32 = tpu.memref_squeeze %dma_start3A_31 : memref<1x20x125xi32, #tpu.memory_space<hbm>> -> memref<20x125xi32, #tpu.memory_space<hbm>>
      tpu.enqueue_dma source(%dma_start3A_32 : memref<20x125xi32, #tpu.memory_space<hbm>>) target(%arg6 : memref<20x125xi32, #tpu.memory_space<vmem>>) target_semaphore(%run_scoped3A : memref<!tpu.dma_semaphore, #tpu.memory_space<semaphore_mem>>)
      %dma_wait3A = arith.constant 0 : i32
      %dma_wait3A_33 = arith.constant 0 : i32
      %dma_wait3A_34 = tpu.memref_slice %arg3[%add3A, %dma_wait3A, %dma_wait3A_33] : memref<32x20x125xi32, #tpu.memory_space<hbm>> -> memref<1x20x125xi32, #tpu.memory_space<hbm>>
      %dma_wait3A_35 = tpu.memref_squeeze %dma_wait3A_34 : memref<1x20x125xi32, #tpu.memory_space<hbm>> -> memref<20x125xi32, #tpu.memory_space<hbm>>
      %dma_wait3A_36 = arith.constant 0 : i32
      %dma_wait3A_37 = arith.constant 0 : i32
      %dma_wait3A_38 = tpu.memref_slice %arg3[%add3A, %dma_wait3A_36, %dma_wait3A_37] : memref<32x20x125xi32, #tpu.memory_space<hbm>> -> memref<1x20x125xi32, #tpu.memory_space<hbm>>
      %dma_wait3A_39 = tpu.memref_squeeze %dma_wait3A_38 : memref<1x20x125xi32, #tpu.memory_space<hbm>> -> memref<20x125xi32, #tpu.memory_space<hbm>>
      tpu.wait_dma2 semaphore(%run_scoped3A : memref<!tpu.dma_semaphore, #tpu.memory_space<semaphore_mem>>) src(%dma_wait3A_39 : memref<20x125xi32, #tpu.memory_space<hbm>>) dst(%arg6 : memref<20x125xi32, #tpu.memory_space<vmem>>)
      tpu.yield
    }) : () -> ()
    %barrier3A = arith.constant 0 : index
    tpu.barrier barrier_id(%barrier3A)
    %add3A_5 = arith.constant 0 : i32
    %add3A_6 = arith.addi %mul3A_2, %add3A_5 : i32
    %dma_start3A = arith.constant 0 : i32
    %dma_start3A_7 = tpu.memref_slice %arg2[%add3A_6, %dma_start3A] : memref<80000x128xf32, #tpu.memory_space<hbm>> -> memref<125x128xf32, #tpu.memory_space<hbm>>
    %dma_start3A_8 = arith.constant 0 : i32
    %dma_start3A_9 = tpu.memref_slice %arg2[%add3A_6, %dma_start3A_8] : memref<80000x128xf32, #tpu.memory_space<hbm>> -> memref<125x128xf32, #tpu.memory_space<hbm>>
    tpu.enqueue_dma source(%dma_start3A_9 : memref<125x128xf32, #tpu.memory_space<hbm>>) target(%arg7 : memref<125x128xf32, #tpu.memory_space<vmem>>) target_semaphore(%arg10 : memref<!tpu.dma_semaphore, #tpu.memory_space<semaphore_mem>>)
    %add3A_10 = arith.constant 125 : i32
    %add3A_11 = arith.addi %mul3A_2, %add3A_10 : i32
    %dma_start3A_12 = arith.constant 0 : i32
    %dma_start3A_13 = tpu.memref_slice %arg2[%add3A_11, %dma_start3A_12] : memref<80000x128xf32, #tpu.memory_space<hbm>> -> memref<125x128xf32, #tpu.memory_space<hbm>>
    %dma_start3A_14 = arith.constant 0 : i32
    %dma_start3A_15 = tpu.memref_slice %arg2[%add3A_11, %dma_start3A_14] : memref<80000x128xf32, #tpu.memory_space<hbm>> -> memref<125x128xf32, #tpu.memory_space<hbm>>
    tpu.enqueue_dma source(%dma_start3A_15 : memref<125x128xf32, #tpu.memory_space<hbm>>) target(%arg8 : memref<125x128xf32, #tpu.memory_space<vmem>>) target_semaphore(%arg11 : memref<!tpu.dma_semaphore, #tpu.memory_space<semaphore_mem>>)
    %scan3A = arith.constant 0 : i32
    %scan3A_16 = arith.constant 10 : i32
    %scan3A_17 = arith.addi %scan3A, %scan3A_16 : i32
    %scan3A_18 = arith.constant 1 : i32
    scf.for %scan3A_25 = %scan3A to %scan3A_17 step %scan3A_18  : i32 {
      %mul3A_26 = arith.constant 2 : i32
      %mul3A_27 = arith.muli %scan3A_25, %mul3A_26 : i32
      %add3A_28 = arith.constant 0 : i32
      %add3A_29 = arith.addi %add3A_28, %mul3A_27 : i32
      %add3A_30 = arith.constant 0 : i32
      %add3A_31 = arith.addi %add3A_29, %add3A_30 : i32
      %mul3A_32 = arith.constant 125 : i32
      %mul3A_33 = arith.muli %add3A_31, %mul3A_32 : i32
      %add3A_34 = arith.addi %mul3A_2, %mul3A_33 : i32
      %dma_wait3A = arith.constant 0 : i32
      %dma_wait3A_35 = tpu.memref_slice %arg2[%add3A_34, %dma_wait3A] : memref<80000x128xf32, #tpu.memory_space<hbm>> -> memref<125x128xf32, #tpu.memory_space<hbm>>
      %dma_wait3A_36 = arith.constant 0 : i32
      %dma_wait3A_37 = tpu.memref_slice %arg2[%add3A_34, %dma_wait3A_36] : memref<80000x128xf32, #tpu.memory_space<hbm>> -> memref<125x128xf32, #tpu.memory_space<hbm>>
      tpu.wait_dma2 semaphore(%arg10 : memref<!tpu.dma_semaphore, #tpu.memory_space<semaphore_mem>>) src(%dma_wait3A_37 : memref<125x128xf32, #tpu.memory_space<hbm>>) dst(%arg7 : memref<125x128xf32, #tpu.memory_space<vmem>>)
      "tpu.region"() ({
        %run_scoped3A = tpu.sem_alloc : memref<!tpu.dma_semaphore, #tpu.memory_space<semaphore_mem>>
        %dma_start3A_58 = arith.constant 0 : i32
        %dma_start3A_59 = tpu.memref_slice %arg6[%add3A_31, %dma_start3A_58] : memref<20x125xi32, #tpu.memory_space<vmem>> -> memref<1x125xi32, #tpu.memory_space<vmem>>
        %dma_start3A_60 = tpu.memref_squeeze %dma_start3A_59 : memref<1x125xi32, #tpu.memory_space<vmem>> -> memref<125xi32, #tpu.memory_space<vmem>>
        %dma_start3A_61 = arith.constant 0 : i32
        %dma_start3A_62 = arith.constant 0 : i32
        %dma_start3A_63 = tpu.memref_slice %arg9[%dma_start3A_61, %dma_start3A_62] : memref<10000x128xf32, #tpu.memory_space<vmem_shared>> -> memref<10000x128xf32, #tpu.memory_space<vmem_shared>>
        tpu.enqueue_indirect_dma source(%arg7 : memref<125x128xf32, #tpu.memory_space<vmem>>) target(%dma_start3A_63 : memref<10000x128xf32, #tpu.memory_space<vmem_shared>>) offsets(%dma_start3A_60 : memref<125xi32, #tpu.memory_space<vmem>>) semaphore(%run_scoped3A : memref<!tpu.dma_semaphore, #tpu.memory_space<semaphore_mem>>) {add = true}
        %dma_wait3A_64 = arith.constant 0 : i32
        %dma_wait3A_65 = tpu.memref_slice %arg6[%add3A_31, %dma_wait3A_64] : memref<20x125xi32, #tpu.memory_space<vmem>> -> memref<1x125xi32, #tpu.memory_space<vmem>>
        %dma_wait3A_66 = tpu.memref_squeeze %dma_wait3A_65 : memref<1x125xi32, #tpu.memory_space<vmem>> -> memref<125xi32, #tpu.memory_space<vmem>>
        %dma_wait3A_67 = arith.constant 0 : i32
        %dma_wait3A_68 = arith.constant 0 : i32
        %dma_wait3A_69 = tpu.memref_slice %arg9[%dma_wait3A_67, %dma_wait3A_68] : memref<10000x128xf32, #tpu.memory_space<vmem_shared>> -> memref<10000x128xf32, #tpu.memory_space<vmem_shared>>
        tpu.wait_indirect_dma semaphore(%run_scoped3A : memref<!tpu.dma_semaphore, #tpu.memory_space<semaphore_mem>>) src(%arg7 : memref<125x128xf32, #tpu.memory_space<vmem>>) dst(%dma_wait3A_69 : memref<10000x128xf32, #tpu.memory_space<vmem_shared>>)
        tpu.yield
      }) : () -> ()
      %add3A_38 = arith.constant 2 : i32
      %add3A_39 = arith.addi %add3A_31, %add3A_38 : i32
      %lt3A = arith.constant 20 : i32
      %lt3A_40 = arith.cmpi slt, %add3A_39, %lt3A : i32
      %convert_element_type3A = arith.extui %lt3A_40 : i1 to i32
      %cond3A = arith.constant 0 : i32
      %cond3A_41 = arith.cmpi ne, %convert_element_type3A, %cond3A : i32
      scf.if %cond3A_41 {
        %mul3A_58 = arith.constant 125 : i32
        %mul3A_59 = arith.muli %add3A_39, %mul3A_58 : i32
        %add3A_60 = arith.addi %mul3A_2, %mul3A_59 : i32
        %dma_start3A_61 = arith.constant 0 : i32
        %dma_start3A_62 = tpu.memref_slice %arg2[%add3A_60, %dma_start3A_61] : memref<80000x128xf32, #tpu.memory_space<hbm>> -> memref<125x128xf32, #tpu.memory_space<hbm>>
        %dma_start3A_63 = arith.constant 0 : i32
        %dma_start3A_64 = tpu.memref_slice %arg2[%add3A_60, %dma_start3A_63] : memref<80000x128xf32, #tpu.memory_space<hbm>> -> memref<125x128xf32, #tpu.memory_space<hbm>>
        tpu.enqueue_dma source(%dma_start3A_64 : memref<125x128xf32, #tpu.memory_space<hbm>>) target(%arg7 : memref<125x128xf32, #tpu.memory_space<vmem>>) target_semaphore(%arg10 : memref<!tpu.dma_semaphore, #tpu.memory_space<semaphore_mem>>)
      } else {
      }
      %add3A_42 = arith.constant 1 : i32
      %add3A_43 = arith.addi %add3A_29, %add3A_42 : i32
      %mul3A_44 = arith.constant 125 : i32
      %mul3A_45 = arith.muli %add3A_43, %mul3A_44 : i32
      %add3A_46 = arith.addi %mul3A_2, %mul3A_45 : i32
      %dma_wait3A_47 = arith.constant 0 : i32
      %dma_wait3A_48 = tpu.memref_slice %arg2[%add3A_46, %dma_wait3A_47] : memref<80000x128xf32, #tpu.memory_space<hbm>> -> memref<125x128xf32, #tpu.memory_space<hbm>>
      %dma_wait3A_49 = arith.constant 0 : i32
      %dma_wait3A_50 = tpu.memref_slice %arg2[%add3A_46, %dma_wait3A_49] : memref<80000x128xf32, #tpu.memory_space<hbm>> -> memref<125x128xf32, #tpu.memory_space<hbm>>
      tpu.wait_dma2 semaphore(%arg11 : memref<!tpu.dma_semaphore, #tpu.memory_space<semaphore_mem>>) src(%dma_wait3A_50 : memref<125x128xf32, #tpu.memory_space<hbm>>) dst(%arg8 : memref<125x128xf32, #tpu.memory_space<vmem>>)
      "tpu.region"() ({
        %run_scoped3A = tpu.sem_alloc : memref<!tpu.dma_semaphore, #tpu.memory_space<semaphore_mem>>
        %dma_start3A_58 = arith.constant 0 : i32
        %dma_start3A_59 = tpu.memref_slice %arg6[%add3A_43, %dma_start3A_58] : memref<20x125xi32, #tpu.memory_space<vmem>> -> memref<1x125xi32, #tpu.memory_space<vmem>>
        %dma_start3A_60 = tpu.memref_squeeze %dma_start3A_59 : memref<1x125xi32, #tpu.memory_space<vmem>> -> memref<125xi32, #tpu.memory_space<vmem>>
        %dma_start3A_61 = arith.constant 0 : i32
        %dma_start3A_62 = arith.constant 0 : i32
        %dma_start3A_63 = tpu.memref_slice %arg9[%dma_start3A_61, %dma_start3A_62] : memref<10000x128xf32, #tpu.memory_space<vmem_shared>> -> memref<10000x128xf32, #tpu.memory_space<vmem_shared>>
        tpu.enqueue_indirect_dma source(%arg8 : memref<125x128xf32, #tpu.memory_space<vmem>>) target(%dma_start3A_63 : memref<10000x128xf32, #tpu.memory_space<vmem_shared>>) offsets(%dma_start3A_60 : memref<125xi32, #tpu.memory_space<vmem>>) semaphore(%run_scoped3A : memref<!tpu.dma_semaphore, #tpu.memory_space<semaphore_mem>>) {add = true}
        %dma_wait3A_64 = arith.constant 0 : i32
        %dma_wait3A_65 = tpu.memref_slice %arg6[%add3A_43, %dma_wait3A_64] : memref<20x125xi32, #tpu.memory_space<vmem>> -> memref<1x125xi32, #tpu.memory_space<vmem>>
        %dma_wait3A_66 = tpu.memref_squeeze %dma_wait3A_65 : memref<1x125xi32, #tpu.memory_space<vmem>> -> memref<125xi32, #tpu.memory_space<vmem>>
        %dma_wait3A_67 = arith.constant 0 : i32
        %dma_wait3A_68 = arith.constant 0 : i32
        %dma_wait3A_69 = tpu.memref_slice %arg9[%dma_wait3A_67, %dma_wait3A_68] : memref<10000x128xf32, #tpu.memory_space<vmem_shared>> -> memref<10000x128xf32, #tpu.memory_space<vmem_shared>>
        tpu.wait_indirect_dma semaphore(%run_scoped3A : memref<!tpu.dma_semaphore, #tpu.memory_space<semaphore_mem>>) src(%arg8 : memref<125x128xf32, #tpu.memory_space<vmem>>) dst(%dma_wait3A_69 : memref<10000x128xf32, #tpu.memory_space<vmem_shared>>)
        tpu.yield
      }) : () -> ()
      %add3A_51 = arith.constant 2 : i32
      %add3A_52 = arith.addi %add3A_43, %add3A_51 : i32
      %lt3A_53 = arith.constant 20 : i32
      %lt3A_54 = arith.cmpi slt, %add3A_52, %lt3A_53 : i32
      %convert_element_type3A_55 = arith.extui %lt3A_54 : i1 to i32
      %cond3A_56 = arith.constant 0 : i32
      %cond3A_57 = arith.cmpi ne, %convert_element_type3A_55, %cond3A_56 : i32
      scf.if %cond3A_57 {
        %mul3A_58 = arith.constant 125 : i32
        %mul3A_59 = arith.muli %add3A_52, %mul3A_58 : i32
        %add3A_60 = arith.addi %mul3A_2, %mul3A_59 : i32
        %dma_start3A_61 = arith.constant 0 : i32
        %dma_start3A_62 = tpu.memref_slice %arg2[%add3A_60, %dma_start3A_61] : memref<80000x128xf32, #tpu.memory_space<hbm>> -> memref<125x128xf32, #tpu.memory_space<hbm>>
        %dma_start3A_63 = arith.constant 0 : i32
        %dma_start3A_64 = tpu.memref_slice %arg2[%add3A_60, %dma_start3A_63] : memref<80000x128xf32, #tpu.memory_space<hbm>> -> memref<125x128xf32, #tpu.memory_space<hbm>>
        tpu.enqueue_dma source(%dma_start3A_64 : memref<125x128xf32, #tpu.memory_space<hbm>>) target(%arg8 : memref<125x128xf32, #tpu.memory_space<vmem>>) target_semaphore(%arg11 : memref<!tpu.dma_semaphore, #tpu.memory_space<semaphore_mem>>)
      } else {
      }
    }
    %scan3A_19 = arith.constant 10 : i32
    %barrier3A_20 = arith.constant 0 : index
    tpu.barrier barrier_id(%barrier3A_20)
    %mul3A_21 = arith.constant 625 : i32
    %mul3A_22 = arith.muli %arg1, %mul3A_21 : i32
    %mul3A_23 = arith.constant 625 : i32
    %mul3A_24 = arith.muli %arg1, %mul3A_23 : i32
    "tpu.region"() ({
      %run_scoped3A = tpu.sem_alloc : memref<!tpu.dma_semaphore, #tpu.memory_space<semaphore_mem>>
      %dma_start3A_25 = arith.constant 0 : i32
      %dma_start3A_26 = tpu.memref_slice %arg5[%arg0, %mul3A_24, %dma_start3A_25] : memref<2x10000x128xf32, #tpu.memory_space<hbm>> -> memref<1x625x128xf32, #tpu.memory_space<hbm>>
      %dma_start3A_27 = tpu.memref_squeeze %dma_start3A_26 : memref<1x625x128xf32, #tpu.memory_space<hbm>> -> memref<625x128xf32, #tpu.memory_space<hbm>>
      %dma_start3A_28 = arith.constant 0 : i32
      %dma_start3A_29 = tpu.memref_slice %arg9[%mul3A_22, %dma_start3A_28] : memref<10000x128xf32, #tpu.memory_space<vmem_shared>> -> memref<625x128xf32, #tpu.memory_space<vmem_shared>>
      tpu.enqueue_dma source(%dma_start3A_29 : memref<625x128xf32, #tpu.memory_space<vmem_shared>>) target(%dma_start3A_27 : memref<625x128xf32, #tpu.memory_space<hbm>>) target_semaphore(%run_scoped3A : memref<!tpu.dma_semaphore, #tpu.memory_space<semaphore_mem>>)
      %dma_wait3A = arith.constant 0 : i32
      %dma_wait3A_30 = tpu.memref_slice %arg5[%arg0, %mul3A_24, %dma_wait3A] : memref<2x10000x128xf32, #tpu.memory_space<hbm>> -> memref<1x625x128xf32, #tpu.memory_space<hbm>>
      %dma_wait3A_31 = tpu.memref_squeeze %dma_wait3A_30 : memref<1x625x128xf32, #tpu.memory_space<hbm>> -> memref<625x128xf32, #tpu.memory_space<hbm>>
      %dma_wait3A_32 = arith.constant 0 : i32
      %dma_wait3A_33 = tpu.memref_slice %arg9[%mul3A_22, %dma_wait3A_32] : memref<10000x128xf32, #tpu.memory_space<vmem_shared>> -> memref<625x128xf32, #tpu.memory_space<vmem_shared>>
      tpu.wait_dma2 semaphore(%run_scoped3A : memref<!tpu.dma_semaphore, #tpu.memory_space<semaphore_mem>>) src(%dma_wait3A_33 : memref<625x128xf32, #tpu.memory_space<vmem_shared>>) dst(%dma_wait3A_31 : memref<625x128xf32, #tpu.memory_space<hbm>>)
      tpu.yield
    }) : () -> ()
    return
  }
}

module attributes {stable_mosaic.version = 14 : i64} {
  func.func @_score_body(%arg0: i32, %arg1: memref<4000x128xf32, #tpu.memory_space<vmem>>, %arg2: memref<1x1x4000xi32, #tpu.memory_space<vmem>>, %arg3: memref<128x128xf32, #tpu.memory_space<vmem>>, %arg4: memref<1x128xf32, #tpu.memory_space<vmem>>, %arg5: memref<128x1xf32, #tpu.memory_space<vmem>>, %arg6: memref<1x1xf32, #tpu.memory_space<vmem>>, %arg7: memref<4000x128xf32, #tpu.memory_space<vmem>>, %arg8: memref<10000x1xf32, #tpu.memory_space<vmem>>, %arg9: memref<10000x1xf32, #tpu.memory_space<vmem>>) attributes {dimension_semantics = [#tpu.dimension_semantics<arbitrary>], iteration_bounds = array<i64: 20>, scalar_prefetch = 0 : i64, scratch_operands = 1 : i64, tpu.core_type = #tpu.core_type<tc>, window_params = [{transform_indices = @transform_0, window_bounds = array<i64: 4000, 128>}, {transform_indices = @transform_1, window_bounds = array<i64: 1, 1, 4000>}, {pipeline_mode = #tpu.pipeline_mode<synchronous>, transform_indices = @transform_2, window_bounds = array<i64: 128, 128>}, {pipeline_mode = #tpu.pipeline_mode<synchronous>, transform_indices = @transform_3, window_bounds = array<i64: 1, 128>}, {pipeline_mode = #tpu.pipeline_mode<synchronous>, transform_indices = @transform_4, window_bounds = array<i64: 128, 1>}, {pipeline_mode = #tpu.pipeline_mode<synchronous>, transform_indices = @transform_5, window_bounds = array<i64: 1, 1>}, {transform_indices = @transform_6, window_bounds = array<i64: 4000, 128>}, {pipeline_mode = #tpu.pipeline_mode<synchronous>, transform_indices = @transform_7, window_bounds = array<i64: 10000, 1>}]} {
    %eq3A = arith.constant 0 : i32
    %eq3A_0 = arith.cmpi eq, %arg0, %eq3A : i32
    %convert_element_type3A = arith.extui %eq3A_0 : i1 to i32
    %cond3A = arith.constant 0 : i32
    %cond3A_1 = arith.cmpi ne, %convert_element_type3A, %cond3A : i32
    scf.if %cond3A_1 {
      %broadcast_in_dim3A = arith.constant 0.000000e+00 : f32
      %broadcast_in_dim3A_43 = vector.broadcast %broadcast_in_dim3A : f32 to vector<10000x1xf32>
      %swap3A_44 = arith.constant 0 : index
      %swap3A_45 = arith.constant 0 : index
      %swap3A_46 = vector.load %arg9[%swap3A_44, %swap3A_45] : memref<10000x1xf32, #tpu.memory_space<vmem>>, vector<10000x1xf32>
      tpu.vector_store %arg9[%swap3A_44, %swap3A_45], %broadcast_in_dim3A_43 {strides = array<i32>} : memref<10000x1xf32, #tpu.memory_space<vmem>>, vector<10000x1xf32>,
    } else {
    }
    %get3A = arith.constant 0 : index
    %get3A_2 = arith.constant 0 : index
    %get3A_3 = vector.load %arg1[%get3A, %get3A_2] : memref<4000x128xf32, #tpu.memory_space<vmem>>, vector<4000x128xf32>
    %get3A_4 = arith.constant 0 : index
    %get3A_5 = arith.constant 0 : index
    %get3A_6 = vector.load %arg3[%get3A_4, %get3A_5] : memref<128x128xf32, #tpu.memory_space<vmem>>, vector<128x128xf32>
    %dot_general3A = arith.constant dense<0.000000e+00> : vector<4000x128xf32>
    %dot_general3A_7 = tpu.matmul %get3A_3, %get3A_6, %dot_general3A {dimension_numbers = #tpu.dot_dimension_numbers<[1], [0], [0], [1], [0, 0, 1, 1], [], []>, transpose_lhs_hint = false} : vector<4000x128xf32>, vector<128x128xf32>, vector<4000x128xf32> -> vector<4000x128xf32>
    %get3A_8 = arith.constant 0 : index
    %get3A_9 = arith.constant 0 : index
    %get3A_10 = vector.load %arg4[%get3A_8, %get3A_9] : memref<1x128xf32, #tpu.memory_space<vmem>>, vector<1x128xf32>
    %add3A = vector.broadcast %get3A_10 : vector<1x128xf32> to vector<4000x128xf32>
    %add3A_11 = arith.addf %dot_general3A_7, %add3A : vector<4000x128xf32>
    %tanh3A = math.tanh %add3A_11 : vector<4000x128xf32>
    %get3A_12 = arith.constant 0 : index
    %get3A_13 = arith.constant 0 : index
    %get3A_14 = vector.load %arg5[%get3A_12, %get3A_13] : memref<128x1xf32, #tpu.memory_space<vmem>>, vector<128x1xf32>
    %dot_general3A_15 = arith.constant dense<0.000000e+00> : vector<4000x1xf32>
    %dot_general3A_16 = tpu.matmul %tanh3A, %get3A_14, %dot_general3A_15 {dimension_numbers = #tpu.dot_dimension_numbers<[1], [0], [0], [1], [0, 0, 1, 1], [], []>, transpose_lhs_hint = false} : vector<4000x128xf32>, vector<128x1xf32>, vector<4000x1xf32> -> vector<4000x1xf32>
    %get3A_17 = arith.constant 0 : index
    %get3A_18 = arith.constant 0 : index
    %get3A_19 = vector.load %arg6[%get3A_17, %get3A_18] : memref<1x1xf32, #tpu.memory_space<vmem>>, vector<1x1xf32>
    %add3A_20 = vector.broadcast %get3A_19 : vector<1x1xf32> to vector<4000x1xf32>
    %add3A_21 = arith.addf %dot_general3A_16, %add3A_20 : vector<4000x1xf32>
    %exp3A = math.exp %add3A_21 : vector<4000x1xf32>
    %mul3A = vector.broadcast %exp3A : vector<4000x1xf32> to vector<4000x128xf32>
    %mul3A_22 = arith.mulf %get3A_3, %mul3A : vector<4000x128xf32>
    %swap3A = arith.constant 0 : index
    %swap3A_23 = arith.constant 0 : index
    %swap3A_24 = vector.load %arg7[%swap3A, %swap3A_23] : memref<4000x128xf32, #tpu.memory_space<vmem>>, vector<4000x128xf32>
    tpu.vector_store %arg7[%swap3A, %swap3A_23], %mul3A_22 {strides = array<i32>} : memref<4000x128xf32, #tpu.memory_space<vmem>>, vector<4000x128xf32>,
    %get3A_25 = arith.constant 0 : index
    %get3A_26 = arith.constant 0 : index
    %get3A_27 = arith.constant 0 : index
    %get3A_28 = vector.load %arg2[%get3A_25, %get3A_26, %get3A_27] : memref<1x1x4000xi32, #tpu.memory_space<vmem>>, vector<1x1x4000xi32>
    %get3A_29 = vector.shape_cast %get3A_28 : vector<1x1x4000xi32> to vector<1x4000xi32>
    %reduce_min3A = vector.shape_cast %get3A_29 : vector<1x4000xi32> to vector<1x1x4000xi32>
    %reduce_min3A_30 = arith.constant dense<2147483647> : vector<1xi32>
    %reduce_min3A_31 = vector.multi_reduction <minsi>, %reduce_min3A, %reduce_min3A_30 [1, 2] : vector<1x1x4000xi32> to vector<1xi32>
    %reduce_min3A_32 = vector.shape_cast %reduce_min3A_31 : vector<1xi32> to vector<1x1x1xi32>
    %reduce_min3A_33 = vector.extract %reduce_min3A_32[0, 0, 0] : i32 from vector<1x1x1xi32>
    %reduce_max3A = vector.shape_cast %get3A_29 : vector<1x4000xi32> to vector<1x1x4000xi32>
    %reduce_max3A_34 = arith.constant dense<-2147483648> : vector<1xi32>
    %reduce_max3A_35 = vector.multi_reduction <maxsi>, %reduce_max3A, %reduce_max3A_34 [1, 2] : vector<1x1x4000xi32> to vector<1xi32>
    %reduce_max3A_36 = vector.shape_cast %reduce_max3A_35 : vector<1xi32> to vector<1x1x1xi32>
    %reduce_max3A_37 = vector.extract %reduce_max3A_36[0, 0, 0] : i32 from vector<1x1x1xi32>
    %while3A = scf.while (%while3A_43 = %reduce_min3A_33) : (i32) -> i32 {
      %le3A = arith.cmpi sle, %while3A_43, %reduce_max3A_37 : i32
      scf.condition(%le3A) %while3A_43 : i32
    } do {
    ^bb0(%while3A_43: i32):
      %rem3A = arith.constant 8 : i32
      %rem3A_44 = arith.remsi %while3A_43, %rem3A : i32
      %sub3A = arith.subi %while3A_43, %rem3A_44 : i32
      %min3A = arith.constant 9872 : i32
      %min3A_45 = arith.minsi %sub3A, %min3A : i32
      %iota3A = tpu.iota {dimensions = array<i32: 0>} : vector<128x4000xi32>
      %broadcast_in_dim3A = vector.shape_cast %get3A_29 : vector<1x4000xi32> to vector<1x4000xi32>
      %broadcast_in_dim3A_46 = vector.broadcast %broadcast_in_dim3A : vector<1x4000xi32> to vector<128x4000xi32>
      %add3A_47 = vector.broadcast %min3A_45 : i32 to vector<128x4000xi32>
      %add3A_48 = arith.addi %iota3A, %add3A_47 : vector<128x4000xi32>
      %eq3A_49 = arith.cmpi eq, %broadcast_in_dim3A_46, %add3A_48 : vector<128x4000xi32>
      %ge3A = vector.broadcast %while3A_43 : i32 to vector<128x4000xi32>
      %ge3A_50 = arith.cmpi sge, %broadcast_in_dim3A_46, %ge3A : vector<128x4000xi32>
      %and3A = arith.andi %eq3A_49, %ge3A_50 : vector<128x4000xi1>
      %convert_element_type3A_51 = arith.extui %and3A : vector<128x4000xi1> to vector<128x4000xi32>
      %convert_element_type3A_52 = arith.sitofp %convert_element_type3A_51 : vector<128x4000xi32> to vector<128x4000xf32>
      %dot_general3A_53 = arith.constant dense<0.000000e+00> : vector<128x1xf32>
      %dot_general3A_54 = tpu.matmul %convert_element_type3A_52, %exp3A, %dot_general3A_53 {dimension_numbers = #tpu.dot_dimension_numbers<[1], [0], [0], [1], [0, 0, 1, 1], [], []>, transpose_lhs_hint = false} : vector<128x4000xf32>, vector<4000x1xf32>, vector<128x1xf32> -> vector<128x1xf32>
      %get3A_55 = arith.index_cast %min3A_45 : i32 to index
      %get3A_56 = arith.constant 0 : index
      %get3A_57 = vector.load %arg9[%get3A_55, %get3A_56] : memref<10000x1xf32, #tpu.memory_space<vmem>>, vector<128x1xf32>
      %add3A_58 = arith.addf %get3A_57, %dot_general3A_54 : vector<128x1xf32>
      %swap3A_59 = arith.index_cast %min3A_45 : i32 to index
      %swap3A_60 = arith.constant 0 : index
      %swap3A_61 = vector.load %arg9[%swap3A_59, %swap3A_60] : memref<10000x1xf32, #tpu.memory_space<vmem>>, vector<128x1xf32>
      tpu.vector_store %arg9[%swap3A_59, %swap3A_60], %add3A_58 {strides = array<i32>} : memref<10000x1xf32, #tpu.memory_space<vmem>>, vector<128x1xf32>,
      %add3A_62 = arith.constant 128 : i32
      %add3A_63 = arith.addi %min3A_45, %add3A_62 : i32
      scf.yield %add3A_63 : i32
    }
    %eq3A_38 = arith.constant 19 : i32
    %eq3A_39 = arith.cmpi eq, %arg0, %eq3A_38 : i32
    %convert_element_type3A_40 = arith.extui %eq3A_39 : i1 to i32
    %cond3A_41 = arith.constant 0 : i32
    %cond3A_42 = arith.cmpi ne, %convert_element_type3A_40, %cond3A_41 : i32
    scf.if %cond3A_42 {
      %get3A_43 = arith.constant 0 : index
      %get3A_44 = arith.constant 0 : index
      %get3A_45 = vector.load %arg9[%get3A_43, %get3A_44] : memref<10000x1xf32, #tpu.memory_space<vmem>>, vector<10000x1xf32>
      %swap3A_46 = arith.constant 0 : index
      %swap3A_47 = arith.constant 0 : index
      %swap3A_48 = vector.load %arg8[%swap3A_46, %swap3A_47] : memref<10000x1xf32, #tpu.memory_space<vmem>>, vector<10000x1xf32>
      tpu.vector_store %arg8[%swap3A_46, %swap3A_47], %get3A_45 {strides = array<i32>} : memref<10000x1xf32, #tpu.memory_space<vmem>>, vector<10000x1xf32>,
    } else {
    }
    return
  }
  func.func @transform_0(%arg0: i32) -> (i32, i32) {
    %add3A = arith.constant 60 : i32
    %add3A_0 = arith.addi %add3A, %arg0 : i32
    %c0_i32 = arith.constant 0 : i32
    %c0_i32_1 = arith.constant 0 : i32
    return %add3A_0, %c0_i32 : i32, i32
  }
  func.func @transform_1(%arg0: i32) -> (i32, i32, i32) {
    %add3A = arith.constant 60 : i32
    %add3A_0 = arith.addi %add3A, %arg0 : i32
    %c0_i32 = arith.constant 0 : i32
    %c0_i32_1 = arith.constant 0 : i32
    %c0_i32_2 = arith.constant 0 : i32
    return %add3A_0, %c0_i32, %c0_i32_1 : i32, i32, i32
  }
  func.func @transform_2(%arg0: i32) -> (i32, i32) {
    %c0_i32 = arith.constant 0 : i32
    %c0_i32_0 = arith.constant 0 : i32
    %c0_i32_1 = arith.constant 0 : i32
    return %c0_i32, %c0_i32_0 : i32, i32
  }
  func.func @transform_3(%arg0: i32) -> (i32, i32) {
    %c0_i32 = arith.constant 0 : i32
    %c0_i32_0 = arith.constant 0 : i32
    %c0_i32_1 = arith.constant 0 : i32
    return %c0_i32, %c0_i32_0 : i32, i32
  }
  func.func @transform_4(%arg0: i32) -> (i32, i32) {
    %c0_i32 = arith.constant 0 : i32
    %c0_i32_0 = arith.constant 0 : i32
    %c0_i32_1 = arith.constant 0 : i32
    return %c0_i32, %c0_i32_0 : i32, i32
  }
  func.func @transform_5(%arg0: i32) -> (i32, i32) {
    %c0_i32 = arith.constant 0 : i32
    %c0_i32_0 = arith.constant 0 : i32
    %c0_i32_1 = arith.constant 0 : i32
    return %c0_i32, %c0_i32_0 : i32, i32
  }
  func.func @transform_6(%arg0: i32) -> (i32, i32) {
    %c0_i32 = arith.constant 0 : i32
    %c0_i32_0 = arith.constant 0 : i32
    return %arg0, %c0_i32 : i32, i32
  }
  func.func @transform_7(%arg0: i32) -> (i32, i32) {
    %c0_i32 = arith.constant 0 : i32
    %c0_i32_0 = arith.constant 0 : i32
    %c0_i32_1 = arith.constant 0 : i32
    return %c0_i32, %c0_i32_0 : i32, i32
  }
}

module attributes {stable_mosaic.version = 14 : i64} {
  func.func @_score_body(%arg0: i32, %arg1: memref<4000x128xf32, #tpu.memory_space<vmem>>, %arg2: memref<1x1x4000xi32, #tpu.memory_space<vmem>>, %arg3: memref<128x128xf32, #tpu.memory_space<vmem>>, %arg4: memref<1x128xf32, #tpu.memory_space<vmem>>, %arg5: memref<128x1xf32, #tpu.memory_space<vmem>>, %arg6: memref<1x1xf32, #tpu.memory_space<vmem>>, %arg7: memref<4000x128xf32, #tpu.memory_space<vmem>>, %arg8: memref<10000x1xf32, #tpu.memory_space<vmem>>, %arg9: memref<10000x1xf32, #tpu.memory_space<vmem>>) attributes {dimension_semantics = [#tpu.dimension_semantics<arbitrary>], iteration_bounds = array<i64: 20>, scalar_prefetch = 0 : i64, scratch_operands = 1 : i64, tpu.core_type = #tpu.core_type<tc>, window_params = [{transform_indices = @transform_0, window_bounds = array<i64: 4000, 128>}, {transform_indices = @transform_1, window_bounds = array<i64: 1, 1, 4000>}, {pipeline_mode = #tpu.pipeline_mode<synchronous>, transform_indices = @transform_2, window_bounds = array<i64: 128, 128>}, {pipeline_mode = #tpu.pipeline_mode<synchronous>, transform_indices = @transform_3, window_bounds = array<i64: 1, 128>}, {pipeline_mode = #tpu.pipeline_mode<synchronous>, transform_indices = @transform_4, window_bounds = array<i64: 128, 1>}, {pipeline_mode = #tpu.pipeline_mode<synchronous>, transform_indices = @transform_5, window_bounds = array<i64: 1, 1>}, {transform_indices = @transform_6, window_bounds = array<i64: 4000, 128>}, {pipeline_mode = #tpu.pipeline_mode<synchronous>, transform_indices = @transform_7, window_bounds = array<i64: 10000, 1>}]} {
    %eq3A = arith.constant 0 : i32
    %eq3A_0 = arith.cmpi eq, %arg0, %eq3A : i32
    %convert_element_type3A = arith.extui %eq3A_0 : i1 to i32
    %cond3A = arith.constant 0 : i32
    %cond3A_1 = arith.cmpi ne, %convert_element_type3A, %cond3A : i32
    scf.if %cond3A_1 {
      %broadcast_in_dim3A = arith.constant 0.000000e+00 : f32
      %broadcast_in_dim3A_43 = vector.broadcast %broadcast_in_dim3A : f32 to vector<10000x1xf32>
      %swap3A_44 = arith.constant 0 : index
      %swap3A_45 = arith.constant 0 : index
      %swap3A_46 = vector.load %arg9[%swap3A_44, %swap3A_45] : memref<10000x1xf32, #tpu.memory_space<vmem>>, vector<10000x1xf32>
      tpu.vector_store %arg9[%swap3A_44, %swap3A_45], %broadcast_in_dim3A_43 {strides = array<i32>} : memref<10000x1xf32, #tpu.memory_space<vmem>>, vector<10000x1xf32>,
    } else {
    }
    %get3A = arith.constant 0 : index
    %get3A_2 = arith.constant 0 : index
    %get3A_3 = vector.load %arg1[%get3A, %get3A_2] : memref<4000x128xf32, #tpu.memory_space<vmem>>, vector<4000x128xf32>
    %get3A_4 = arith.constant 0 : index
    %get3A_5 = arith.constant 0 : index
    %get3A_6 = vector.load %arg3[%get3A_4, %get3A_5] : memref<128x128xf32, #tpu.memory_space<vmem>>, vector<128x128xf32>
    %dot_general3A = arith.constant dense<0.000000e+00> : vector<4000x128xf32>
    %dot_general3A_7 = tpu.matmul %get3A_3, %get3A_6, %dot_general3A {dimension_numbers = #tpu.dot_dimension_numbers<[1], [0], [0], [1], [0, 0, 1, 1], [], []>, transpose_lhs_hint = false} : vector<4000x128xf32>, vector<128x128xf32>, vector<4000x128xf32> -> vector<4000x128xf32>
    %get3A_8 = arith.constant 0 : index
    %get3A_9 = arith.constant 0 : index
    %get3A_10 = vector.load %arg4[%get3A_8, %get3A_9] : memref<1x128xf32, #tpu.memory_space<vmem>>, vector<1x128xf32>
    %add3A = vector.broadcast %get3A_10 : vector<1x128xf32> to vector<4000x128xf32>
    %add3A_11 = arith.addf %dot_general3A_7, %add3A : vector<4000x128xf32>
    %tanh3A = math.tanh %add3A_11 : vector<4000x128xf32>
    %get3A_12 = arith.constant 0 : index
    %get3A_13 = arith.constant 0 : index
    %get3A_14 = vector.load %arg5[%get3A_12, %get3A_13] : memref<128x1xf32, #tpu.memory_space<vmem>>, vector<128x1xf32>
    %dot_general3A_15 = arith.constant dense<0.000000e+00> : vector<4000x1xf32>
    %dot_general3A_16 = tpu.matmul %tanh3A, %get3A_14, %dot_general3A_15 {dimension_numbers = #tpu.dot_dimension_numbers<[1], [0], [0], [1], [0, 0, 1, 1], [], []>, transpose_lhs_hint = false} : vector<4000x128xf32>, vector<128x1xf32>, vector<4000x1xf32> -> vector<4000x1xf32>
    %get3A_17 = arith.constant 0 : index
    %get3A_18 = arith.constant 0 : index
    %get3A_19 = vector.load %arg6[%get3A_17, %get3A_18] : memref<1x1xf32, #tpu.memory_space<vmem>>, vector<1x1xf32>
    %add3A_20 = vector.broadcast %get3A_19 : vector<1x1xf32> to vector<4000x1xf32>
    %add3A_21 = arith.addf %dot_general3A_16, %add3A_20 : vector<4000x1xf32>
    %exp3A = math.exp %add3A_21 : vector<4000x1xf32>
    %mul3A = vector.broadcast %exp3A : vector<4000x1xf32> to vector<4000x128xf32>
    %mul3A_22 = arith.mulf %get3A_3, %mul3A : vector<4000x128xf32>
    %swap3A = arith.constant 0 : index
    %swap3A_23 = arith.constant 0 : index
    %swap3A_24 = vector.load %arg7[%swap3A, %swap3A_23] : memref<4000x128xf32, #tpu.memory_space<vmem>>, vector<4000x128xf32>
    tpu.vector_store %arg7[%swap3A, %swap3A_23], %mul3A_22 {strides = array<i32>} : memref<4000x128xf32, #tpu.memory_space<vmem>>, vector<4000x128xf32>,
    %get3A_25 = arith.constant 0 : index
    %get3A_26 = arith.constant 0 : index
    %get3A_27 = arith.constant 0 : index
    %get3A_28 = vector.load %arg2[%get3A_25, %get3A_26, %get3A_27] : memref<1x1x4000xi32, #tpu.memory_space<vmem>>, vector<1x1x4000xi32>
    %get3A_29 = vector.shape_cast %get3A_28 : vector<1x1x4000xi32> to vector<1x4000xi32>
    %reduce_min3A = vector.shape_cast %get3A_29 : vector<1x4000xi32> to vector<1x1x4000xi32>
    %reduce_min3A_30 = arith.constant dense<2147483647> : vector<1xi32>
    %reduce_min3A_31 = vector.multi_reduction <minsi>, %reduce_min3A, %reduce_min3A_30 [1, 2] : vector<1x1x4000xi32> to vector<1xi32>
    %reduce_min3A_32 = vector.shape_cast %reduce_min3A_31 : vector<1xi32> to vector<1x1x1xi32>
    %reduce_min3A_33 = vector.extract %reduce_min3A_32[0, 0, 0] : i32 from vector<1x1x1xi32>
    %reduce_max3A = vector.shape_cast %get3A_29 : vector<1x4000xi32> to vector<1x1x4000xi32>
    %reduce_max3A_34 = arith.constant dense<-2147483648> : vector<1xi32>
    %reduce_max3A_35 = vector.multi_reduction <maxsi>, %reduce_max3A, %reduce_max3A_34 [1, 2] : vector<1x1x4000xi32> to vector<1xi32>
    %reduce_max3A_36 = vector.shape_cast %reduce_max3A_35 : vector<1xi32> to vector<1x1x1xi32>
    %reduce_max3A_37 = vector.extract %reduce_max3A_36[0, 0, 0] : i32 from vector<1x1x1xi32>
    %while3A = scf.while (%while3A_43 = %reduce_min3A_33) : (i32) -> i32 {
      %le3A = arith.cmpi sle, %while3A_43, %reduce_max3A_37 : i32
      scf.condition(%le3A) %while3A_43 : i32
    } do {
    ^bb0(%while3A_43: i32):
      %rem3A = arith.constant 8 : i32
      %rem3A_44 = arith.remsi %while3A_43, %rem3A : i32
      %sub3A = arith.subi %while3A_43, %rem3A_44 : i32
      %min3A = arith.constant 9872 : i32
      %min3A_45 = arith.minsi %sub3A, %min3A : i32
      %iota3A = tpu.iota {dimensions = array<i32: 0>} : vector<128x4000xi32>
      %broadcast_in_dim3A = vector.shape_cast %get3A_29 : vector<1x4000xi32> to vector<1x4000xi32>
      %broadcast_in_dim3A_46 = vector.broadcast %broadcast_in_dim3A : vector<1x4000xi32> to vector<128x4000xi32>
      %add3A_47 = vector.broadcast %min3A_45 : i32 to vector<128x4000xi32>
      %add3A_48 = arith.addi %iota3A, %add3A_47 : vector<128x4000xi32>
      %eq3A_49 = arith.cmpi eq, %broadcast_in_dim3A_46, %add3A_48 : vector<128x4000xi32>
      %ge3A = vector.broadcast %while3A_43 : i32 to vector<128x4000xi32>
      %ge3A_50 = arith.cmpi sge, %broadcast_in_dim3A_46, %ge3A : vector<128x4000xi32>
      %and3A = arith.andi %eq3A_49, %ge3A_50 : vector<128x4000xi1>
      %convert_element_type3A_51 = arith.extui %and3A : vector<128x4000xi1> to vector<128x4000xi32>
      %convert_element_type3A_52 = arith.sitofp %convert_element_type3A_51 : vector<128x4000xi32> to vector<128x4000xf32>
      %dot_general3A_53 = arith.constant dense<0.000000e+00> : vector<128x1xf32>
      %dot_general3A_54 = tpu.matmul %convert_element_type3A_52, %exp3A, %dot_general3A_53 {dimension_numbers = #tpu.dot_dimension_numbers<[1], [0], [0], [1], [0, 0, 1, 1], [], []>, transpose_lhs_hint = false} : vector<128x4000xf32>, vector<4000x1xf32>, vector<128x1xf32> -> vector<128x1xf32>
      %get3A_55 = arith.index_cast %min3A_45 : i32 to index
      %get3A_56 = arith.constant 0 : index
      %get3A_57 = vector.load %arg9[%get3A_55, %get3A_56] : memref<10000x1xf32, #tpu.memory_space<vmem>>, vector<128x1xf32>
      %add3A_58 = arith.addf %get3A_57, %dot_general3A_54 : vector<128x1xf32>
      %swap3A_59 = arith.index_cast %min3A_45 : i32 to index
      %swap3A_60 = arith.constant 0 : index
      %swap3A_61 = vector.load %arg9[%swap3A_59, %swap3A_60] : memref<10000x1xf32, #tpu.memory_space<vmem>>, vector<128x1xf32>
      tpu.vector_store %arg9[%swap3A_59, %swap3A_60], %add3A_58 {strides = array<i32>} : memref<10000x1xf32, #tpu.memory_space<vmem>>, vector<128x1xf32>,
      %add3A_62 = arith.constant 128 : i32
      %add3A_63 = arith.addi %min3A_45, %add3A_62 : i32
      scf.yield %add3A_63 : i32
    }
    %eq3A_38 = arith.constant 19 : i32
    %eq3A_39 = arith.cmpi eq, %arg0, %eq3A_38 : i32
    %convert_element_type3A_40 = arith.extui %eq3A_39 : i1 to i32
    %cond3A_41 = arith.constant 0 : i32
    %cond3A_42 = arith.cmpi ne, %convert_element_type3A_40, %cond3A_41 : i32
    scf.if %cond3A_42 {
      %get3A_43 = arith.constant 0 : index
      %get3A_44 = arith.constant 0 : index
      %get3A_45 = vector.load %arg9[%get3A_43, %get3A_44] : memref<10000x1xf32, #tpu.memory_space<vmem>>, vector<10000x1xf32>
      %swap3A_46 = arith.constant 0 : index
      %swap3A_47 = arith.constant 0 : index
      %swap3A_48 = vector.load %arg8[%swap3A_46, %swap3A_47] : memref<10000x1xf32, #tpu.memory_space<vmem>>, vector<10000x1xf32>
      tpu.vector_store %arg8[%swap3A_46, %swap3A_47], %get3A_45 {strides = array<i32>} : memref<10000x1xf32, #tpu.memory_space<vmem>>, vector<10000x1xf32>,
    } else {
    }
    return
  }
  func.func @transform_0(%arg0: i32) -> (i32, i32) {
    %add3A = arith.constant 40 : i32
    %add3A_0 = arith.addi %add3A, %arg0 : i32
    %c0_i32 = arith.constant 0 : i32
    %c0_i32_1 = arith.constant 0 : i32
    return %add3A_0, %c0_i32 : i32, i32
  }
  func.func @transform_1(%arg0: i32) -> (i32, i32, i32) {
    %add3A = arith.constant 40 : i32
    %add3A_0 = arith.addi %add3A, %arg0 : i32
    %c0_i32 = arith.constant 0 : i32
    %c0_i32_1 = arith.constant 0 : i32
    %c0_i32_2 = arith.constant 0 : i32
    return %add3A_0, %c0_i32, %c0_i32_1 : i32, i32, i32
  }
  func.func @transform_2(%arg0: i32) -> (i32, i32) {
    %c0_i32 = arith.constant 0 : i32
    %c0_i32_0 = arith.constant 0 : i32
    %c0_i32_1 = arith.constant 0 : i32
    return %c0_i32, %c0_i32_0 : i32, i32
  }
  func.func @transform_3(%arg0: i32) -> (i32, i32) {
    %c0_i32 = arith.constant 0 : i32
    %c0_i32_0 = arith.constant 0 : i32
    %c0_i32_1 = arith.constant 0 : i32
    return %c0_i32, %c0_i32_0 : i32, i32
  }
  func.func @transform_4(%arg0: i32) -> (i32, i32) {
    %c0_i32 = arith.constant 0 : i32
    %c0_i32_0 = arith.constant 0 : i32
    %c0_i32_1 = arith.constant 0 : i32
    return %c0_i32, %c0_i32_0 : i32, i32
  }
  func.func @transform_5(%arg0: i32) -> (i32, i32) {
    %c0_i32 = arith.constant 0 : i32
    %c0_i32_0 = arith.constant 0 : i32
    %c0_i32_1 = arith.constant 0 : i32
    return %c0_i32, %c0_i32_0 : i32, i32
  }
  func.func @transform_6(%arg0: i32) -> (i32, i32) {
    %c0_i32 = arith.constant 0 : i32
    %c0_i32_0 = arith.constant 0 : i32
    return %arg0, %c0_i32 : i32, i32
  }
  func.func @transform_7(%arg0: i32) -> (i32, i32) {
    %c0_i32 = arith.constant 0 : i32
    %c0_i32_0 = arith.constant 0 : i32
    %c0_i32_1 = arith.constant 0 : i32
    return %c0_i32, %c0_i32_0 : i32, i32
  }
}

module attributes {stable_mosaic.version = 14 : i64} {
  func.func @_score_body(%arg0: i32, %arg1: memref<4000x128xf32, #tpu.memory_space<vmem>>, %arg2: memref<1x1x4000xi32, #tpu.memory_space<vmem>>, %arg3: memref<128x128xf32, #tpu.memory_space<vmem>>, %arg4: memref<1x128xf32, #tpu.memory_space<vmem>>, %arg5: memref<128x1xf32, #tpu.memory_space<vmem>>, %arg6: memref<1x1xf32, #tpu.memory_space<vmem>>, %arg7: memref<4000x128xf32, #tpu.memory_space<vmem>>, %arg8: memref<10000x1xf32, #tpu.memory_space<vmem>>, %arg9: memref<10000x1xf32, #tpu.memory_space<vmem>>) attributes {dimension_semantics = [#tpu.dimension_semantics<arbitrary>], iteration_bounds = array<i64: 20>, scalar_prefetch = 0 : i64, scratch_operands = 1 : i64, tpu.core_type = #tpu.core_type<tc>, window_params = [{transform_indices = @transform_0, window_bounds = array<i64: 4000, 128>}, {transform_indices = @transform_1, window_bounds = array<i64: 1, 1, 4000>}, {pipeline_mode = #tpu.pipeline_mode<synchronous>, transform_indices = @transform_2, window_bounds = array<i64: 128, 128>}, {pipeline_mode = #tpu.pipeline_mode<synchronous>, transform_indices = @transform_3, window_bounds = array<i64: 1, 128>}, {pipeline_mode = #tpu.pipeline_mode<synchronous>, transform_indices = @transform_4, window_bounds = array<i64: 128, 1>}, {pipeline_mode = #tpu.pipeline_mode<synchronous>, transform_indices = @transform_5, window_bounds = array<i64: 1, 1>}, {transform_indices = @transform_6, window_bounds = array<i64: 4000, 128>}, {pipeline_mode = #tpu.pipeline_mode<synchronous>, transform_indices = @transform_7, window_bounds = array<i64: 10000, 1>}]} {
    %eq3A = arith.constant 0 : i32
    %eq3A_0 = arith.cmpi eq, %arg0, %eq3A : i32
    %convert_element_type3A = arith.extui %eq3A_0 : i1 to i32
    %cond3A = arith.constant 0 : i32
    %cond3A_1 = arith.cmpi ne, %convert_element_type3A, %cond3A : i32
    scf.if %cond3A_1 {
      %broadcast_in_dim3A = arith.constant 0.000000e+00 : f32
      %broadcast_in_dim3A_43 = vector.broadcast %broadcast_in_dim3A : f32 to vector<10000x1xf32>
      %swap3A_44 = arith.constant 0 : index
      %swap3A_45 = arith.constant 0 : index
      %swap3A_46 = vector.load %arg9[%swap3A_44, %swap3A_45] : memref<10000x1xf32, #tpu.memory_space<vmem>>, vector<10000x1xf32>
      tpu.vector_store %arg9[%swap3A_44, %swap3A_45], %broadcast_in_dim3A_43 {strides = array<i32>} : memref<10000x1xf32, #tpu.memory_space<vmem>>, vector<10000x1xf32>,
    } else {
    }
    %get3A = arith.constant 0 : index
    %get3A_2 = arith.constant 0 : index
    %get3A_3 = vector.load %arg1[%get3A, %get3A_2] : memref<4000x128xf32, #tpu.memory_space<vmem>>, vector<4000x128xf32>
    %get3A_4 = arith.constant 0 : index
    %get3A_5 = arith.constant 0 : index
    %get3A_6 = vector.load %arg3[%get3A_4, %get3A_5] : memref<128x128xf32, #tpu.memory_space<vmem>>, vector<128x128xf32>
    %dot_general3A = arith.constant dense<0.000000e+00> : vector<4000x128xf32>
    %dot_general3A_7 = tpu.matmul %get3A_3, %get3A_6, %dot_general3A {dimension_numbers = #tpu.dot_dimension_numbers<[1], [0], [0], [1], [0, 0, 1, 1], [], []>, transpose_lhs_hint = false} : vector<4000x128xf32>, vector<128x128xf32>, vector<4000x128xf32> -> vector<4000x128xf32>
    %get3A_8 = arith.constant 0 : index
    %get3A_9 = arith.constant 0 : index
    %get3A_10 = vector.load %arg4[%get3A_8, %get3A_9] : memref<1x128xf32, #tpu.memory_space<vmem>>, vector<1x128xf32>
    %add3A = vector.broadcast %get3A_10 : vector<1x128xf32> to vector<4000x128xf32>
    %add3A_11 = arith.addf %dot_general3A_7, %add3A : vector<4000x128xf32>
    %tanh3A = math.tanh %add3A_11 : vector<4000x128xf32>
    %get3A_12 = arith.constant 0 : index
    %get3A_13 = arith.constant 0 : index
    %get3A_14 = vector.load %arg5[%get3A_12, %get3A_13] : memref<128x1xf32, #tpu.memory_space<vmem>>, vector<128x1xf32>
    %dot_general3A_15 = arith.constant dense<0.000000e+00> : vector<4000x1xf32>
    %dot_general3A_16 = tpu.matmul %tanh3A, %get3A_14, %dot_general3A_15 {dimension_numbers = #tpu.dot_dimension_numbers<[1], [0], [0], [1], [0, 0, 1, 1], [], []>, transpose_lhs_hint = false} : vector<4000x128xf32>, vector<128x1xf32>, vector<4000x1xf32> -> vector<4000x1xf32>
    %get3A_17 = arith.constant 0 : index
    %get3A_18 = arith.constant 0 : index
    %get3A_19 = vector.load %arg6[%get3A_17, %get3A_18] : memref<1x1xf32, #tpu.memory_space<vmem>>, vector<1x1xf32>
    %add3A_20 = vector.broadcast %get3A_19 : vector<1x1xf32> to vector<4000x1xf32>
    %add3A_21 = arith.addf %dot_general3A_16, %add3A_20 : vector<4000x1xf32>
    %exp3A = math.exp %add3A_21 : vector<4000x1xf32>
    %mul3A = vector.broadcast %exp3A : vector<4000x1xf32> to vector<4000x128xf32>
    %mul3A_22 = arith.mulf %get3A_3, %mul3A : vector<4000x128xf32>
    %swap3A = arith.constant 0 : index
    %swap3A_23 = arith.constant 0 : index
    %swap3A_24 = vector.load %arg7[%swap3A, %swap3A_23] : memref<4000x128xf32, #tpu.memory_space<vmem>>, vector<4000x128xf32>
    tpu.vector_store %arg7[%swap3A, %swap3A_23], %mul3A_22 {strides = array<i32>} : memref<4000x128xf32, #tpu.memory_space<vmem>>, vector<4000x128xf32>,
    %get3A_25 = arith.constant 0 : index
    %get3A_26 = arith.constant 0 : index
    %get3A_27 = arith.constant 0 : index
    %get3A_28 = vector.load %arg2[%get3A_25, %get3A_26, %get3A_27] : memref<1x1x4000xi32, #tpu.memory_space<vmem>>, vector<1x1x4000xi32>
    %get3A_29 = vector.shape_cast %get3A_28 : vector<1x1x4000xi32> to vector<1x4000xi32>
    %reduce_min3A = vector.shape_cast %get3A_29 : vector<1x4000xi32> to vector<1x1x4000xi32>
    %reduce_min3A_30 = arith.constant dense<2147483647> : vector<1xi32>
    %reduce_min3A_31 = vector.multi_reduction <minsi>, %reduce_min3A, %reduce_min3A_30 [1, 2] : vector<1x1x4000xi32> to vector<1xi32>
    %reduce_min3A_32 = vector.shape_cast %reduce_min3A_31 : vector<1xi32> to vector<1x1x1xi32>
    %reduce_min3A_33 = vector.extract %reduce_min3A_32[0, 0, 0] : i32 from vector<1x1x1xi32>
    %reduce_max3A = vector.shape_cast %get3A_29 : vector<1x4000xi32> to vector<1x1x4000xi32>
    %reduce_max3A_34 = arith.constant dense<-2147483648> : vector<1xi32>
    %reduce_max3A_35 = vector.multi_reduction <maxsi>, %reduce_max3A, %reduce_max3A_34 [1, 2] : vector<1x1x4000xi32> to vector<1xi32>
    %reduce_max3A_36 = vector.shape_cast %reduce_max3A_35 : vector<1xi32> to vector<1x1x1xi32>
    %reduce_max3A_37 = vector.extract %reduce_max3A_36[0, 0, 0] : i32 from vector<1x1x1xi32>
    %while3A = scf.while (%while3A_43 = %reduce_min3A_33) : (i32) -> i32 {
      %le3A = arith.cmpi sle, %while3A_43, %reduce_max3A_37 : i32
      scf.condition(%le3A) %while3A_43 : i32
    } do {
    ^bb0(%while3A_43: i32):
      %rem3A = arith.constant 8 : i32
      %rem3A_44 = arith.remsi %while3A_43, %rem3A : i32
      %sub3A = arith.subi %while3A_43, %rem3A_44 : i32
      %min3A = arith.constant 9872 : i32
      %min3A_45 = arith.minsi %sub3A, %min3A : i32
      %iota3A = tpu.iota {dimensions = array<i32: 0>} : vector<128x4000xi32>
      %broadcast_in_dim3A = vector.shape_cast %get3A_29 : vector<1x4000xi32> to vector<1x4000xi32>
      %broadcast_in_dim3A_46 = vector.broadcast %broadcast_in_dim3A : vector<1x4000xi32> to vector<128x4000xi32>
      %add3A_47 = vector.broadcast %min3A_45 : i32 to vector<128x4000xi32>
      %add3A_48 = arith.addi %iota3A, %add3A_47 : vector<128x4000xi32>
      %eq3A_49 = arith.cmpi eq, %broadcast_in_dim3A_46, %add3A_48 : vector<128x4000xi32>
      %ge3A = vector.broadcast %while3A_43 : i32 to vector<128x4000xi32>
      %ge3A_50 = arith.cmpi sge, %broadcast_in_dim3A_46, %ge3A : vector<128x4000xi32>
      %and3A = arith.andi %eq3A_49, %ge3A_50 : vector<128x4000xi1>
      %convert_element_type3A_51 = arith.extui %and3A : vector<128x4000xi1> to vector<128x4000xi32>
      %convert_element_type3A_52 = arith.sitofp %convert_element_type3A_51 : vector<128x4000xi32> to vector<128x4000xf32>
      %dot_general3A_53 = arith.constant dense<0.000000e+00> : vector<128x1xf32>
      %dot_general3A_54 = tpu.matmul %convert_element_type3A_52, %exp3A, %dot_general3A_53 {dimension_numbers = #tpu.dot_dimension_numbers<[1], [0], [0], [1], [0, 0, 1, 1], [], []>, transpose_lhs_hint = false} : vector<128x4000xf32>, vector<4000x1xf32>, vector<128x1xf32> -> vector<128x1xf32>
      %get3A_55 = arith.index_cast %min3A_45 : i32 to index
      %get3A_56 = arith.constant 0 : index
      %get3A_57 = vector.load %arg9[%get3A_55, %get3A_56] : memref<10000x1xf32, #tpu.memory_space<vmem>>, vector<128x1xf32>
      %add3A_58 = arith.addf %get3A_57, %dot_general3A_54 : vector<128x1xf32>
      %swap3A_59 = arith.index_cast %min3A_45 : i32 to index
      %swap3A_60 = arith.constant 0 : index
      %swap3A_61 = vector.load %arg9[%swap3A_59, %swap3A_60] : memref<10000x1xf32, #tpu.memory_space<vmem>>, vector<128x1xf32>
      tpu.vector_store %arg9[%swap3A_59, %swap3A_60], %add3A_58 {strides = array<i32>} : memref<10000x1xf32, #tpu.memory_space<vmem>>, vector<128x1xf32>,
      %add3A_62 = arith.constant 128 : i32
      %add3A_63 = arith.addi %min3A_45, %add3A_62 : i32
      scf.yield %add3A_63 : i32
    }
    %eq3A_38 = arith.constant 19 : i32
    %eq3A_39 = arith.cmpi eq, %arg0, %eq3A_38 : i32
    %convert_element_type3A_40 = arith.extui %eq3A_39 : i1 to i32
    %cond3A_41 = arith.constant 0 : i32
    %cond3A_42 = arith.cmpi ne, %convert_element_type3A_40, %cond3A_41 : i32
    scf.if %cond3A_42 {
      %get3A_43 = arith.constant 0 : index
      %get3A_44 = arith.constant 0 : index
      %get3A_45 = vector.load %arg9[%get3A_43, %get3A_44] : memref<10000x1xf32, #tpu.memory_space<vmem>>, vector<10000x1xf32>
      %swap3A_46 = arith.constant 0 : index
      %swap3A_47 = arith.constant 0 : index
      %swap3A_48 = vector.load %arg8[%swap3A_46, %swap3A_47] : memref<10000x1xf32, #tpu.memory_space<vmem>>, vector<10000x1xf32>
      tpu.vector_store %arg8[%swap3A_46, %swap3A_47], %get3A_45 {strides = array<i32>} : memref<10000x1xf32, #tpu.memory_space<vmem>>, vector<10000x1xf32>,
    } else {
    }
    return
  }
  func.func @transform_0(%arg0: i32) -> (i32, i32) {
    %add3A = arith.constant 20 : i32
    %add3A_0 = arith.addi %add3A, %arg0 : i32
    %c0_i32 = arith.constant 0 : i32
    %c0_i32_1 = arith.constant 0 : i32
    return %add3A_0, %c0_i32 : i32, i32
  }
  func.func @transform_1(%arg0: i32) -> (i32, i32, i32) {
    %add3A = arith.constant 20 : i32
    %add3A_0 = arith.addi %add3A, %arg0 : i32
    %c0_i32 = arith.constant 0 : i32
    %c0_i32_1 = arith.constant 0 : i32
    %c0_i32_2 = arith.constant 0 : i32
    return %add3A_0, %c0_i32, %c0_i32_1 : i32, i32, i32
  }
  func.func @transform_2(%arg0: i32) -> (i32, i32) {
    %c0_i32 = arith.constant 0 : i32
    %c0_i32_0 = arith.constant 0 : i32
    %c0_i32_1 = arith.constant 0 : i32
    return %c0_i32, %c0_i32_0 : i32, i32
  }
  func.func @transform_3(%arg0: i32) -> (i32, i32) {
    %c0_i32 = arith.constant 0 : i32
    %c0_i32_0 = arith.constant 0 : i32
    %c0_i32_1 = arith.constant 0 : i32
    return %c0_i32, %c0_i32_0 : i32, i32
  }
  func.func @transform_4(%arg0: i32) -> (i32, i32) {
    %c0_i32 = arith.constant 0 : i32
    %c0_i32_0 = arith.constant 0 : i32
    %c0_i32_1 = arith.constant 0 : i32
    return %c0_i32, %c0_i32_0 : i32, i32
  }
  func.func @transform_5(%arg0: i32) -> (i32, i32) {
    %c0_i32 = arith.constant 0 : i32
    %c0_i32_0 = arith.constant 0 : i32
    %c0_i32_1 = arith.constant 0 : i32
    return %c0_i32, %c0_i32_0 : i32, i32
  }
  func.func @transform_6(%arg0: i32) -> (i32, i32) {
    %c0_i32 = arith.constant 0 : i32
    %c0_i32_0 = arith.constant 0 : i32
    return %arg0, %c0_i32 : i32, i32
  }
  func.func @transform_7(%arg0: i32) -> (i32, i32) {
    %c0_i32 = arith.constant 0 : i32
    %c0_i32_0 = arith.constant 0 : i32
    %c0_i32_1 = arith.constant 0 : i32
    return %c0_i32, %c0_i32_0 : i32, i32
  }
}

module attributes {stable_mosaic.version = 14 : i64} {
  func.func @_score_body(%arg0: i32, %arg1: memref<4000x128xf32, #tpu.memory_space<vmem>>, %arg2: memref<1x1x4000xi32, #tpu.memory_space<vmem>>, %arg3: memref<128x128xf32, #tpu.memory_space<vmem>>, %arg4: memref<1x128xf32, #tpu.memory_space<vmem>>, %arg5: memref<128x1xf32, #tpu.memory_space<vmem>>, %arg6: memref<1x1xf32, #tpu.memory_space<vmem>>, %arg7: memref<4000x128xf32, #tpu.memory_space<vmem>>, %arg8: memref<10000x1xf32, #tpu.memory_space<vmem>>, %arg9: memref<10000x1xf32, #tpu.memory_space<vmem>>) attributes {dimension_semantics = [#tpu.dimension_semantics<arbitrary>], iteration_bounds = array<i64: 20>, scalar_prefetch = 0 : i64, scratch_operands = 1 : i64, tpu.core_type = #tpu.core_type<tc>, window_params = [{transform_indices = @transform_0, window_bounds = array<i64: 4000, 128>}, {transform_indices = @transform_1, window_bounds = array<i64: 1, 1, 4000>}, {pipeline_mode = #tpu.pipeline_mode<synchronous>, transform_indices = @transform_2, window_bounds = array<i64: 128, 128>}, {pipeline_mode = #tpu.pipeline_mode<synchronous>, transform_indices = @transform_3, window_bounds = array<i64: 1, 128>}, {pipeline_mode = #tpu.pipeline_mode<synchronous>, transform_indices = @transform_4, window_bounds = array<i64: 128, 1>}, {pipeline_mode = #tpu.pipeline_mode<synchronous>, transform_indices = @transform_5, window_bounds = array<i64: 1, 1>}, {transform_indices = @transform_6, window_bounds = array<i64: 4000, 128>}, {pipeline_mode = #tpu.pipeline_mode<synchronous>, transform_indices = @transform_7, window_bounds = array<i64: 10000, 1>}]} {
    %eq3A = arith.constant 0 : i32
    %eq3A_0 = arith.cmpi eq, %arg0, %eq3A : i32
    %convert_element_type3A = arith.extui %eq3A_0 : i1 to i32
    %cond3A = arith.constant 0 : i32
    %cond3A_1 = arith.cmpi ne, %convert_element_type3A, %cond3A : i32
    scf.if %cond3A_1 {
      %broadcast_in_dim3A = arith.constant 0.000000e+00 : f32
      %broadcast_in_dim3A_43 = vector.broadcast %broadcast_in_dim3A : f32 to vector<10000x1xf32>
      %swap3A_44 = arith.constant 0 : index
      %swap3A_45 = arith.constant 0 : index
      %swap3A_46 = vector.load %arg9[%swap3A_44, %swap3A_45] : memref<10000x1xf32, #tpu.memory_space<vmem>>, vector<10000x1xf32>
      tpu.vector_store %arg9[%swap3A_44, %swap3A_45], %broadcast_in_dim3A_43 {strides = array<i32>} : memref<10000x1xf32, #tpu.memory_space<vmem>>, vector<10000x1xf32>,
    } else {
    }
    %get3A = arith.constant 0 : index
    %get3A_2 = arith.constant 0 : index
    %get3A_3 = vector.load %arg1[%get3A, %get3A_2] : memref<4000x128xf32, #tpu.memory_space<vmem>>, vector<4000x128xf32>
    %get3A_4 = arith.constant 0 : index
    %get3A_5 = arith.constant 0 : index
    %get3A_6 = vector.load %arg3[%get3A_4, %get3A_5] : memref<128x128xf32, #tpu.memory_space<vmem>>, vector<128x128xf32>
    %dot_general3A = arith.constant dense<0.000000e+00> : vector<4000x128xf32>
    %dot_general3A_7 = tpu.matmul %get3A_3, %get3A_6, %dot_general3A {dimension_numbers = #tpu.dot_dimension_numbers<[1], [0], [0], [1], [0, 0, 1, 1], [], []>, transpose_lhs_hint = false} : vector<4000x128xf32>, vector<128x128xf32>, vector<4000x128xf32> -> vector<4000x128xf32>
    %get3A_8 = arith.constant 0 : index
    %get3A_9 = arith.constant 0 : index
    %get3A_10 = vector.load %arg4[%get3A_8, %get3A_9] : memref<1x128xf32, #tpu.memory_space<vmem>>, vector<1x128xf32>
    %add3A = vector.broadcast %get3A_10 : vector<1x128xf32> to vector<4000x128xf32>
    %add3A_11 = arith.addf %dot_general3A_7, %add3A : vector<4000x128xf32>
    %tanh3A = math.tanh %add3A_11 : vector<4000x128xf32>
    %get3A_12 = arith.constant 0 : index
    %get3A_13 = arith.constant 0 : index
    %get3A_14 = vector.load %arg5[%get3A_12, %get3A_13] : memref<128x1xf32, #tpu.memory_space<vmem>>, vector<128x1xf32>
    %dot_general3A_15 = arith.constant dense<0.000000e+00> : vector<4000x1xf32>
    %dot_general3A_16 = tpu.matmul %tanh3A, %get3A_14, %dot_general3A_15 {dimension_numbers = #tpu.dot_dimension_numbers<[1], [0], [0], [1], [0, 0, 1, 1], [], []>, transpose_lhs_hint = false} : vector<4000x128xf32>, vector<128x1xf32>, vector<4000x1xf32> -> vector<4000x1xf32>
    %get3A_17 = arith.constant 0 : index
    %get3A_18 = arith.constant 0 : index
    %get3A_19 = vector.load %arg6[%get3A_17, %get3A_18] : memref<1x1xf32, #tpu.memory_space<vmem>>, vector<1x1xf32>
    %add3A_20 = vector.broadcast %get3A_19 : vector<1x1xf32> to vector<4000x1xf32>
    %add3A_21 = arith.addf %dot_general3A_16, %add3A_20 : vector<4000x1xf32>
    %exp3A = math.exp %add3A_21 : vector<4000x1xf32>
    %mul3A = vector.broadcast %exp3A : vector<4000x1xf32> to vector<4000x128xf32>
    %mul3A_22 = arith.mulf %get3A_3, %mul3A : vector<4000x128xf32>
    %swap3A = arith.constant 0 : index
    %swap3A_23 = arith.constant 0 : index
    %swap3A_24 = vector.load %arg7[%swap3A, %swap3A_23] : memref<4000x128xf32, #tpu.memory_space<vmem>>, vector<4000x128xf32>
    tpu.vector_store %arg7[%swap3A, %swap3A_23], %mul3A_22 {strides = array<i32>} : memref<4000x128xf32, #tpu.memory_space<vmem>>, vector<4000x128xf32>,
    %get3A_25 = arith.constant 0 : index
    %get3A_26 = arith.constant 0 : index
    %get3A_27 = arith.constant 0 : index
    %get3A_28 = vector.load %arg2[%get3A_25, %get3A_26, %get3A_27] : memref<1x1x4000xi32, #tpu.memory_space<vmem>>, vector<1x1x4000xi32>
    %get3A_29 = vector.shape_cast %get3A_28 : vector<1x1x4000xi32> to vector<1x4000xi32>
    %reduce_min3A = vector.shape_cast %get3A_29 : vector<1x4000xi32> to vector<1x1x4000xi32>
    %reduce_min3A_30 = arith.constant dense<2147483647> : vector<1xi32>
    %reduce_min3A_31 = vector.multi_reduction <minsi>, %reduce_min3A, %reduce_min3A_30 [1, 2] : vector<1x1x4000xi32> to vector<1xi32>
    %reduce_min3A_32 = vector.shape_cast %reduce_min3A_31 : vector<1xi32> to vector<1x1x1xi32>
    %reduce_min3A_33 = vector.extract %reduce_min3A_32[0, 0, 0] : i32 from vector<1x1x1xi32>
    %reduce_max3A = vector.shape_cast %get3A_29 : vector<1x4000xi32> to vector<1x1x4000xi32>
    %reduce_max3A_34 = arith.constant dense<-2147483648> : vector<1xi32>
    %reduce_max3A_35 = vector.multi_reduction <maxsi>, %reduce_max3A, %reduce_max3A_34 [1, 2] : vector<1x1x4000xi32> to vector<1xi32>
    %reduce_max3A_36 = vector.shape_cast %reduce_max3A_35 : vector<1xi32> to vector<1x1x1xi32>
    %reduce_max3A_37 = vector.extract %reduce_max3A_36[0, 0, 0] : i32 from vector<1x1x1xi32>
    %while3A = scf.while (%while3A_43 = %reduce_min3A_33) : (i32) -> i32 {
      %le3A = arith.cmpi sle, %while3A_43, %reduce_max3A_37 : i32
      scf.condition(%le3A) %while3A_43 : i32
    } do {
    ^bb0(%while3A_43: i32):
      %rem3A = arith.constant 8 : i32
      %rem3A_44 = arith.remsi %while3A_43, %rem3A : i32
      %sub3A = arith.subi %while3A_43, %rem3A_44 : i32
      %min3A = arith.constant 9872 : i32
      %min3A_45 = arith.minsi %sub3A, %min3A : i32
      %iota3A = tpu.iota {dimensions = array<i32: 0>} : vector<128x4000xi32>
      %broadcast_in_dim3A = vector.shape_cast %get3A_29 : vector<1x4000xi32> to vector<1x4000xi32>
      %broadcast_in_dim3A_46 = vector.broadcast %broadcast_in_dim3A : vector<1x4000xi32> to vector<128x4000xi32>
      %add3A_47 = vector.broadcast %min3A_45 : i32 to vector<128x4000xi32>
      %add3A_48 = arith.addi %iota3A, %add3A_47 : vector<128x4000xi32>
      %eq3A_49 = arith.cmpi eq, %broadcast_in_dim3A_46, %add3A_48 : vector<128x4000xi32>
      %ge3A = vector.broadcast %while3A_43 : i32 to vector<128x4000xi32>
      %ge3A_50 = arith.cmpi sge, %broadcast_in_dim3A_46, %ge3A : vector<128x4000xi32>
      %and3A = arith.andi %eq3A_49, %ge3A_50 : vector<128x4000xi1>
      %convert_element_type3A_51 = arith.extui %and3A : vector<128x4000xi1> to vector<128x4000xi32>
      %convert_element_type3A_52 = arith.sitofp %convert_element_type3A_51 : vector<128x4000xi32> to vector<128x4000xf32>
      %dot_general3A_53 = arith.constant dense<0.000000e+00> : vector<128x1xf32>
      %dot_general3A_54 = tpu.matmul %convert_element_type3A_52, %exp3A, %dot_general3A_53 {dimension_numbers = #tpu.dot_dimension_numbers<[1], [0], [0], [1], [0, 0, 1, 1], [], []>, transpose_lhs_hint = false} : vector<128x4000xf32>, vector<4000x1xf32>, vector<128x1xf32> -> vector<128x1xf32>
      %get3A_55 = arith.index_cast %min3A_45 : i32 to index
      %get3A_56 = arith.constant 0 : index
      %get3A_57 = vector.load %arg9[%get3A_55, %get3A_56] : memref<10000x1xf32, #tpu.memory_space<vmem>>, vector<128x1xf32>
      %add3A_58 = arith.addf %get3A_57, %dot_general3A_54 : vector<128x1xf32>
      %swap3A_59 = arith.index_cast %min3A_45 : i32 to index
      %swap3A_60 = arith.constant 0 : index
      %swap3A_61 = vector.load %arg9[%swap3A_59, %swap3A_60] : memref<10000x1xf32, #tpu.memory_space<vmem>>, vector<128x1xf32>
      tpu.vector_store %arg9[%swap3A_59, %swap3A_60], %add3A_58 {strides = array<i32>} : memref<10000x1xf32, #tpu.memory_space<vmem>>, vector<128x1xf32>,
      %add3A_62 = arith.constant 128 : i32
      %add3A_63 = arith.addi %min3A_45, %add3A_62 : i32
      scf.yield %add3A_63 : i32
    }
    %eq3A_38 = arith.constant 19 : i32
    %eq3A_39 = arith.cmpi eq, %arg0, %eq3A_38 : i32
    %convert_element_type3A_40 = arith.extui %eq3A_39 : i1 to i32
    %cond3A_41 = arith.constant 0 : i32
    %cond3A_42 = arith.cmpi ne, %convert_element_type3A_40, %cond3A_41 : i32
    scf.if %cond3A_42 {
      %get3A_43 = arith.constant 0 : index
      %get3A_44 = arith.constant 0 : index
      %get3A_45 = vector.load %arg9[%get3A_43, %get3A_44] : memref<10000x1xf32, #tpu.memory_space<vmem>>, vector<10000x1xf32>
      %swap3A_46 = arith.constant 0 : index
      %swap3A_47 = arith.constant 0 : index
      %swap3A_48 = vector.load %arg8[%swap3A_46, %swap3A_47] : memref<10000x1xf32, #tpu.memory_space<vmem>>, vector<10000x1xf32>
      tpu.vector_store %arg8[%swap3A_46, %swap3A_47], %get3A_45 {strides = array<i32>} : memref<10000x1xf32, #tpu.memory_space<vmem>>, vector<10000x1xf32>,
    } else {
    }
    return
  }
  func.func @transform_0(%arg0: i32) -> (i32, i32) {
    %add3A = arith.constant 0 : i32
    %add3A_0 = arith.addi %add3A, %arg0 : i32
    %c0_i32 = arith.constant 0 : i32
    %c0_i32_1 = arith.constant 0 : i32
    return %add3A_0, %c0_i32 : i32, i32
  }
  func.func @transform_1(%arg0: i32) -> (i32, i32, i32) {
    %add3A = arith.constant 0 : i32
    %add3A_0 = arith.addi %add3A, %arg0 : i32
    %c0_i32 = arith.constant 0 : i32
    %c0_i32_1 = arith.constant 0 : i32
    %c0_i32_2 = arith.constant 0 : i32
    return %add3A_0, %c0_i32, %c0_i32_1 : i32, i32, i32
  }
  func.func @transform_2(%arg0: i32) -> (i32, i32) {
    %c0_i32 = arith.constant 0 : i32
    %c0_i32_0 = arith.constant 0 : i32
    %c0_i32_1 = arith.constant 0 : i32
    return %c0_i32, %c0_i32_0 : i32, i32
  }
  func.func @transform_3(%arg0: i32) -> (i32, i32) {
    %c0_i32 = arith.constant 0 : i32
    %c0_i32_0 = arith.constant 0 : i32
    %c0_i32_1 = arith.constant 0 : i32
    return %c0_i32, %c0_i32_0 : i32, i32
  }
  func.func @transform_4(%arg0: i32) -> (i32, i32) {
    %c0_i32 = arith.constant 0 : i32
    %c0_i32_0 = arith.constant 0 : i32
    %c0_i32_1 = arith.constant 0 : i32
    return %c0_i32, %c0_i32_0 : i32, i32
  }
  func.func @transform_5(%arg0: i32) -> (i32, i32) {
    %c0_i32 = arith.constant 0 : i32
    %c0_i32_0 = arith.constant 0 : i32
    %c0_i32_1 = arith.constant 0 : i32
    return %c0_i32, %c0_i32_0 : i32, i32
  }
  func.func @transform_6(%arg0: i32) -> (i32, i32) {
    %c0_i32 = arith.constant 0 : i32
    %c0_i32_0 = arith.constant 0 : i32
    return %arg0, %c0_i32 : i32, i32
  }
  func.func @transform_7(%arg0: i32) -> (i32, i32) {
    %c0_i32 = arith.constant 0 : i32
    %c0_i32_0 = arith.constant 0 : i32
    %c0_i32_1 = arith.constant 0 : i32
    return %c0_i32, %c0_i32_0 : i32, i32
  }
}

module attributes {stable_mosaic.version = 14 : i64} {
  func.func @_combine_body(%arg0: i32, %arg1: memref<2x1000x128xf32, #tpu.memory_space<vmem>>, %arg2: memref<2x1000x128xf32, #tpu.memory_space<vmem>>, %arg3: memref<2x1000x128xf32, #tpu.memory_space<vmem>>, %arg4: memref<2x1000x128xf32, #tpu.memory_space<vmem>>, %arg5: memref<1000x1xf32, #tpu.memory_space<vmem>>, %arg6: memref<1000x1xf32, #tpu.memory_space<vmem>>, %arg7: memref<1000x1xf32, #tpu.memory_space<vmem>>, %arg8: memref<1000x1xf32, #tpu.memory_space<vmem>>, %arg9: memref<1000x128xf32, #tpu.memory_space<vmem>>) attributes {dimension_semantics = [#tpu.dimension_semantics<arbitrary>], iteration_bounds = array<i64: 10>, scalar_prefetch = 0 : i64, scratch_operands = 0 : i64, tpu.core_type = #tpu.core_type<tc>, window_params = [{transform_indices = @transform_0, window_bounds = array<i64: 2, 1000, 128>}, {transform_indices = @transform_1, window_bounds = array<i64: 2, 1000, 128>}, {transform_indices = @transform_2, window_bounds = array<i64: 2, 1000, 128>}, {transform_indices = @transform_3, window_bounds = array<i64: 2, 1000, 128>}, {transform_indices = @transform_4, window_bounds = array<i64: 1000, 1>}, {transform_indices = @transform_5, window_bounds = array<i64: 1000, 1>}, {transform_indices = @transform_6, window_bounds = array<i64: 1000, 1>}, {transform_indices = @transform_7, window_bounds = array<i64: 1000, 1>}, {transform_indices = @transform_8, window_bounds = array<i64: 1000, 128>}]} {
    %get3A = arith.constant 0 : index
    %get3A_0 = arith.constant 0 : index
    %get3A_1 = arith.constant 0 : index
    %get3A_2 = vector.load %arg1[%get3A, %get3A_0, %get3A_1] : memref<2x1000x128xf32, #tpu.memory_space<vmem>>, vector<1x1000x128xf32>
    %get3A_3 = vector.shape_cast %get3A_2 : vector<1x1000x128xf32> to vector<1000x128xf32>
    %get3A_4 = arith.constant 1 : index
    %get3A_5 = arith.constant 0 : index
    %get3A_6 = arith.constant 0 : index
    %get3A_7 = vector.load %arg1[%get3A_4, %get3A_5, %get3A_6] : memref<2x1000x128xf32, #tpu.memory_space<vmem>>, vector<1x1000x128xf32>
    %get3A_8 = vector.shape_cast %get3A_7 : vector<1x1000x128xf32> to vector<1000x128xf32>
    %add3A = arith.addf %get3A_3, %get3A_8 : vector<1000x128xf32>
    %get3A_9 = arith.constant 0 : index
    %get3A_10 = arith.constant 0 : index
    %get3A_11 = arith.constant 0 : index
    %get3A_12 = vector.load %arg2[%get3A_9, %get3A_10, %get3A_11] : memref<2x1000x128xf32, #tpu.memory_space<vmem>>, vector<1x1000x128xf32>
    %get3A_13 = vector.shape_cast %get3A_12 : vector<1x1000x128xf32> to vector<1000x128xf32>
    %add3A_14 = arith.addf %add3A, %get3A_13 : vector<1000x128xf32>
    %get3A_15 = arith.constant 1 : index
    %get3A_16 = arith.constant 0 : index
    %get3A_17 = arith.constant 0 : index
    %get3A_18 = vector.load %arg2[%get3A_15, %get3A_16, %get3A_17] : memref<2x1000x128xf32, #tpu.memory_space<vmem>>, vector<1x1000x128xf32>
    %get3A_19 = vector.shape_cast %get3A_18 : vector<1x1000x128xf32> to vector<1000x128xf32>
    %add3A_20 = arith.addf %add3A_14, %get3A_19 : vector<1000x128xf32>
    %get3A_21 = arith.constant 0 : index
    %get3A_22 = arith.constant 0 : index
    %get3A_23 = arith.constant 0 : index
    %get3A_24 = vector.load %arg3[%get3A_21, %get3A_22, %get3A_23] : memref<2x1000x128xf32, #tpu.memory_space<vmem>>, vector<1x1000x128xf32>
    %get3A_25 = vector.shape_cast %get3A_24 : vector<1x1000x128xf32> to vector<1000x128xf32>
    %add3A_26 = arith.addf %add3A_20, %get3A_25 : vector<1000x128xf32>
    %get3A_27 = arith.constant 1 : index
    %get3A_28 = arith.constant 0 : index
    %get3A_29 = arith.constant 0 : index
    %get3A_30 = vector.load %arg3[%get3A_27, %get3A_28, %get3A_29] : memref<2x1000x128xf32, #tpu.memory_space<vmem>>, vector<1x1000x128xf32>
    %get3A_31 = vector.shape_cast %get3A_30 : vector<1x1000x128xf32> to vector<1000x128xf32>
    %add3A_32 = arith.addf %add3A_26, %get3A_31 : vector<1000x128xf32>
    %get3A_33 = arith.constant 0 : index
    %get3A_34 = arith.constant 0 : index
    %get3A_35 = arith.constant 0 : index
    %get3A_36 = vector.load %arg4[%get3A_33, %get3A_34, %get3A_35] : memref<2x1000x128xf32, #tpu.memory_space<vmem>>, vector<1x1000x128xf32>
    %get3A_37 = vector.shape_cast %get3A_36 : vector<1x1000x128xf32> to vector<1000x128xf32>
    %add3A_38 = arith.addf %add3A_32, %get3A_37 : vector<1000x128xf32>
    %get3A_39 = arith.constant 1 : index
    %get3A_40 = arith.constant 0 : index
    %get3A_41 = arith.constant 0 : index
    %get3A_42 = vector.load %arg4[%get3A_39, %get3A_40, %get3A_41] : memref<2x1000x128xf32, #tpu.memory_space<vmem>>, vector<1x1000x128xf32>
    %get3A_43 = vector.shape_cast %get3A_42 : vector<1x1000x128xf32> to vector<1000x128xf32>
    %add3A_44 = arith.addf %add3A_38, %get3A_43 : vector<1000x128xf32>
    %get3A_45 = arith.constant 0 : index
    %get3A_46 = arith.constant 0 : index
    %get3A_47 = vector.load %arg5[%get3A_45, %get3A_46] : memref<1000x1xf32, #tpu.memory_space<vmem>>, vector<1000x1xf32>
    %get3A_48 = arith.constant 0 : index
    %get3A_49 = arith.constant 0 : index
    %get3A_50 = vector.load %arg6[%get3A_48, %get3A_49] : memref<1000x1xf32, #tpu.memory_space<vmem>>, vector<1000x1xf32>
    %add3A_51 = arith.addf %get3A_47, %get3A_50 : vector<1000x1xf32>
    %get3A_52 = arith.constant 0 : index
    %get3A_53 = arith.constant 0 : index
    %get3A_54 = vector.load %arg7[%get3A_52, %get3A_53] : memref<1000x1xf32, #tpu.memory_space<vmem>>, vector<1000x1xf32>
    %add3A_55 = arith.addf %add3A_51, %get3A_54 : vector<1000x1xf32>
    %get3A_56 = arith.constant 0 : index
    %get3A_57 = arith.constant 0 : index
    %get3A_58 = vector.load %arg8[%get3A_56, %get3A_57] : memref<1000x1xf32, #tpu.memory_space<vmem>>, vector<1000x1xf32>
    %add3A_59 = arith.addf %add3A_55, %get3A_58 : vector<1000x1xf32>
    %gt3A = arith.constant 0.000000e+00 : f32
    %gt3A_60 = vector.broadcast %gt3A : f32 to vector<1000x1xf32>
    %gt3A_61 = arith.cmpf ogt, %add3A_59, %gt3A_60 : vector<1000x1xf32>
    %jit3A = arith.constant 1.000000e+00 : f32
    %broadcast_in_dim3A = vector.broadcast %jit3A : f32 to vector<1000x1xf32>
    %select_n3A = arith.select %gt3A_61, %add3A_59, %broadcast_in_dim3A : vector<1000x1xi1>, vector<1000x1xf32>
    %div3A = vector.broadcast %select_n3A : vector<1000x1xf32> to vector<1000x128xf32>
    %div3A_62 = arith.divf %add3A_44, %div3A : vector<1000x128xf32>
    %swap3A = arith.constant 0 : index
    %swap3A_63 = arith.constant 0 : index
    %swap3A_64 = vector.load %arg9[%swap3A, %swap3A_63] : memref<1000x128xf32, #tpu.memory_space<vmem>>, vector<1000x128xf32>
    tpu.vector_store %arg9[%swap3A, %swap3A_63], %div3A_62 {strides = array<i32>} : memref<1000x128xf32, #tpu.memory_space<vmem>>, vector<1000x128xf32>,
    return
  }
  func.func @transform_0(%arg0: i32) -> (i32, i32, i32) {
    %c0_i32 = arith.constant 0 : i32
    %c0_i32_0 = arith.constant 0 : i32
    %c0_i32_1 = arith.constant 0 : i32
    return %c0_i32, %arg0, %c0_i32_0 : i32, i32, i32
  }
  func.func @transform_1(%arg0: i32) -> (i32, i32, i32) {
    %c0_i32 = arith.constant 0 : i32
    %c0_i32_0 = arith.constant 0 : i32
    %c0_i32_1 = arith.constant 0 : i32
    return %c0_i32, %arg0, %c0_i32_0 : i32, i32, i32
  }
  func.func @transform_2(%arg0: i32) -> (i32, i32, i32) {
    %c0_i32 = arith.constant 0 : i32
    %c0_i32_0 = arith.constant 0 : i32
    %c0_i32_1 = arith.constant 0 : i32
    return %c0_i32, %arg0, %c0_i32_0 : i32, i32, i32
  }
  func.func @transform_3(%arg0: i32) -> (i32, i32, i32) {
    %c0_i32 = arith.constant 0 : i32
    %c0_i32_0 = arith.constant 0 : i32
    %c0_i32_1 = arith.constant 0 : i32
    return %c0_i32, %arg0, %c0_i32_0 : i32, i32, i32
  }
  func.func @transform_4(%arg0: i32) -> (i32, i32) {
    %c0_i32 = arith.constant 0 : i32
    %c0_i32_0 = arith.constant 0 : i32
    return %arg0, %c0_i32 : i32, i32
  }
  func.func @transform_5(%arg0: i32) -> (i32, i32) {
    %c0_i32 = arith.constant 0 : i32
    %c0_i32_0 = arith.constant 0 : i32
    return %arg0, %c0_i32 : i32, i32
  }
  func.func @transform_6(%arg0: i32) -> (i32, i32) {
    %c0_i32 = arith.constant 0 : i32
    %c0_i32_0 = arith.constant 0 : i32
    return %arg0, %c0_i32 : i32, i32
  }
  func.func @transform_7(%arg0: i32) -> (i32, i32) {
    %c0_i32 = arith.constant 0 : i32
    %c0_i32_0 = arith.constant 0 : i32
    return %arg0, %c0_i32 : i32, i32
  }
  func.func @transform_8(%arg0: i32) -> (i32, i32) {
    %c0_i32 = arith.constant 0 : i32
    %c0_i32_0 = arith.constant 0 : i32
    return %arg0, %c0_i32 : i32, i32
  }
}

</mosaic_0001>

<sc_bundles>
// kernel: kernel.11.cloned.1.call-start
scs
__scs_entry_jumppad:
0x0: {  	(pc) =	sbr.rel $0x88, $3  }
0x1: {  	(tag) =	ssettag $0x0;
	lr =	simm.s32 $0x1  }
0x2: {  	[smem:$0x3F9B] =	sst lr;
	_ =	strace $0xD0000000  }
0x3: {  	_ = 	snop  }
0x4: {  	_ = 	snop  }
0x5: {  	_ = 	snop  }
0x6: {  	_ = 	snop  }
0x7: {  	_ = 	snop  }
__scs_overlays_trampoline_lowered:
0x8: {  	[smem:$0x3FAA] =	sst s0  }
0x9: {  	[smem:$0x3FAB] =	sst s1  }
0xa: {  	[smem:$0x3FAC] =	sst s2  }
0xb: {  	[smem:$0x3FAD] =	sst s3  }
0xc: {  	[smem:$0x3FAE] =	sst s4  }
0xd: {  	[smem:$0x3FAF] =	sst s5  }
0xe: {  	[smem:$0x3FB0] =	sst s6  }
0xf: {  	[smem:$0x3FB1] =	sst s7  }
0x10: {  	[smem:$0x3FB2] =	sst s8  }
0x11: {  	[smem:$0x3FB3] =	sst s9;
	s0 =	simm.s32 @!p0 $0x0  }
0x12: {  	s1 =	sld [smem:$0x3F99];
	s0 =	simm.s32 @p0 $0x1  }
0x13: {  	[smem:$0x3FB4] =	sst s0;
	s0 =	simm.s32 @!p1 $0x0  }
0x14: {  	s2 =	sld [smem:$0x3F98];
	s0 =	simm.s32 @p1 $0x1  }
0x15: {  	[smem:$0x3FB5] =	sst s0;
	s0 =	simm.s32 @!p2 $0x0  }
0x16: {  	s3 =	sld [smem:$0x3FDB];
	s0 =	simm.s32 @p2 $0x1  }
0x17: {  	s4 =	simm.s32 $0x1BF5;
	[smem:$0x3FB7] =	sst s0  }
0x18: {  	s0 =	sld [smem:$0x3F9A];
	_ =	swait.ge [sflag:s4], $0x0  }
0x19: {  	s7 =	sld [smem:$0x3F9B]  }
0x1a: {  	s8 =	sadd.s32 $0xFFFFE003, lr  }
0x1b: {  	s9 =	sadd.s32 $0xFFFFFEF7, lr;
	s5 =	simm.s32 $0xFFFFFFFF;
	p2 =	slt.u32 s8, $0xFFFFF086  }
0x1c: {  	p1 =	slt.u32 s9, $0xF7A;
	s5 =	simm.s32 @!p2 $0x0  }
0x1d: {  	s5 =	simm.s32 @p1 $0x1;
	p0 =	seq.s32 s7, s2  }
0x1e: {  	s7 =	smul.u32 @!p0 $0xF7A, s2;
	p2 =	seq.s32 @!p0 s5, $0x0  }
0x1f: {  	s9 =	smul.u32 $0xF7A, s1;
	s8 =	simm.s32 @!p0 $0x1BF5;
	p2 =	por !p2, p0  }
0x20: {  	[sflag:s8] =	ssyncset.s32 @!p0 $0xFFFFF086;
	s6 =	sadd.s32 @!p0 s3, s7;
	s7 =	simm.s32 @!p0 $0x108  }
0x21: {  	s3 =	sadd.s32 s3, s9;
	s6 =	sadd.s32 @!p0 $0x88, s6;
	s7 =	simm.s32 @p2 $0x1082  }
0x22: {  	[simem:s7], [sflag:s8] =	dma.local @!p0 [hbm:s6], $0xF7A  }
0x23: {  	s9 =	sor.u32 $0xD0000000, s2;
	s6 =	simm.s32 $0x108;
	_ =	swait.ge @!p0 [sflag:s8], $0x0  }
0x24: {  	s3 =	sadd.s32 $0x88, s3;
	s6 =	simm.s32 @!p1 $0x1082;
	[sflag:s4] =	ssyncset.s32 $0xFFFFF086  }
0x25: {  	[simem:s6], [sflag:s4] =	dma.local [hbm:s3], $0xF7A  }
0x26: {  	[smem:$0x3F9B] =	sst s1;
	(tag) =	ssettag s2;
	_ =	strace s9  }
0x27: {  	s1 =	sld [smem:$0x3FAB]  }
0x28: {  	s2 =	sld [smem:$0x3FAC]  }
0x29: {  	s4 =	sld [smem:$0x3FAE]  }
0x2a: {  	p0 =	seq.s32 s5, $0x0;
	s5 =	sld [smem:$0x3FAF]  }
0x2b: {  	s6 =	sld [smem:$0x3FB0]  }
0x2c: {  	s7 =	sld [smem:$0x3FB1]  }
0x2d: {  	s3 =	simm.s32 $0x108;
	s8 =	sld [smem:$0x3FB2]  }
0x2e: {  	s3 =	simm.s32 @!p0 $0x1082;
	s9 =	sld [smem:$0x3FB3]  }
0x2f: {  	lr =	sadd.s32 s0, s3;
	s0 =	sld [smem:$0x3FAA]  }
0x30: {  	s3 =	sld [smem:$0x3FAD]  }
0x31: {  	[smem:$0x3FB6] =	sst s10  }
0x32: {  	s10 =	sld [smem:$0x3FB4];
	_ =	sdelay $0x3  }
0x33: {  	p0 =	seq.s32 s10, $0x1;
	s10 =	sld [smem:$0x3FB6];
	_ =	sdelay $0x3  }
0x34: {  	[smem:$0x3FB6] =	sst s10  }
0x35: {  	s10 =	sld [smem:$0x3FB5];
	_ =	sdelay $0x3  }
0x36: {  	p1 =	seq.s32 s10, $0x1;
	s10 =	sld [smem:$0x3FB6];
	_ =	sdelay $0x3  }
0x37: {  	[smem:$0x3FB6] =	sst s10  }
0x38: {  	s10 =	sld [smem:$0x3FB7]  }
0x39: {  	_ = 	snop;
	(pc) =	sbr.ind lr, $3  }
0x3a: {  	_ = 	snop  }
0x3b: {  	_ = 	snop  }
0x3c: {  	p2 =	seq.s32 s10, $0x1;
	s10 =	sld [smem:$0x3FB6]  }
0x3d: {  	_ =	shalt  }
0x3e: {  	_ =	shalt  }
0x3f: {  	_ =	shalt  }
0x40: {  	_ =	shalt  }
0x41: {  	_ =	shalt  }
0x42: {  	_ =	shalt  }
0x43: {  	_ =	shalt  }
0x44: {  	_ =	shalt  }
0x45: {  	_ =	shalt  }
0x46: {  	_ =	shalt  }
0x47: {  	_ =	shalt  }
0x48: {  	_ =	shalt  }
0x49: {  	_ =	shalt  }
0x4a: {  	_ =	shalt  }
0x4b: {  	_ =	shalt  }
0x4c: {  	_ =	shalt  }
0x4d: {  	_ =	shalt  }
0x4e: {  	_ =	shalt  }
0x4f: {  	_ =	shalt  }
0x50: {  	_ =	shalt  }
0x51: {  	_ =	shalt  }
0x52: {  	_ =	shalt  }
0x53: {  	_ =	shalt  }
0x54: {  	_ =	shalt  }
0x55: {  	_ =	shalt  }
0x56: {  	_ =	shalt  }
0x57: {  	_ =	shalt  }
0x58: {  	_ =	shalt  }
0x59: {  	_ =	shalt  }
0x5a: {  	_ =	shalt  }
0x5b: {  	_ =	shalt  }
0x5c: {  	_ =	shalt  }
0x5d: {  	_ =	shalt  }
0x5e: {  	_ =	shalt  }
0x5f: {  	_ =	shalt  }
0x60: {  	_ =	shalt  }
0x61: {  	_ =	shalt  }
0x62: {  	_ =	shalt  }
0x63: {  	_ =	shalt  }
0x64: {  	_ =	shalt  }
0x65: {  	_ =	shalt  }
0x66: {  	_ =	shalt  }
0x67: {  	_ =	shalt  }
0x68: {  	_ =	shalt  }
0x69: {  	_ =	shalt  }
0x6a: {  	_ =	shalt  }
0x6b: {  	_ =	shalt  }
0x6c: {  	_ =	shalt  }
0x6d: {  	_ =	shalt  }
0x6e: {  	_ =	shalt  }
0x6f: {  	_ =	shalt  }
0x70: {  	_ =	shalt  }
0x71: {  	_ =	shalt  }
0x72: {  	_ =	shalt  }
0x73: {  	_ =	shalt  }
0x74: {  	_ =	shalt  }
0x75: {  	_ =	shalt  }
0x76: {  	_ =	shalt  }
0x77: {  	_ =	shalt  }
0x78: {  	_ =	shalt  }
0x79: {  	_ =	shalt  }
0x7a: {  	_ =	shalt  }
0x7b: {  	_ =	shalt  }
0x7c: {  	_ =	shalt  }
0x7d: {  	_ =	shalt  }
0x7e: {  	_ =	shalt  }
0x7f: {  	_ =	shalt  }
0x80: {  	_ =	shalt  }
0x81: {  	_ =	shalt  }
0x82: {  	_ =	shalt  }
0x83: {  	_ =	shalt  }
0x84: {  	_ =	shalt  }
0x85: {  	_ =	shalt  }
0x86: {  	_ =	shalt  }
0x87: {  	_ =	shalt  }
.Lfunc_end0:
.L_simem_size_0:
called_computation_lowered:
.L_overlay_start_0:
0x88: {  	s2 =	sld [smem:$0x3FD9]  }
0x89: {  	s3 =	sld [smem:$0x3FFE];
	_ =	sdelay $0x1  }
0x8a: {  	s1 =	srdreg.scid  }
0x8b: {  	s0 =	sand.u32 $0x1, s1  }
0x8c: {  	s17 =	sshll.u32 s0, $0xA;
	s2 =	sadd.s32 s3, s2  }
0x8d: {  	s2 =	sadd.s32 s2, s17  }
0x8e: {  	[smem:$0x3FC2] =	sst s2  }
0x8f: {  	_ = 	snop  }
0x90: {  	(tm) =	ssettm $0x1  }
0x91: {  	s18 =	sld [smem:$0x3FFB];
	_ =	sdelay $0x3  }
0x92: {  	_ =	strace s18  }
0x93: {  	s2 =	sld [smem:$0x3FFC];
	_ =	sdelay $0x3  }
0x94: {  	_ =	strace s2  }
0x95: {  	s2 =	sld [smem:$0x3FFD];
	_ =	sdelay $0x3  }
0x96: {  	_ =	strace s2  }
0x97: {  	_ =	strace $0x8FFFFFFF  }
0x98: {  	s19 =	sld [smem:$0x3FDB];
	_ =	sdelay $0x1  }
0x99: {  	s20 =	simm.s32 $_scs_section_size  }
0x9a: {  	s4 =	simm.s32 $_size__tile_overlayer_lowered;
	s5 =	simm.s32 $_tile_overlayer_lowered  }
0x9b: {  	s6 =	simm.s32 $0x1BFF;
	s21 =	sshll.u32 s5, $0x1;
	s3 =	sadd.s32 s20, s19  }
0x9c: {  	s22 =	simm.s32 $0x0;
	s4 =	sshll.u32 s4, $0x1;
	s5 =	sadd.s32 s21, s3  }
0x9d: {  	[timem:s22], [sflag:s6] =	dma.local [hbm:s5], s4  }
0x9e: {  	_ =	swait.ge [sflag:s6], s4  }
0x9f: {  	s4 =	ssub.s32 $0x0, s4;
	[sflag:s6] =	ssyncset.done $0x0  }
0xa0: {  	[sflag:s6] =	ssyncadd.s32 s4;
	_ =	sdelay $0x1  }
0xa1: {  	s23 =	simm.s32 $0x1B8B  }
0xa2: {  	_ =	swait.ge [sflag:s23], $0x1  }
0xa3: {  	[sflag:s23] =	ssyncset.done $0x0  }
0xa4: {  	[sflag:s23] =	ssyncadd.s32 $0xFFFFFFFF  }
0xa5: {  	s4 =	sld [smem:$0x0]  }
0xa6: {  	s5 =	sand.u32 $0xFFFFFFFE, s1  }
0xa7: {  	p0 =	sne.s32 s1, s5  }
0xa8: {  	s5 =	sshll.u32 @p0 s5, $0xE  }
0xa9: {  	s5 =	sadd.s32 @p0 $0x11B8D, s5;
	s6 =	sshll.u32 @p0 s4, $0x11  }
0xaa: {  	s5 =	sor.u32 @p0 s6, s5  }
0xab: {  	[sflag:s5] =	ssyncadd.remote.s32 @p0 $0x1;
	_ =	sdelay $0x1  }
0xac: {  	s5 =	simm.s32 @p0 $0x1B8D  }
0xad: {  	_ =	swait.eq @p0 [sflag:s5], $0x1  }
0xae: {  	[sflag:s5] =	ssyncadd.s32 @p0 $0xFFFFFFFF  }
0xaf: {  	s6 =	sshll.u32 @!p0 s1, $0xE  }
0xb0: {  	s6 =	sor.u32 @!p0 $0x4000, s6;
	s5 =	simm.s32 @!p0 $0x1B8D  }
0xb1: {  	s4 =	sshll.u32 @!p0 s4, $0x11;
	s6 =	sadd.s32 @!p0 $0x11B8D, s6;
	_ =	swait.eq @!p0 [sflag:s5], $0x1  }
0xb2: {  	s4 =	sor.u32 @!p0 s4, s6;
	[sflag:s5] =	ssyncadd.s32 @!p0 $0xFFFFFFFF  }
0xb3: {  	s25 =	simm.s32 $0x1B8E;
	s24 =	sld [smem:$0x3FFE];
	[sflag:s4] =	ssyncadd.remote.s32 @!p0 $0x1  }
0xb4: {  	s26 =	simm.s32 $execute0_lowered;
	[smem:$0x3FD2] =	sst s25  }
0xb5: {  	s5 =	sshll.u32 s26, $0x1;
	_ =	strace $0x8000004F;
	[dreg:$0x1] =	wrdreg $0xFFFFFFFF  }
0xb6: {  	s28 =	simm.s32 $_size_execute0_lowered;
	s3 =	sadd.s32 s3, s5;
	[dreg:$0x0] =	wrdreg $0x0  }
0xb7: {  	s5 =	sshll.u32 s28, $0x1;
	[dreg:$0x2] =	wrdreg s3  }
0xb8: {  	[dreg:$0x3] =	wrdreg s5  }
0xb9: {  	[dreg:$0x4] =	wrdreg $0xC0  }
0xba: {  	_ =	task [dreg:s22], $0x5FFFF  }
0xbb: {  	[dreg:$0x1] =	wrdreg $0xFFFFFFFF  }
0xbc: {  	[dreg:$0x0] =	wrdreg $0x60  }
0xbd: {  	[dreg:$0x2] =	wrdreg s24  }
0xbe: {  	[dreg:$0x3] =	wrdreg $0x87000  }
0xbf: {  	[dreg:$0x4] =	wrdreg $0x9  }
0xc0: {  	_ =	task.clear_ibuf [dreg:s22], $0x5FFFF;
	_ =	strace $0x9000004F  }
0xc1: {  	s29 =	simm.s32 $0x9;
	_ =	strace $0x80000051  }
0xc2: {  	_ =	swait.ge [sflag:s29], $0x1  }
0xc3: {  	[sflag:s29] =	ssyncadd.s32 $0xFFFFFFFF  }
0xc4: {  	_ =	strace $0x90000051  }
0xc5: {  	_ =	sfence  }
0xc6: {  	s30 =	sld [smem:$0x0];
	_ =	sdelay $0x2  }
0xc7: {  	s31 =	sshll.u32 s1, $0xD;
	s1 =	sshrl.u32 s1, $0x2  }
0xc8: {  	s4 =	sand.u32 $0x4000, s31;
	s1 =	sadd.s32 s1, s30  }
0xc9: {  	s0 =	sor.u32 s4, s0;
	s1 =	sshll.u32 s1, $0x11  }
0xca: {  	s0 =	sor.u32 s1, s0  }
0xcb: {  	s0 =	sadd.s32 $0x8F2B, s0  }
0xcc: {  	[sflag:s0] =	ssyncadd.remote.s32 $0x1  }
0xcd: {  	_ =	sfence.sel $0xFFFF  }
0xce: {  	[dreg:$0x0] =	wrdreg $0xFFFFFFFF;
	(pc) =	sbr.abs _section_cstart, $3  }
0xcf: {  	[dreg:$0x1] =	wrdreg $0xFFFFFFFF  }
0xd0: {  	_ =	task.clear_ibuf [dreg:s22], $0x2FFFF;
	_ =	strace $0x9FFFFFFF  }
0xd1: {  	(tm) =	ssettm $0x7FFFFFFF  }
tec
execute0_lowered:
.L_overlay_start_1:
0x0: {  	(tag) =	ssettag $0x1  }
0x1: {  	s1 =	srdreg.scid;
	s6 =	rddreg [dreg:$0x0]  }
0x2: {  	s0 =	stileid.u32;
	s2 =	rddreg [dreg:$0x1]  }
0x3: {  	s3 =	simm.s32 $0x0;
	s16 =	simm.s32 $0x4880;
	s17 =	simm.s32 $0x1  }
0x4: {  	s18 =	simm.s32 $0x7D;
	s19 =	simm.s32 $0x2;
	s20 =	simm.s32 $0x900  }
0x5: {  	s21 =	simm.s32 $0x980;
	s22 =	simm.s32 $0x0;
	s8 =	smul.u32 $0x13880, s0  }
0x6: {  	s5 =	sand.u32 $0x1, s1;
	s1 =	rddreg [dreg:$0x2];
	s26 =	smul.u32 $0x1388, s0  }
0x7: {  	s25 =	sshll.u32 s0, $0x1;
	[smem:$0x7FF] =	sst s3;
	s9 =	smul.u32 $0x138800, s5  }
0x8: {  	s11 =	sadd.s32 $0x4CBA00, s6;
	s7 =	sor.u32 s5, s25;
	s29 =	smul.u32 $0x9C4, s5  }
0x9: {  	s28 =	sshll.u32 s0, $0x6;
	_ =	strace $0x80000050;
	s4 =	smul.u32 $0x140, s7  }
0xa: {  	s12 =	ssub.s32 $0x2, s5;
	s5 =	sor.u32 $0x1C03, s28;
	s14 =	smul.u32 $0x4E200, s7  }
0xb: {  	s13 =	sshrl.u32 s12, $0x1;
	s15 =	sadd.s32 s8, s2;
	s7 =	smul.u32 $0x9C40, s7  }
0xc: {  	s9 =	sadd.s32 s8, s9;
	s12 =	ssub.s32 s12, s13;
	s13 =	sadd.s32 s29, s26  }
0xd: {  	s10 =	sadd.s32 s4, s6;
	s4 =	sadd.s32 $0x168C00, s6;
	s9 =	sshrl.u32 s9, $0x3  }
0xe: {  	s14 =	sshrl.u32 s14, $0x3;
	s7 =	sadd.s32 s11, s7;
	s13 =	sshll.u32 s13, $0x4  }
0xf: {  	s9 =	sadd.s32 s9, s6;
	s6 =	sadd.s32 $0x4C9200, s10;
	s30 =	sadd.s32 s11, s14  }
0x10: {  	s10 =	smax.u32 s12, $0x1;
	s31 =	sadd.s32 s11, s13;
	s13 =	sshrl.u32 s15, $0x3  }
0x11: {  	s14 =	simm.s32 $0x3;
	s15 =	simm.s32 $0xA00;
	s8 =	sadd.s32 $0x7D0, s30  }
0x12: {  	s9 =	sadd.s32 $0x604200, s9;
	s11 =	sadd.s32 $0x1770, s31;
	s12 =	sadd.s32 $0xFA0, s31  }
.LBB2_1:
0x13: {  	[spmem:s13], [sflag:s5] =	dma.local [hbm:s4], $0x2710  }
0x14: {  	_ =	swait.ge [sflag:s14], $0x2710  }
0x15: {  	[sflag:s14] =	ssyncset.done $0x0  }
0x16: {  	[sflag:s14] =	ssyncadd.s32 $0xFFFFD8F0  }
0x17: {  	[tilespmem:s3], [sflag:$0x3] =	stream.linear.gather [hbm4b:s6+s3], $0xA00, $0x38;
	[tilespmem:$0x1BF80] =	vst v63  }
0x18: {  	_ =	swait.ge [sflag:s14], $0xA00  }
0x19: {  	[sflag:s14] =	ssyncset.done $0x0  }
0x1a: {  	[sflag:s14] =	ssyncadd.s32 $0xFFFFF600  }
0x1b: {  	[bflag:$0x0] =	sbarrier.arrive $0xFFFF  }
0x1c: {  	[tilespmem:s15], [sflag:$0x1] =	stream.linear.gather [hbm4b:s7+s3], $0x3E80, $0x38;
	[tilespmem:$0x1BF80] =	vst v63  }
0x1d: {  	_ = 	snop  }
0x1e: {  	[tilespmem:s16], [sflag:$0x2] =	stream.linear.gather [hbm4b:s8+s3], $0x3E80, $0x38;
	[tilespmem:$0x1BF80] =	vst v63  }
0x1f: {  	_ =	swait.ge [sflag:s17], $0x3E80  }
0x20: {  	[sflag:s17] =	ssyncset.done $0x0  }
0x21: {  	s23 =	simm.s32 $0x0;
	[sflag:s17] =	ssyncadd.s32 $0xFFFFC180  }
0x22: {  	[spmem:s2] =	stream.indirect.scatter.add.f32 [tilespmem:s15], [sflag:$0x3], $0x80, s23, s18, $0xb8;
	[tilespmem:$0x1BF80] =	vst v63  }
0x23: {  	_ =	swait.ge [sflag:s14], $0x3E80  }
0x24: {  	[sflag:s14] =	ssyncset.done $0x0  }
0x25: {  	s30 =	sadd.s32 $0x0, s12;
	[sflag:s14] =	ssyncadd.s32 $0xFFFFC180  }
0x26: {  	[tilespmem:s15], [sflag:$0x1] =	stream.linear.gather [hbm4b:s30+s3], $0x3E80, $0x38;
	[tilespmem:$0x1BF80] =	vst v63  }
0x27: {  	_ =	swait.ge [sflag:s19], $0x3E80  }
0x28: {  	[sflag:s19] =	ssyncset.done $0x0  }
0x29: {  	s31 =	simm.s32 $0x80;
	[sflag:s19] =	ssyncadd.s32 $0xFFFFC180  }
0x2a: {  	[spmem:s2] =	stream.indirect.scatter.add.f32 [tilespmem:s16], [sflag:$0x3], $0x80, s31, s18, $0xb8;
	[tilespmem:$0x1BF80] =	vst v63  }
0x2b: {  	_ =	swait.ge [sflag:s14], $0x3E80  }
0x2c: {  	s25 =	sadd.s32 $0x0, s11;
	[sflag:s14] =	ssyncset.done $0x0  }
0x2d: {  	s24 =	simm.s32 $0x180;
	s23 =	simm.s32 $0xFA0;
	[sflag:s14] =	ssyncadd.s32 $0xFFFFC180  }
.LBB2_2:
0x2e: {  	[tilespmem:s16], [sflag:$0x2] =	stream.linear.gather [hbm4b:s25+s3], $0x3E80, $0x38;
	[tilespmem:$0x1BF80] =	vst v63  }
0x2f: {  	s25 =	smov.u32 s23  }
0x30: {  	p0 =	sne.s32 s23, $0x7D00;
	s23 =	sadd.s32 $0xFA0, s23;
	_ =	swait.ge [sflag:s17], $0x3E80  }
0x31: {  	[sflag:s17] =	ssyncset.done $0x0  }
0x32: {  	s26 =	sadd.s32 $0xFFFFFF80, s24;
	[sflag:s17] =	ssyncadd.s32 $0xFFFFC180  }
0x33: {  	[spmem:s2] =	stream.indirect.scatter.add.f32 [tilespmem:s15], [sflag:$0x3], $0x80, s26, s18, $0xb8;
	[tilespmem:$0x1BF80] =	vst v63  }
0x34: {  	_ =	swait.ge [sflag:s14], $0x3E80  }
0x35: {  	[sflag:s14] =	ssyncset.done $0x0  }
0x36: {  	s26 =	sadd.s32 s25, s12;
	[sflag:s14] =	ssyncadd.s32 $0xFFFFC180  }
0x37: {  	[tilespmem:s15], [sflag:$0x1] =	stream.linear.gather [hbm4b:s26+s3], $0x3E80, $0x38;
	[tilespmem:$0x1BF80] =	vst v63  }
0x38: {  	_ =	swait.ge [sflag:s19], $0x3E80  }
0x39: {  	[sflag:s19] =	ssyncset.done $0x0  }
.Ltmp0:
0x3a: {  	[sflag:s19] =	ssyncadd.s32 $0xFFFFC180;
	(pc) =	sbr.rel @p0 .LBB2_2-.Ltmp0, $4  }
0x3b: {  	[spmem:s2] =	stream.indirect.scatter.add.f32 [tilespmem:s16], [sflag:$0x3], $0x80, s24, s18, $0xb8;
	[tilespmem:$0x1BF80] =	vst v63  }
0x3c: {  	_ =	swait.ge [sflag:s14], $0x3E80  }
0x3d: {  	[sflag:s14] =	ssyncset.done $0x0  }
0x3e: {  	s25 =	sadd.s32 s25, s11;
	s24 =	sadd.s32 $0x100, s24;
	[sflag:s14] =	ssyncadd.s32 $0xFFFFC180  }
0x3f: {  	[tilespmem:s16], [sflag:$0x2] =	stream.linear.gather [hbm4b:s25+s3], $0x3E80, $0x38;
	[tilespmem:$0x1BF80] =	vst v63  }
0x40: {  	_ =	swait.ge [sflag:s17], $0x3E80  }
0x41: {  	[sflag:s17] =	ssyncset.done $0x0  }
0x42: {  	[sflag:s17] =	ssyncadd.s32 $0xFFFFC180  }
0x43: {  	[spmem:s2] =	stream.indirect.scatter.add.f32 [tilespmem:s15], [sflag:$0x3], $0x80, s20, s18, $0xb8;
	[tilespmem:$0x1BF80] =	vst v63  }
0x44: {  	_ =	swait.ge [sflag:s14], $0x3E80  }
0x45: {  	[sflag:s14] =	ssyncset.done $0x0  }
0x46: {  	[sflag:s14] =	ssyncadd.s32 $0xFFFFC180  }
0x47: {  	_ =	swait.ge [sflag:s19], $0x3E80  }
0x48: {  	[sflag:s19] =	ssyncset.done $0x0  }
0x49: {  	[sflag:s19] =	ssyncadd.s32 $0xFFFFC180  }
0x4a: {  	[spmem:s2] =	stream.indirect.scatter.add.f32 [tilespmem:s16], [sflag:$0x3], $0x80, s21, s18, $0xb8;
	[tilespmem:$0x1BF80] =	vst v63  }
0x4b: {  	_ =	swait.ge [sflag:s14], $0x3E80  }
0x4c: {  	s22 =	sadd.s32 $0x1, s22;
	[sflag:s14] =	ssyncset.done $0x0  }
0x4d: {  	p0 =	sne.s32 s22, s10;
	[sflag:s14] =	ssyncadd.s32 $0xFFFFC180  }
.Ltmp1:
0x4e: {  	[bflag:$0x0] =	sbarrier.arrive $0xFFFF;
	(pc) =	sbr.rel @p0 .LBB2_1-.Ltmp1, $4  }
0x4f: {  	[hbm:s9], [sflag:s5] =	dma.local [spmem:s13], $0x2710  }
0x50: {  	_ =	swait.ge [sflag:s14], $0x2710  }
0x51: {  	[sflag:s14] =	ssyncset.done $0x0  }
0x52: {  	[sflag:s14] =	ssyncadd.s32 $0xFFFFD8F0  }
0x53: {  	_ =	sfence.sel $0x180000  }
0x54: {  	[bflag:$0x0] =	sbarrier.arrive $0xFFFF  }
0x55: {  	p0 =	sne.s32 s0, $0x0;
	_ =	strace $0x90000050  }
0x56: {  	s0 =	sadd.s32 @!p0 $0x100000, s1;
	[bflag:$0x2] =	sbarrier.arrive $0xFFFF  }
0x57: {  	[sflag:s0] =	ssyncadd.tile.s32 @!p0 $0x1;
	_ =	shalt  }
.Lfunc_end2:
_tile_overlayer_lowered:
.L_overlay_start_2:
0x58: {  	(tag) =	ssettag $0x2  }
0x59: {  	s0 =	rddreg [dreg:$0x0];
	s2 =	stileid.u32  }
0x5a: {  	s1 =	rddreg [dreg:$0x1];
	p0 =	sne.s32 s2, $0x0  }
0x5b: {  	s3 =	rddreg [dreg:$0x2];
	[bflag:$0x3] =	sbarrier.arrive $0xFFFF;
	s2 =	simm.s32 @!p0 $0x1C03  }
0x5c: {  	[timem:s3], [sflag:s2] =	dma.local @!p0 [hbm:s0], s1  }
0x5d: {  	s0 =	simm.s32 @!p0 $0x3  }
0x5e: {  	_ =	swait.ge @!p0 [sflag:s0], s1  }
0x5f: {  	s1 =	ssub.s32 @!p0 $0x0, s1;
	[sflag:s0] =	ssyncset.done @!p0 $0x0  }
0x60: {  	[sflag:s0] =	ssyncadd.s32 @!p0 s1  }
0x61: {  	[bflag:$0x3] =	sbarrier.arrive $0xFFFF  }
0x62: {  	_ =	shalt  }

// kernel: kernel.14.cloned.1.call-start
scs
__scs_entry_jumppad:
0x0: {  	(pc) =	sbr.rel $0x88, $3  }
0x1: {  	(tag) =	ssettag $0x0;
	lr =	simm.s32 $0x1  }
0x2: {  	[smem:$0x3F9B] =	sst lr;
	_ =	strace $0xD0000000  }
0x3: {  	_ = 	snop  }
0x4: {  	_ = 	snop  }
0x5: {  	_ = 	snop  }
0x6: {  	_ = 	snop  }
0x7: {  	_ = 	snop  }
__scs_overlays_trampoline_lowered:
0x8: {  	[smem:$0x3FAA] =	sst s0  }
0x9: {  	[smem:$0x3FAB] =	sst s1  }
0xa: {  	[smem:$0x3FAC] =	sst s2  }
0xb: {  	[smem:$0x3FAD] =	sst s3  }
0xc: {  	[smem:$0x3FAE] =	sst s4  }
0xd: {  	[smem:$0x3FAF] =	sst s5  }
0xe: {  	[smem:$0x3FB0] =	sst s6  }
0xf: {  	[smem:$0x3FB1] =	sst s7  }
0x10: {  	[smem:$0x3FB2] =	sst s8  }
0x11: {  	[smem:$0x3FB3] =	sst s9;
	s0 =	simm.s32 @!p0 $0x0  }
0x12: {  	s1 =	sld [smem:$0x3F99];
	s0 =	simm.s32 @p0 $0x1  }
0x13: {  	[smem:$0x3FB4] =	sst s0;
	s0 =	simm.s32 @!p1 $0x0  }
0x14: {  	s2 =	sld [smem:$0x3F98];
	s0 =	simm.s32 @p1 $0x1  }
0x15: {  	[smem:$0x3FB5] =	sst s0;
	s0 =	simm.s32 @!p2 $0x0  }
0x16: {  	s3 =	sld [smem:$0x3FDB];
	s0 =	simm.s32 @p2 $0x1  }
0x17: {  	s4 =	simm.s32 $0x1BF5;
	[smem:$0x3FB7] =	sst s0  }
0x18: {  	s0 =	sld [smem:$0x3F9A];
	_ =	swait.ge [sflag:s4], $0x0  }
0x19: {  	s7 =	sld [smem:$0x3F9B]  }
0x1a: {  	s8 =	sadd.s32 $0xFFFFE003, lr  }
0x1b: {  	s9 =	sadd.s32 $0xFFFFFEF7, lr;
	s5 =	simm.s32 $0xFFFFFFFF;
	p2 =	slt.u32 s8, $0xFFFFF086  }
0x1c: {  	p1 =	slt.u32 s9, $0xF7A;
	s5 =	simm.s32 @!p2 $0x0  }
0x1d: {  	s5 =	simm.s32 @p1 $0x1;
	p0 =	seq.s32 s7, s2  }
0x1e: {  	s7 =	smul.u32 @!p0 $0xF7A, s2;
	p2 =	seq.s32 @!p0 s5, $0x0  }
0x1f: {  	s9 =	smul.u32 $0xF7A, s1;
	s8 =	simm.s32 @!p0 $0x1BF5;
	p2 =	por !p2, p0  }
0x20: {  	[sflag:s8] =	ssyncset.s32 @!p0 $0xFFFFF086;
	s6 =	sadd.s32 @!p0 s3, s7;
	s7 =	simm.s32 @!p0 $0x108  }
0x21: {  	s3 =	sadd.s32 s3, s9;
	s6 =	sadd.s32 @!p0 $0x88, s6;
	s7 =	simm.s32 @p2 $0x1082  }
0x22: {  	[simem:s7], [sflag:s8] =	dma.local @!p0 [hbm:s6], $0xF7A  }
0x23: {  	s9 =	sor.u32 $0xD0000000, s2;
	s6 =	simm.s32 $0x108;
	_ =	swait.ge @!p0 [sflag:s8], $0x0  }
0x24: {  	s3 =	sadd.s32 $0x88, s3;
	s6 =	simm.s32 @!p1 $0x1082;
	[sflag:s4] =	ssyncset.s32 $0xFFFFF086  }
0x25: {  	[simem:s6], [sflag:s4] =	dma.local [hbm:s3], $0xF7A  }
0x26: {  	[smem:$0x3F9B] =	sst s1;
	(tag) =	ssettag s2;
	_ =	strace s9  }
0x27: {  	s1 =	sld [smem:$0x3FAB]  }
0x28: {  	s2 =	sld [smem:$0x3FAC]  }
0x29: {  	s4 =	sld [smem:$0x3FAE]  }
0x2a: {  	p0 =	seq.s32 s5, $0x0;
	s5 =	sld [smem:$0x3FAF]  }
0x2b: {  	s6 =	sld [smem:$0x3FB0]  }
0x2c: {  	s7 =	sld [smem:$0x3FB1]  }
0x2d: {  	s3 =	simm.s32 $0x108;
	s8 =	sld [smem:$0x3FB2]  }
0x2e: {  	s3 =	simm.s32 @!p0 $0x1082;
	s9 =	sld [smem:$0x3FB3]  }
0x2f: {  	lr =	sadd.s32 s0, s3;
	s0 =	sld [smem:$0x3FAA]  }
0x30: {  	s3 =	sld [smem:$0x3FAD]  }
0x31: {  	[smem:$0x3FB6] =	sst s10  }
0x32: {  	s10 =	sld [smem:$0x3FB4];
	_ =	sdelay $0x3  }
0x33: {  	p0 =	seq.s32 s10, $0x1;
	s10 =	sld [smem:$0x3FB6];
	_ =	sdelay $0x3  }
0x34: {  	[smem:$0x3FB6] =	sst s10  }
0x35: {  	s10 =	sld [smem:$0x3FB5];
	_ =	sdelay $0x3  }
0x36: {  	p1 =	seq.s32 s10, $0x1;
	s10 =	sld [smem:$0x3FB6];
	_ =	sdelay $0x3  }
0x37: {  	[smem:$0x3FB6] =	sst s10  }
0x38: {  	s10 =	sld [smem:$0x3FB7]  }
0x39: {  	_ = 	snop;
	(pc) =	sbr.ind lr, $3  }
0x3a: {  	_ = 	snop  }
0x3b: {  	_ = 	snop  }
0x3c: {  	p2 =	seq.s32 s10, $0x1;
	s10 =	sld [smem:$0x3FB6]  }
0x3d: {  	_ =	shalt  }
0x3e: {  	_ =	shalt  }
0x3f: {  	_ =	shalt  }
0x40: {  	_ =	shalt  }
0x41: {  	_ =	shalt  }
0x42: {  	_ =	shalt  }
0x43: {  	_ =	shalt  }
0x44: {  	_ =	shalt  }
0x45: {  	_ =	shalt  }
0x46: {  	_ =	shalt  }
0x47: {  	_ =	shalt  }
0x48: {  	_ =	shalt  }
0x49: {  	_ =	shalt  }
0x4a: {  	_ =	shalt  }
0x4b: {  	_ =	shalt  }
0x4c: {  	_ =	shalt  }
0x4d: {  	_ =	shalt  }
0x4e: {  	_ =	shalt  }
0x4f: {  	_ =	shalt  }
0x50: {  	_ =	shalt  }
0x51: {  	_ =	shalt  }
0x52: {  	_ =	shalt  }
0x53: {  	_ =	shalt  }
0x54: {  	_ =	shalt  }
0x55: {  	_ =	shalt  }
0x56: {  	_ =	shalt  }
0x57: {  	_ =	shalt  }
0x58: {  	_ =	shalt  }
0x59: {  	_ =	shalt  }
0x5a: {  	_ =	shalt  }
0x5b: {  	_ =	shalt  }
0x5c: {  	_ =	shalt  }
0x5d: {  	_ =	shalt  }
0x5e: {  	_ =	shalt  }
0x5f: {  	_ =	shalt  }
0x60: {  	_ =	shalt  }
0x61: {  	_ =	shalt  }
0x62: {  	_ =	shalt  }
0x63: {  	_ =	shalt  }
0x64: {  	_ =	shalt  }
0x65: {  	_ =	shalt  }
0x66: {  	_ =	shalt  }
0x67: {  	_ =	shalt  }
0x68: {  	_ =	shalt  }
0x69: {  	_ =	shalt  }
0x6a: {  	_ =	shalt  }
0x6b: {  	_ =	shalt  }
0x6c: {  	_ =	shalt  }
0x6d: {  	_ =	shalt  }
0x6e: {  	_ =	shalt  }
0x6f: {  	_ =	shalt  }
0x70: {  	_ =	shalt  }
0x71: {  	_ =	shalt  }
0x72: {  	_ =	shalt  }
0x73: {  	_ =	shalt  }
0x74: {  	_ =	shalt  }
0x75: {  	_ =	shalt  }
0x76: {  	_ =	shalt  }
0x77: {  	_ =	shalt  }
0x78: {  	_ =	shalt  }
0x79: {  	_ =	shalt  }
0x7a: {  	_ =	shalt  }
0x7b: {  	_ =	shalt  }
0x7c: {  	_ =	shalt  }
0x7d: {  	_ =	shalt  }
0x7e: {  	_ =	shalt  }
0x7f: {  	_ =	shalt  }
0x80: {  	_ =	shalt  }
0x81: {  	_ =	shalt  }
0x82: {  	_ =	shalt  }
0x83: {  	_ =	shalt  }
0x84: {  	_ =	shalt  }
0x85: {  	_ =	shalt  }
0x86: {  	_ =	shalt  }
0x87: {  	_ =	shalt  }
.Lfunc_end0:
.L_simem_size_0:
called_computation.1_lowered:
.L_overlay_start_0:
0x88: {  	s2 =	sld [smem:$0x3FD9]  }
0x89: {  	s3 =	sld [smem:$0x3FFE];
	_ =	sdelay $0x1  }
0x8a: {  	s1 =	srdreg.scid  }
0x8b: {  	s0 =	sand.u32 $0x1, s1  }
0x8c: {  	s17 =	sshll.u32 s0, $0xA;
	s2 =	sadd.s32 s3, s2  }
0x8d: {  	s2 =	sadd.s32 s2, s17  }
0x8e: {  	[smem:$0x3FC2] =	sst s2  }
0x8f: {  	_ = 	snop  }
0x90: {  	(tm) =	ssettm $0x1  }
0x91: {  	s18 =	sld [smem:$0x3FFB];
	_ =	sdelay $0x3  }
0x92: {  	_ =	strace s18  }
0x93: {  	s2 =	sld [smem:$0x3FFC];
	_ =	sdelay $0x3  }
0x94: {  	_ =	strace s2  }
0x95: {  	s2 =	sld [smem:$0x3FFD];
	_ =	sdelay $0x3  }
0x96: {  	_ =	strace s2  }
0x97: {  	_ =	strace $0x8FFFFFFF  }
0x98: {  	s19 =	sld [smem:$0x3FDB];
	_ =	sdelay $0x1  }
0x99: {  	s20 =	simm.s32 $_scs_section_size  }
0x9a: {  	s4 =	simm.s32 $_size__tile_overlayer_lowered;
	s5 =	simm.s32 $_tile_overlayer_lowered  }
0x9b: {  	s6 =	simm.s32 $0x1BFF;
	s21 =	sshll.u32 s5, $0x1;
	s3 =	sadd.s32 s20, s19  }
0x9c: {  	s22 =	simm.s32 $0x0;
	s4 =	sshll.u32 s4, $0x1;
	s5 =	sadd.s32 s21, s3  }
0x9d: {  	[timem:s22], [sflag:s6] =	dma.local [hbm:s5], s4  }
0x9e: {  	_ =	swait.ge [sflag:s6], s4  }
0x9f: {  	s4 =	ssub.s32 $0x0, s4;
	[sflag:s6] =	ssyncset.done $0x0  }
0xa0: {  	[sflag:s6] =	ssyncadd.s32 s4;
	_ =	sdelay $0x1  }
0xa1: {  	s23 =	simm.s32 $0x1B8B  }
0xa2: {  	_ =	swait.ge [sflag:s23], $0x1  }
0xa3: {  	[sflag:s23] =	ssyncset.done $0x0  }
0xa4: {  	[sflag:s23] =	ssyncadd.s32 $0xFFFFFFFF  }
0xa5: {  	s4 =	sld [smem:$0x0]  }
0xa6: {  	s5 =	sand.u32 $0xFFFFFFFE, s1  }
0xa7: {  	p0 =	sne.s32 s1, s5  }
0xa8: {  	s5 =	sshll.u32 @p0 s5, $0xE  }
0xa9: {  	s5 =	sadd.s32 @p0 $0x11B8D, s5;
	s6 =	sshll.u32 @p0 s4, $0x11  }
0xaa: {  	s5 =	sor.u32 @p0 s6, s5  }
0xab: {  	[sflag:s5] =	ssyncadd.remote.s32 @p0 $0x1;
	_ =	sdelay $0x1  }
0xac: {  	s5 =	simm.s32 @p0 $0x1B8D  }
0xad: {  	_ =	swait.eq @p0 [sflag:s5], $0x1  }
0xae: {  	[sflag:s5] =	ssyncadd.s32 @p0 $0xFFFFFFFF  }
0xaf: {  	s6 =	sshll.u32 @!p0 s1, $0xE  }
0xb0: {  	s6 =	sor.u32 @!p0 $0x4000, s6;
	s5 =	simm.s32 @!p0 $0x1B8D  }
0xb1: {  	s4 =	sshll.u32 @!p0 s4, $0x11;
	s6 =	sadd.s32 @!p0 $0x11B8D, s6;
	_ =	swait.eq @!p0 [sflag:s5], $0x1  }
0xb2: {  	s4 =	sor.u32 @!p0 s4, s6;
	[sflag:s5] =	ssyncadd.s32 @!p0 $0xFFFFFFFF  }
0xb3: {  	s25 =	simm.s32 $0x1B8E;
	s24 =	sld [smem:$0x3FFE];
	[sflag:s4] =	ssyncadd.remote.s32 @!p0 $0x1  }
0xb4: {  	s26 =	simm.s32 $execute0_lowered;
	[smem:$0x3FD2] =	sst s25  }
0xb5: {  	s5 =	sshll.u32 s26, $0x1;
	_ =	strace $0x8000004C;
	[dreg:$0x1] =	wrdreg $0xFFFFFFFF  }
0xb6: {  	s28 =	simm.s32 $_size_execute0_lowered;
	s3 =	sadd.s32 s3, s5;
	[dreg:$0x0] =	wrdreg $0x0  }
0xb7: {  	s5 =	sshll.u32 s28, $0x1;
	[dreg:$0x2] =	wrdreg s3  }
0xb8: {  	[dreg:$0x3] =	wrdreg s5  }
0xb9: {  	[dreg:$0x4] =	wrdreg $0xC0  }
0xba: {  	_ =	task [dreg:s22], $0x5FFFF  }
0xbb: {  	[dreg:$0x1] =	wrdreg $0xFFFFFFFF  }
0xbc: {  	[dreg:$0x0] =	wrdreg $0x60  }
0xbd: {  	[dreg:$0x2] =	wrdreg s24  }
0xbe: {  	[dreg:$0x3] =	wrdreg $0x87000  }
0xbf: {  	[dreg:$0x4] =	wrdreg $0xA  }
0xc0: {  	_ =	task.clear_ibuf [dreg:s22], $0x5FFFF;
	_ =	strace $0x9000004C  }
0xc1: {  	s29 =	simm.s32 $0xA;
	_ =	strace $0x8000004E  }
0xc2: {  	_ =	swait.ge [sflag:s29], $0x1  }
0xc3: {  	[sflag:s29] =	ssyncadd.s32 $0xFFFFFFFF  }
0xc4: {  	_ =	strace $0x9000004E  }
0xc5: {  	_ =	sfence  }
0xc6: {  	s30 =	sld [smem:$0x0];
	_ =	sdelay $0x2  }
0xc7: {  	s31 =	sshll.u32 s1, $0xD;
	s1 =	sshrl.u32 s1, $0x2  }
0xc8: {  	s4 =	sand.u32 $0x4000, s31;
	s1 =	sadd.s32 s1, s30  }
0xc9: {  	s0 =	sor.u32 s4, s0;
	s1 =	sshll.u32 s1, $0x11  }
0xca: {  	s0 =	sor.u32 s1, s0  }
0xcb: {  	s0 =	sadd.s32 $0x8F2B, s0  }
0xcc: {  	[sflag:s0] =	ssyncadd.remote.s32 $0x1  }
0xcd: {  	_ =	sfence.sel $0xFFFF  }
0xce: {  	[dreg:$0x0] =	wrdreg $0xFFFFFFFF;
	(pc) =	sbr.abs _section_cstart, $3  }
0xcf: {  	[dreg:$0x1] =	wrdreg $0xFFFFFFFF  }
0xd0: {  	_ =	task.clear_ibuf [dreg:s22], $0x2FFFF;
	_ =	strace $0x9FFFFFFF  }
0xd1: {  	(tm) =	ssettm $0x7FFFFFFF  }
tec
execute0_lowered:
.L_overlay_start_1:
0x0: {  	(tag) =	ssettag $0x1  }
0x1: {  	s1 =	srdreg.scid;
	s6 =	rddreg [dreg:$0x0]  }
0x2: {  	s0 =	stileid.u32;
	s2 =	rddreg [dreg:$0x1]  }
0x3: {  	s3 =	simm.s32 $0x0;
	s16 =	simm.s32 $0x4880;
	s17 =	simm.s32 $0x1  }
0x4: {  	s18 =	simm.s32 $0x7D;
	s19 =	simm.s32 $0x2;
	s20 =	simm.s32 $0x900  }
0x5: {  	s21 =	simm.s32 $0x980;
	s22 =	simm.s32 $0x0;
	s8 =	smul.u32 $0x13880, s0  }
0x6: {  	s5 =	sand.u32 $0x1, s1;
	s1 =	rddreg [dreg:$0x2];
	s26 =	smul.u32 $0x1388, s0  }
0x7: {  	s25 =	sshll.u32 s0, $0x1;
	[smem:$0x7FF] =	sst s3;
	s9 =	smul.u32 $0x138800, s5  }
0x8: {  	s11 =	sadd.s32 $0x342800, s6;
	s7 =	sor.u32 s5, s25;
	s29 =	smul.u32 $0x9C4, s5  }
0x9: {  	s28 =	sshll.u32 s0, $0x6;
	_ =	strace $0x8000004D;
	s4 =	smul.u32 $0x140, s7  }
0xa: {  	s12 =	ssub.s32 $0x2, s5;
	s5 =	sor.u32 $0x1C03, s28;
	s14 =	smul.u32 $0x4E200, s7  }
0xb: {  	s13 =	sshrl.u32 s12, $0x1;
	s15 =	sadd.s32 s8, s2;
	s7 =	smul.u32 $0x9C40, s7  }
0xc: {  	s9 =	sadd.s32 s8, s9;
	s12 =	ssub.s32 s12, s13;
	s13 =	sadd.s32 s29, s26  }
0xd: {  	s10 =	sadd.s32 s4, s6;
	s4 =	sadd.s32 $0x168C00, s6;
	s9 =	sshrl.u32 s9, $0x3  }
0xe: {  	s14 =	sshrl.u32 s14, $0x3;
	s7 =	sadd.s32 s11, s7;
	s13 =	sshll.u32 s13, $0x4  }
0xf: {  	s9 =	sadd.s32 s9, s6;
	s6 =	sadd.s32 $0x3A00, s10;
	s30 =	sadd.s32 s11, s14  }
0x10: {  	s10 =	smax.u32 s12, $0x1;
	s31 =	sadd.s32 s11, s13;
	s13 =	sshrl.u32 s15, $0x3  }
0x11: {  	s14 =	simm.s32 $0x3;
	s15 =	simm.s32 $0xA00;
	s8 =	sadd.s32 $0x7D0, s30  }
0x12: {  	s9 =	sadd.s32 $0x47B000, s9;
	s11 =	sadd.s32 $0x1770, s31;
	s12 =	sadd.s32 $0xFA0, s31  }
.LBB2_1:
0x13: {  	[spmem:s13], [sflag:s5] =	dma.local [hbm:s4], $0x2710  }
0x14: {  	_ =	swait.ge [sflag:s14], $0x2710  }
0x15: {  	[sflag:s14] =	ssyncset.done $0x0  }
0x16: {  	[sflag:s14] =	ssyncadd.s32 $0xFFFFD8F0  }
0x17: {  	[tilespmem:s3], [sflag:$0x3] =	stream.linear.gather [hbm4b:s6+s3], $0xA00, $0x38;
	[tilespmem:$0x1BF80] =	vst v63  }
0x18: {  	_ =	swait.ge [sflag:s14], $0xA00  }
0x19: {  	[sflag:s14] =	ssyncset.done $0x0  }
0x1a: {  	[sflag:s14] =	ssyncadd.s32 $0xFFFFF600  }
0x1b: {  	[bflag:$0x0] =	sbarrier.arrive $0xFFFF  }
0x1c: {  	[tilespmem:s15], [sflag:$0x1] =	stream.linear.gather [hbm4b:s7+s3], $0x3E80, $0x38;
	[tilespmem:$0x1BF80] =	vst v63  }
0x1d: {  	_ = 	snop  }
0x1e: {  	[tilespmem:s16], [sflag:$0x2] =	stream.linear.gather [hbm4b:s8+s3], $0x3E80, $0x38;
	[tilespmem:$0x1BF80] =	vst v63  }
0x1f: {  	_ =	swait.ge [sflag:s17], $0x3E80  }
0x20: {  	[sflag:s17] =	ssyncset.done $0x0  }
0x21: {  	s23 =	simm.s32 $0x0;
	[sflag:s17] =	ssyncadd.s32 $0xFFFFC180  }
0x22: {  	[spmem:s2] =	stream.indirect.scatter.add.f32 [tilespmem:s15], [sflag:$0x3], $0x80, s23, s18, $0xb8;
	[tilespmem:$0x1BF80] =	vst v63  }
0x23: {  	_ =	swait.ge [sflag:s14], $0x3E80  }
0x24: {  	[sflag:s14] =	ssyncset.done $0x0  }
0x25: {  	s30 =	sadd.s32 $0x0, s12;
	[sflag:s14] =	ssyncadd.s32 $0xFFFFC180  }
0x26: {  	[tilespmem:s15], [sflag:$0x1] =	stream.linear.gather [hbm4b:s30+s3], $0x3E80, $0x38;
	[tilespmem:$0x1BF80] =	vst v63  }
0x27: {  	_ =	swait.ge [sflag:s19], $0x3E80  }
0x28: {  	[sflag:s19] =	ssyncset.done $0x0  }
0x29: {  	s31 =	simm.s32 $0x80;
	[sflag:s19] =	ssyncadd.s32 $0xFFFFC180  }
0x2a: {  	[spmem:s2] =	stream.indirect.scatter.add.f32 [tilespmem:s16], [sflag:$0x3], $0x80, s31, s18, $0xb8;
	[tilespmem:$0x1BF80] =	vst v63  }
0x2b: {  	_ =	swait.ge [sflag:s14], $0x3E80  }
0x2c: {  	s25 =	sadd.s32 $0x0, s11;
	[sflag:s14] =	ssyncset.done $0x0  }
0x2d: {  	s24 =	simm.s32 $0x180;
	s23 =	simm.s32 $0xFA0;
	[sflag:s14] =	ssyncadd.s32 $0xFFFFC180  }
.LBB2_2:
0x2e: {  	[tilespmem:s16], [sflag:$0x2] =	stream.linear.gather [hbm4b:s25+s3], $0x3E80, $0x38;
	[tilespmem:$0x1BF80] =	vst v63  }
0x2f: {  	s25 =	smov.u32 s23  }
0x30: {  	p0 =	sne.s32 s23, $0x7D00;
	s23 =	sadd.s32 $0xFA0, s23;
	_ =	swait.ge [sflag:s17], $0x3E80  }
0x31: {  	[sflag:s17] =	ssyncset.done $0x0  }
0x32: {  	s26 =	sadd.s32 $0xFFFFFF80, s24;
	[sflag:s17] =	ssyncadd.s32 $0xFFFFC180  }
0x33: {  	[spmem:s2] =	stream.indirect.scatter.add.f32 [tilespmem:s15], [sflag:$0x3], $0x80, s26, s18, $0xb8;
	[tilespmem:$0x1BF80] =	vst v63  }
0x34: {  	_ =	swait.ge [sflag:s14], $0x3E80  }
0x35: {  	[sflag:s14] =	ssyncset.done $0x0  }
0x36: {  	s26 =	sadd.s32 s25, s12;
	[sflag:s14] =	ssyncadd.s32 $0xFFFFC180  }
0x37: {  	[tilespmem:s15], [sflag:$0x1] =	stream.linear.gather [hbm4b:s26+s3], $0x3E80, $0x38;
	[tilespmem:$0x1BF80] =	vst v63  }
0x38: {  	_ =	swait.ge [sflag:s19], $0x3E80  }
0x39: {  	[sflag:s19] =	ssyncset.done $0x0  }
.Ltmp0:
0x3a: {  	[sflag:s19] =	ssyncadd.s32 $0xFFFFC180;
	(pc) =	sbr.rel @p0 .LBB2_2-.Ltmp0, $4  }
0x3b: {  	[spmem:s2] =	stream.indirect.scatter.add.f32 [tilespmem:s16], [sflag:$0x3], $0x80, s24, s18, $0xb8;
	[tilespmem:$0x1BF80] =	vst v63  }
0x3c: {  	_ =	swait.ge [sflag:s14], $0x3E80  }
0x3d: {  	[sflag:s14] =	ssyncset.done $0x0  }
0x3e: {  	s25 =	sadd.s32 s25, s11;
	s24 =	sadd.s32 $0x100, s24;
	[sflag:s14] =	ssyncadd.s32 $0xFFFFC180  }
0x3f: {  	[tilespmem:s16], [sflag:$0x2] =	stream.linear.gather [hbm4b:s25+s3], $0x3E80, $0x38;
	[tilespmem:$0x1BF80] =	vst v63  }
0x40: {  	_ =	swait.ge [sflag:s17], $0x3E80  }
0x41: {  	[sflag:s17] =	ssyncset.done $0x0  }
0x42: {  	[sflag:s17] =	ssyncadd.s32 $0xFFFFC180  }
0x43: {  	[spmem:s2] =	stream.indirect.scatter.add.f32 [tilespmem:s15], [sflag:$0x3], $0x80, s20, s18, $0xb8;
	[tilespmem:$0x1BF80] =	vst v63  }
0x44: {  	_ =	swait.ge [sflag:s14], $0x3E80  }
0x45: {  	[sflag:s14] =	ssyncset.done $0x0  }
0x46: {  	[sflag:s14] =	ssyncadd.s32 $0xFFFFC180  }
0x47: {  	_ =	swait.ge [sflag:s19], $0x3E80  }
0x48: {  	[sflag:s19] =	ssyncset.done $0x0  }
0x49: {  	[sflag:s19] =	ssyncadd.s32 $0xFFFFC180  }
0x4a: {  	[spmem:s2] =	stream.indirect.scatter.add.f32 [tilespmem:s16], [sflag:$0x3], $0x80, s21, s18, $0xb8;
	[tilespmem:$0x1BF80] =	vst v63  }
0x4b: {  	_ =	swait.ge [sflag:s14], $0x3E80  }
0x4c: {  	s22 =	sadd.s32 $0x1, s22;
	[sflag:s14] =	ssyncset.done $0x0  }
0x4d: {  	p0 =	sne.s32 s22, s10;
	[sflag:s14] =	ssyncadd.s32 $0xFFFFC180  }
.Ltmp1:
0x4e: {  	[bflag:$0x0] =	sbarrier.arrive $0xFFFF;
	(pc) =	sbr.rel @p0 .LBB2_1-.Ltmp1, $4  }
0x4f: {  	[hbm:s9], [sflag:s5] =	dma.local [spmem:s13], $0x2710  }
0x50: {  	_ =	swait.ge [sflag:s14], $0x2710  }
0x51: {  	[sflag:s14] =	ssyncset.done $0x0  }
0x52: {  	[sflag:s14] =	ssyncadd.s32 $0xFFFFD8F0  }
0x53: {  	_ =	sfence.sel $0x180000  }
0x54: {  	[bflag:$0x0] =	sbarrier.arrive $0xFFFF  }
0x55: {  	p0 =	sne.s32 s0, $0x0;
	_ =	strace $0x9000004D  }
0x56: {  	s0 =	sadd.s32 @!p0 $0x100000, s1;
	[bflag:$0x2] =	sbarrier.arrive $0xFFFF  }
0x57: {  	[sflag:s0] =	ssyncadd.tile.s32 @!p0 $0x1;
	_ =	shalt  }
.Lfunc_end2:
_tile_overlayer_lowered:
.L_overlay_start_2:
0x58: {  	(tag) =	ssettag $0x2  }
0x59: {  	s0 =	rddreg [dreg:$0x0];
	s2 =	stileid.u32  }
0x5a: {  	s1 =	rddreg [dreg:$0x1];
	p0 =	sne.s32 s2, $0x0  }
0x5b: {  	s3 =	rddreg [dreg:$0x2];
	[bflag:$0x3] =	sbarrier.arrive $0xFFFF;
	s2 =	simm.s32 @!p0 $0x1C03  }
0x5c: {  	[timem:s3], [sflag:s2] =	dma.local @!p0 [hbm:s0], s1  }
0x5d: {  	s0 =	simm.s32 @!p0 $0x3  }
0x5e: {  	_ =	swait.ge @!p0 [sflag:s0], s1  }
0x5f: {  	s1 =	ssub.s32 @!p0 $0x0, s1;
	[sflag:s0] =	ssyncset.done @!p0 $0x0  }
0x60: {  	[sflag:s0] =	ssyncadd.s32 @!p0 s1  }
0x61: {  	[bflag:$0x3] =	sbarrier.arrive $0xFFFF  }
0x62: {  	_ =	shalt  }

// kernel: kernel.17.cloned.1.call-start
scs
__scs_entry_jumppad:
0x0: {  	(pc) =	sbr.rel $0x88, $3  }
0x1: {  	(tag) =	ssettag $0x0;
	lr =	simm.s32 $0x1  }
0x2: {  	[smem:$0x3F9B] =	sst lr;
	_ =	strace $0xD0000000  }
0x3: {  	_ = 	snop  }
0x4: {  	_ = 	snop  }
0x5: {  	_ = 	snop  }
0x6: {  	_ = 	snop  }
0x7: {  	_ = 	snop  }
__scs_overlays_trampoline_lowered:
0x8: {  	[smem:$0x3FAA] =	sst s0  }
0x9: {  	[smem:$0x3FAB] =	sst s1  }
0xa: {  	[smem:$0x3FAC] =	sst s2  }
0xb: {  	[smem:$0x3FAD] =	sst s3  }
0xc: {  	[smem:$0x3FAE] =	sst s4  }
0xd: {  	[smem:$0x3FAF] =	sst s5  }
0xe: {  	[smem:$0x3FB0] =	sst s6  }
0xf: {  	[smem:$0x3FB1] =	sst s7  }
0x10: {  	[smem:$0x3FB2] =	sst s8  }
0x11: {  	[smem:$0x3FB3] =	sst s9;
	s0 =	simm.s32 @!p0 $0x0  }
0x12: {  	s1 =	sld [smem:$0x3F99];
	s0 =	simm.s32 @p0 $0x1  }
0x13: {  	[smem:$0x3FB4] =	sst s0;
	s0 =	simm.s32 @!p1 $0x0  }
0x14: {  	s2 =	sld [smem:$0x3F98];
	s0 =	simm.s32 @p1 $0x1  }
0x15: {  	[smem:$0x3FB5] =	sst s0;
	s0 =	simm.s32 @!p2 $0x0  }
0x16: {  	s3 =	sld [smem:$0x3FDB];
	s0 =	simm.s32 @p2 $0x1  }
0x17: {  	s4 =	simm.s32 $0x1BF5;
	[smem:$0x3FB7] =	sst s0  }
0x18: {  	s0 =	sld [smem:$0x3F9A];
	_ =	swait.ge [sflag:s4], $0x0  }
0x19: {  	s7 =	sld [smem:$0x3F9B]  }
0x1a: {  	s8 =	sadd.s32 $0xFFFFE003, lr  }
0x1b: {  	s9 =	sadd.s32 $0xFFFFFEF7, lr;
	s5 =	simm.s32 $0xFFFFFFFF;
	p2 =	slt.u32 s8, $0xFFFFF086  }
0x1c: {  	p1 =	slt.u32 s9, $0xF7A;
	s5 =	simm.s32 @!p2 $0x0  }
0x1d: {  	s5 =	simm.s32 @p1 $0x1;
	p0 =	seq.s32 s7, s2  }
0x1e: {  	s7 =	smul.u32 @!p0 $0xF7A, s2;
	p2 =	seq.s32 @!p0 s5, $0x0  }
0x1f: {  	s9 =	smul.u32 $0xF7A, s1;
	s8 =	simm.s32 @!p0 $0x1BF5;
	p2 =	por !p2, p0  }
0x20: {  	[sflag:s8] =	ssyncset.s32 @!p0 $0xFFFFF086;
	s6 =	sadd.s32 @!p0 s3, s7;
	s7 =	simm.s32 @!p0 $0x108  }
0x21: {  	s3 =	sadd.s32 s3, s9;
	s6 =	sadd.s32 @!p0 $0x88, s6;
	s7 =	simm.s32 @p2 $0x1082  }
0x22: {  	[simem:s7], [sflag:s8] =	dma.local @!p0 [hbm:s6], $0xF7A  }
0x23: {  	s9 =	sor.u32 $0xD0000000, s2;
	s6 =	simm.s32 $0x108;
	_ =	swait.ge @!p0 [sflag:s8], $0x0  }
0x24: {  	s3 =	sadd.s32 $0x88, s3;
	s6 =	simm.s32 @!p1 $0x1082;
	[sflag:s4] =	ssyncset.s32 $0xFFFFF086  }
0x25: {  	[simem:s6], [sflag:s4] =	dma.local [hbm:s3], $0xF7A  }
0x26: {  	[smem:$0x3F9B] =	sst s1;
	(tag) =	ssettag s2;
	_ =	strace s9  }
0x27: {  	s1 =	sld [smem:$0x3FAB]  }
0x28: {  	s2 =	sld [smem:$0x3FAC]  }
0x29: {  	s4 =	sld [smem:$0x3FAE]  }
0x2a: {  	p0 =	seq.s32 s5, $0x0;
	s5 =	sld [smem:$0x3FAF]  }
0x2b: {  	s6 =	sld [smem:$0x3FB0]  }
0x2c: {  	s7 =	sld [smem:$0x3FB1]  }
0x2d: {  	s3 =	simm.s32 $0x108;
	s8 =	sld [smem:$0x3FB2]  }
0x2e: {  	s3 =	simm.s32 @!p0 $0x1082;
	s9 =	sld [smem:$0x3FB3]  }
0x2f: {  	lr =	sadd.s32 s0, s3;
	s0 =	sld [smem:$0x3FAA]  }
0x30: {  	s3 =	sld [smem:$0x3FAD]  }
0x31: {  	[smem:$0x3FB6] =	sst s10  }
0x32: {  	s10 =	sld [smem:$0x3FB4];
	_ =	sdelay $0x3  }
0x33: {  	p0 =	seq.s32 s10, $0x1;
	s10 =	sld [smem:$0x3FB6];
	_ =	sdelay $0x3  }
0x34: {  	[smem:$0x3FB6] =	sst s10  }
0x35: {  	s10 =	sld [smem:$0x3FB5];
	_ =	sdelay $0x3  }
0x36: {  	p1 =	seq.s32 s10, $0x1;
	s10 =	sld [smem:$0x3FB6];
	_ =	sdelay $0x3  }
0x37: {  	[smem:$0x3FB6] =	sst s10  }
0x38: {  	s10 =	sld [smem:$0x3FB7]  }
0x39: {  	_ = 	snop;
	(pc) =	sbr.ind lr, $3  }
0x3a: {  	_ = 	snop  }
0x3b: {  	_ = 	snop  }
0x3c: {  	p2 =	seq.s32 s10, $0x1;
	s10 =	sld [smem:$0x3FB6]  }
0x3d: {  	_ =	shalt  }
0x3e: {  	_ =	shalt  }
0x3f: {  	_ =	shalt  }
0x40: {  	_ =	shalt  }
0x41: {  	_ =	shalt  }
0x42: {  	_ =	shalt  }
0x43: {  	_ =	shalt  }
0x44: {  	_ =	shalt  }
0x45: {  	_ =	shalt  }
0x46: {  	_ =	shalt  }
0x47: {  	_ =	shalt  }
0x48: {  	_ =	shalt  }
0x49: {  	_ =	shalt  }
0x4a: {  	_ =	shalt  }
0x4b: {  	_ =	shalt  }
0x4c: {  	_ =	shalt  }
0x4d: {  	_ =	shalt  }
0x4e: {  	_ =	shalt  }
0x4f: {  	_ =	shalt  }
0x50: {  	_ =	shalt  }
0x51: {  	_ =	shalt  }
0x52: {  	_ =	shalt  }
0x53: {  	_ =	shalt  }
0x54: {  	_ =	shalt  }
0x55: {  	_ =	shalt  }
0x56: {  	_ =	shalt  }
0x57: {  	_ =	shalt  }
0x58: {  	_ =	shalt  }
0x59: {  	_ =	shalt  }
0x5a: {  	_ =	shalt  }
0x5b: {  	_ =	shalt  }
0x5c: {  	_ =	shalt  }
0x5d: {  	_ =	shalt  }
0x5e: {  	_ =	shalt  }
0x5f: {  	_ =	shalt  }
0x60: {  	_ =	shalt  }
0x61: {  	_ =	shalt  }
0x62: {  	_ =	shalt  }
0x63: {  	_ =	shalt  }
0x64: {  	_ =	shalt  }
0x65: {  	_ =	shalt  }
0x66: {  	_ =	shalt  }
0x67: {  	_ =	shalt  }
0x68: {  	_ =	shalt  }
0x69: {  	_ =	shalt  }
0x6a: {  	_ =	shalt  }
0x6b: {  	_ =	shalt  }
0x6c: {  	_ =	shalt  }
0x6d: {  	_ =	shalt  }
0x6e: {  	_ =	shalt  }
0x6f: {  	_ =	shalt  }
0x70: {  	_ =	shalt  }
0x71: {  	_ =	shalt  }
0x72: {  	_ =	shalt  }
0x73: {  	_ =	shalt  }
0x74: {  	_ =	shalt  }
0x75: {  	_ =	shalt  }
0x76: {  	_ =	shalt  }
0x77: {  	_ =	shalt  }
0x78: {  	_ =	shalt  }
0x79: {  	_ =	shalt  }
0x7a: {  	_ =	shalt  }
0x7b: {  	_ =	shalt  }
0x7c: {  	_ =	shalt  }
0x7d: {  	_ =	shalt  }
0x7e: {  	_ =	shalt  }
0x7f: {  	_ =	shalt  }
0x80: {  	_ =	shalt  }
0x81: {  	_ =	shalt  }
0x82: {  	_ =	shalt  }
0x83: {  	_ =	shalt  }
0x84: {  	_ =	shalt  }
0x85: {  	_ =	shalt  }
0x86: {  	_ =	shalt  }
0x87: {  	_ =	shalt  }
.Lfunc_end0:
.L_simem_size_0:
called_computation.2_lowered:
.L_overlay_start_0:
0x88: {  	s2 =	sld [smem:$0x3FD9]  }
0x89: {  	s3 =	sld [smem:$0x3FFE];
	_ =	sdelay $0x1  }
0x8a: {  	s1 =	srdreg.scid  }
0x8b: {  	s0 =	sand.u32 $0x1, s1  }
0x8c: {  	s17 =	sshll.u32 s0, $0xA;
	s2 =	sadd.s32 s3, s2  }
0x8d: {  	s2 =	sadd.s32 s2, s17  }
0x8e: {  	[smem:$0x3FC2] =	sst s2  }
0x8f: {  	_ = 	snop  }
0x90: {  	(tm) =	ssettm $0x1  }
0x91: {  	s18 =	sld [smem:$0x3FFB];
	_ =	sdelay $0x3  }
0x92: {  	_ =	strace s18  }
0x93: {  	s2 =	sld [smem:$0x3FFC];
	_ =	sdelay $0x3  }
0x94: {  	_ =	strace s2  }
0x95: {  	s2 =	sld [smem:$0x3FFD];
	_ =	sdelay $0x3  }
0x96: {  	_ =	strace s2  }
0x97: {  	_ =	strace $0x8FFFFFFF  }
0x98: {  	s19 =	sld [smem:$0x3FDB];
	_ =	sdelay $0x1  }
0x99: {  	s20 =	simm.s32 $_scs_section_size  }
0x9a: {  	s4 =	simm.s32 $_size__tile_overlayer_lowered;
	s5 =	simm.s32 $_tile_overlayer_lowered  }
0x9b: {  	s6 =	simm.s32 $0x1BFF;
	s21 =	sshll.u32 s5, $0x1;
	s3 =	sadd.s32 s20, s19  }
0x9c: {  	s22 =	simm.s32 $0x0;
	s4 =	sshll.u32 s4, $0x1;
	s5 =	sadd.s32 s21, s3  }
0x9d: {  	[timem:s22], [sflag:s6] =	dma.local [hbm:s5], s4  }
0x9e: {  	_ =	swait.ge [sflag:s6], s4  }
0x9f: {  	s4 =	ssub.s32 $0x0, s4;
	[sflag:s6] =	ssyncset.done $0x0  }
0xa0: {  	[sflag:s6] =	ssyncadd.s32 s4;
	_ =	sdelay $0x1  }
0xa1: {  	s23 =	simm.s32 $0x1B8B  }
0xa2: {  	_ =	swait.ge [sflag:s23], $0x1  }
0xa3: {  	[sflag:s23] =	ssyncset.done $0x0  }
0xa4: {  	[sflag:s23] =	ssyncadd.s32 $0xFFFFFFFF  }
0xa5: {  	s4 =	sld [smem:$0x0]  }
0xa6: {  	s5 =	sand.u32 $0xFFFFFFFE, s1  }
0xa7: {  	p0 =	sne.s32 s1, s5  }
0xa8: {  	s5 =	sshll.u32 @p0 s5, $0xE  }
0xa9: {  	s5 =	sadd.s32 @p0 $0x11B8D, s5;
	s6 =	sshll.u32 @p0 s4, $0x11  }
0xaa: {  	s5 =	sor.u32 @p0 s6, s5  }
0xab: {  	[sflag:s5] =	ssyncadd.remote.s32 @p0 $0x1;
	_ =	sdelay $0x1  }
0xac: {  	s5 =	simm.s32 @p0 $0x1B8D  }
0xad: {  	_ =	swait.eq @p0 [sflag:s5], $0x1  }
0xae: {  	[sflag:s5] =	ssyncadd.s32 @p0 $0xFFFFFFFF  }
0xaf: {  	s6 =	sshll.u32 @!p0 s1, $0xE  }
0xb0: {  	s6 =	sor.u32 @!p0 $0x4000, s6;
	s5 =	simm.s32 @!p0 $0x1B8D  }
0xb1: {  	s4 =	sshll.u32 @!p0 s4, $0x11;
	s6 =	sadd.s32 @!p0 $0x11B8D, s6;
	_ =	swait.eq @!p0 [sflag:s5], $0x1  }
0xb2: {  	s4 =	sor.u32 @!p0 s4, s6;
	[sflag:s5] =	ssyncadd.s32 @!p0 $0xFFFFFFFF  }
0xb3: {  	s25 =	simm.s32 $0x1B8E;
	s24 =	sld [smem:$0x3FFE];
	[sflag:s4] =	ssyncadd.remote.s32 @!p0 $0x1  }
0xb4: {  	s26 =	simm.s32 $execute0_lowered;
	[smem:$0x3FD2] =	sst s25  }
0xb5: {  	s5 =	sshll.u32 s26, $0x1;
	_ =	strace $0x80000049;
	[dreg:$0x1] =	wrdreg $0xFFFFFFFF  }
0xb6: {  	s28 =	simm.s32 $_size_execute0_lowered;
	s3 =	sadd.s32 s3, s5;
	[dreg:$0x0] =	wrdreg $0x0  }
0xb7: {  	s5 =	sshll.u32 s28, $0x1;
	[dreg:$0x2] =	wrdreg s3  }
0xb8: {  	[dreg:$0x3] =	wrdreg s5  }
0xb9: {  	[dreg:$0x4] =	wrdreg $0xC0  }
0xba: {  	_ =	task [dreg:s22], $0x5FFFF  }
0xbb: {  	[dreg:$0x1] =	wrdreg $0xFFFFFFFF  }
0xbc: {  	[dreg:$0x0] =	wrdreg $0x60  }
0xbd: {  	[dreg:$0x2] =	wrdreg s24  }
0xbe: {  	[dreg:$0x3] =	wrdreg $0x87000  }
0xbf: {  	[dreg:$0x4] =	wrdreg $0xB  }
0xc0: {  	_ =	task.clear_ibuf [dreg:s22], $0x5FFFF;
	_ =	strace $0x90000049  }
0xc1: {  	s29 =	simm.s32 $0xB;
	_ =	strace $0x8000004B  }
0xc2: {  	_ =	swait.ge [sflag:s29], $0x1  }
0xc3: {  	[sflag:s29] =	ssyncadd.s32 $0xFFFFFFFF  }
0xc4: {  	_ =	strace $0x9000004B  }
0xc5: {  	_ =	sfence  }
0xc6: {  	s30 =	sld [smem:$0x0];
	_ =	sdelay $0x2  }
0xc7: {  	s31 =	sshll.u32 s1, $0xD;
	s1 =	sshrl.u32 s1, $0x2  }
0xc8: {  	s4 =	sand.u32 $0x4000, s31;
	s1 =	sadd.s32 s1, s30  }
0xc9: {  	s0 =	sor.u32 s4, s0;
	s1 =	sshll.u32 s1, $0x11  }
0xca: {  	s0 =	sor.u32 s1, s0  }
0xcb: {  	s0 =	sadd.s32 $0x8F2B, s0  }
0xcc: {  	[sflag:s0] =	ssyncadd.remote.s32 $0x1  }
0xcd: {  	_ =	sfence.sel $0xFFFF  }
0xce: {  	[dreg:$0x0] =	wrdreg $0xFFFFFFFF;
	(pc) =	sbr.abs _section_cstart, $3  }
0xcf: {  	[dreg:$0x1] =	wrdreg $0xFFFFFFFF  }
0xd0: {  	_ =	task.clear_ibuf [dreg:s22], $0x2FFFF;
	_ =	strace $0x9FFFFFFF  }
0xd1: {  	(tm) =	ssettm $0x7FFFFFFF  }
tec
execute0_lowered:
.L_overlay_start_1:
0x0: {  	(tag) =	ssettag $0x1  }
0x1: {  	s1 =	srdreg.scid;
	s6 =	rddreg [dreg:$0x0]  }
0x2: {  	s0 =	stileid.u32;
	s2 =	rddreg [dreg:$0x1]  }
0x3: {  	s3 =	simm.s32 $0x0;
	s16 =	simm.s32 $0x4880;
	s17 =	simm.s32 $0x1  }
0x4: {  	s18 =	simm.s32 $0x7D;
	s19 =	simm.s32 $0x2;
	s20 =	simm.s32 $0x900  }
0x5: {  	s21 =	simm.s32 $0x980;
	s22 =	simm.s32 $0x0;
	s8 =	smul.u32 $0x13880, s0  }
0x6: {  	s5 =	sand.u32 $0x1, s1;
	s1 =	rddreg [dreg:$0x2];
	s26 =	smul.u32 $0x1388, s0  }
0x7: {  	s25 =	sshll.u32 s0, $0x1;
	[smem:$0x7FF] =	sst s3;
	s9 =	smul.u32 $0x138800, s5  }
0x8: {  	s11 =	sadd.s32 $0x1BBE00, s6;
	s7 =	sor.u32 s5, s25;
	s29 =	smul.u32 $0x9C4, s5  }
0x9: {  	s28 =	sshll.u32 s0, $0x6;
	_ =	strace $0x8000004A;
	s4 =	smul.u32 $0x140, s7  }
0xa: {  	s12 =	ssub.s32 $0x2, s5;
	s5 =	sor.u32 $0x1C03, s28;
	s14 =	smul.u32 $0x4E200, s7  }
0xb: {  	s13 =	sshrl.u32 s12, $0x1;
	s15 =	sadd.s32 s8, s2;
	s7 =	smul.u32 $0x9C40, s7  }
0xc: {  	s9 =	sadd.s32 s8, s9;
	s12 =	ssub.s32 s12, s13;
	s13 =	sadd.s32 s29, s26  }
0xd: {  	s10 =	sadd.s32 s4, s6;
	s4 =	sadd.s32 $0x168C00, s6;
	s9 =	sshrl.u32 s9, $0x3  }
0xe: {  	s14 =	sshrl.u32 s14, $0x3;
	s7 =	sadd.s32 s11, s7;
	s13 =	sshll.u32 s13, $0x4  }
0xf: {  	s9 =	sadd.s32 s9, s6;
	s6 =	sadd.s32 $0x1B9600, s10;
	s30 =	sadd.s32 s11, s14  }
0x10: {  	s10 =	smax.u32 s12, $0x1;
	s31 =	sadd.s32 s11, s13;
	s13 =	sshrl.u32 s15, $0x3  }
0x11: {  	s14 =	simm.s32 $0x3;
	s15 =	simm.s32 $0xA00;
	s8 =	sadd.s32 $0x7D0, s30  }
0x12: {  	s9 =	sadd.s32 $0x2F4600, s9;
	s11 =	sadd.s32 $0x1770, s31;
	s12 =	sadd.s32 $0xFA0, s31  }
.LBB2_1:
0x13: {  	[spmem:s13], [sflag:s5] =	dma.local [hbm:s4], $0x2710  }
0x14: {  	_ =	swait.ge [sflag:s14], $0x2710  }
0x15: {  	[sflag:s14] =	ssyncset.done $0x0  }
0x16: {  	[sflag:s14] =	ssyncadd.s32 $0xFFFFD8F0  }
0x17: {  	[tilespmem:s3], [sflag:$0x3] =	stream.linear.gather [hbm4b:s6+s3], $0xA00, $0x38;
	[tilespmem:$0x1BF80] =	vst v63  }
0x18: {  	_ =	swait.ge [sflag:s14], $0xA00  }
0x19: {  	[sflag:s14] =	ssyncset.done $0x0  }
0x1a: {  	[sflag:s14] =	ssyncadd.s32 $0xFFFFF600  }
0x1b: {  	[bflag:$0x0] =	sbarrier.arrive $0xFFFF  }
0x1c: {  	[tilespmem:s15], [sflag:$0x1] =	stream.linear.gather [hbm4b:s7+s3], $0x3E80, $0x38;
	[tilespmem:$0x1BF80] =	vst v63  }
0x1d: {  	_ = 	snop  }
0x1e: {  	[tilespmem:s16], [sflag:$0x2] =	stream.linear.gather [hbm4b:s8+s3], $0x3E80, $0x38;
	[tilespmem:$0x1BF80] =	vst v63  }
0x1f: {  	_ =	swait.ge [sflag:s17], $0x3E80  }
0x20: {  	[sflag:s17] =	ssyncset.done $0x0  }
0x21: {  	s23 =	simm.s32 $0x0;
	[sflag:s17] =	ssyncadd.s32 $0xFFFFC180  }
0x22: {  	[spmem:s2] =	stream.indirect.scatter.add.f32 [tilespmem:s15], [sflag:$0x3], $0x80, s23, s18, $0xb8;
	[tilespmem:$0x1BF80] =	vst v63  }
0x23: {  	_ =	swait.ge [sflag:s14], $0x3E80  }
0x24: {  	[sflag:s14] =	ssyncset.done $0x0  }
0x25: {  	s30 =	sadd.s32 $0x0, s12;
	[sflag:s14] =	ssyncadd.s32 $0xFFFFC180  }
0x26: {  	[tilespmem:s15], [sflag:$0x1] =	stream.linear.gather [hbm4b:s30+s3], $0x3E80, $0x38;
	[tilespmem:$0x1BF80] =	vst v63  }
0x27: {  	_ =	swait.ge [sflag:s19], $0x3E80  }
0x28: {  	[sflag:s19] =	ssyncset.done $0x0  }
0x29: {  	s31 =	simm.s32 $0x80;
	[sflag:s19] =	ssyncadd.s32 $0xFFFFC180  }
0x2a: {  	[spmem:s2] =	stream.indirect.scatter.add.f32 [tilespmem:s16], [sflag:$0x3], $0x80, s31, s18, $0xb8;
	[tilespmem:$0x1BF80] =	vst v63  }
0x2b: {  	_ =	swait.ge [sflag:s14], $0x3E80  }
0x2c: {  	s25 =	sadd.s32 $0x0, s11;
	[sflag:s14] =	ssyncset.done $0x0  }
0x2d: {  	s24 =	simm.s32 $0x180;
	s23 =	simm.s32 $0xFA0;
	[sflag:s14] =	ssyncadd.s32 $0xFFFFC180  }
.LBB2_2:
0x2e: {  	[tilespmem:s16], [sflag:$0x2] =	stream.linear.gather [hbm4b:s25+s3], $0x3E80, $0x38;
	[tilespmem:$0x1BF80] =	vst v63  }
0x2f: {  	s25 =	smov.u32 s23  }
0x30: {  	p0 =	sne.s32 s23, $0x7D00;
	s23 =	sadd.s32 $0xFA0, s23;
	_ =	swait.ge [sflag:s17], $0x3E80  }
0x31: {  	[sflag:s17] =	ssyncset.done $0x0  }
0x32: {  	s26 =	sadd.s32 $0xFFFFFF80, s24;
	[sflag:s17] =	ssyncadd.s32 $0xFFFFC180  }
0x33: {  	[spmem:s2] =	stream.indirect.scatter.add.f32 [tilespmem:s15], [sflag:$0x3], $0x80, s26, s18, $0xb8;
	[tilespmem:$0x1BF80] =	vst v63  }
0x34: {  	_ =	swait.ge [sflag:s14], $0x3E80  }
0x35: {  	[sflag:s14] =	ssyncset.done $0x0  }
0x36: {  	s26 =	sadd.s32 s25, s12;
	[sflag:s14] =	ssyncadd.s32 $0xFFFFC180  }
0x37: {  	[tilespmem:s15], [sflag:$0x1] =	stream.linear.gather [hbm4b:s26+s3], $0x3E80, $0x38;
	[tilespmem:$0x1BF80] =	vst v63  }
0x38: {  	_ =	swait.ge [sflag:s19], $0x3E80  }
0x39: {  	[sflag:s19] =	ssyncset.done $0x0  }
.Ltmp0:
0x3a: {  	[sflag:s19] =	ssyncadd.s32 $0xFFFFC180;
	(pc) =	sbr.rel @p0 .LBB2_2-.Ltmp0, $4  }
0x3b: {  	[spmem:s2] =	stream.indirect.scatter.add.f32 [tilespmem:s16], [sflag:$0x3], $0x80, s24, s18, $0xb8;
	[tilespmem:$0x1BF80] =	vst v63  }
0x3c: {  	_ =	swait.ge [sflag:s14], $0x3E80  }
0x3d: {  	[sflag:s14] =	ssyncset.done $0x0  }
0x3e: {  	s25 =	sadd.s32 s25, s11;
	s24 =	sadd.s32 $0x100, s24;
	[sflag:s14] =	ssyncadd.s32 $0xFFFFC180  }
0x3f: {  	[tilespmem:s16], [sflag:$0x2] =	stream.linear.gather [hbm4b:s25+s3], $0x3E80, $0x38;
	[tilespmem:$0x1BF80] =	vst v63  }
0x40: {  	_ =	swait.ge [sflag:s17], $0x3E80  }
0x41: {  	[sflag:s17] =	ssyncset.done $0x0  }
0x42: {  	[sflag:s17] =	ssyncadd.s32 $0xFFFFC180  }
0x43: {  	[spmem:s2] =	stream.indirect.scatter.add.f32 [tilespmem:s15], [sflag:$0x3], $0x80, s20, s18, $0xb8;
	[tilespmem:$0x1BF80] =	vst v63  }
0x44: {  	_ =	swait.ge [sflag:s14], $0x3E80  }
0x45: {  	[sflag:s14] =	ssyncset.done $0x0  }
0x46: {  	[sflag:s14] =	ssyncadd.s32 $0xFFFFC180  }
0x47: {  	_ =	swait.ge [sflag:s19], $0x3E80  }
0x48: {  	[sflag:s19] =	ssyncset.done $0x0  }
0x49: {  	[sflag:s19] =	ssyncadd.s32 $0xFFFFC180  }
0x4a: {  	[spmem:s2] =	stream.indirect.scatter.add.f32 [tilespmem:s16], [sflag:$0x3], $0x80, s21, s18, $0xb8;
	[tilespmem:$0x1BF80] =	vst v63  }
0x4b: {  	_ =	swait.ge [sflag:s14], $0x3E80  }
0x4c: {  	s22 =	sadd.s32 $0x1, s22;
	[sflag:s14] =	ssyncset.done $0x0  }
0x4d: {  	p0 =	sne.s32 s22, s10;
	[sflag:s14] =	ssyncadd.s32 $0xFFFFC180  }
.Ltmp1:
0x4e: {  	[bflag:$0x0] =	sbarrier.arrive $0xFFFF;
	(pc) =	sbr.rel @p0 .LBB2_1-.Ltmp1, $4  }
0x4f: {  	[hbm:s9], [sflag:s5] =	dma.local [spmem:s13], $0x2710  }
0x50: {  	_ =	swait.ge [sflag:s14], $0x2710  }
0x51: {  	[sflag:s14] =	ssyncset.done $0x0  }
0x52: {  	[sflag:s14] =	ssyncadd.s32 $0xFFFFD8F0  }
0x53: {  	_ =	sfence.sel $0x180000  }
0x54: {  	[bflag:$0x0] =	sbarrier.arrive $0xFFFF  }
0x55: {  	p0 =	sne.s32 s0, $0x0;
	_ =	strace $0x9000004A  }
0x56: {  	s0 =	sadd.s32 @!p0 $0x100000, s1;
	[bflag:$0x2] =	sbarrier.arrive $0xFFFF  }
0x57: {  	[sflag:s0] =	ssyncadd.tile.s32 @!p0 $0x1;
	_ =	shalt  }
.Lfunc_end2:
_tile_overlayer_lowered:
.L_overlay_start_2:
0x58: {  	(tag) =	ssettag $0x2  }
0x59: {  	s0 =	rddreg [dreg:$0x0];
	s2 =	stileid.u32  }
0x5a: {  	s1 =	rddreg [dreg:$0x1];
	p0 =	sne.s32 s2, $0x0  }
0x5b: {  	s3 =	rddreg [dreg:$0x2];
	[bflag:$0x3] =	sbarrier.arrive $0xFFFF;
	s2 =	simm.s32 @!p0 $0x1C03  }
0x5c: {  	[timem:s3], [sflag:s2] =	dma.local @!p0 [hbm:s0], s1  }
0x5d: {  	s0 =	simm.s32 @!p0 $0x3  }
0x5e: {  	_ =	swait.ge @!p0 [sflag:s0], s1  }
0x5f: {  	s1 =	ssub.s32 @!p0 $0x0, s1;
	[sflag:s0] =	ssyncset.done @!p0 $0x0  }
0x60: {  	[sflag:s0] =	ssyncadd.s32 @!p0 s1  }
0x61: {  	[bflag:$0x3] =	sbarrier.arrive $0xFFFF  }
0x62: {  	_ =	shalt  }

// kernel: kernel.20.cloned.1.call-start
scs
__scs_entry_jumppad:
0x0: {  	(pc) =	sbr.rel $0x88, $3  }
0x1: {  	(tag) =	ssettag $0x0;
	lr =	simm.s32 $0x1  }
0x2: {  	[smem:$0x3F9B] =	sst lr;
	_ =	strace $0xD0000000  }
0x3: {  	_ = 	snop  }
0x4: {  	_ = 	snop  }
0x5: {  	_ = 	snop  }
0x6: {  	_ = 	snop  }
0x7: {  	_ = 	snop  }
__scs_overlays_trampoline_lowered:
0x8: {  	[smem:$0x3FAA] =	sst s0  }
0x9: {  	[smem:$0x3FAB] =	sst s1  }
0xa: {  	[smem:$0x3FAC] =	sst s2  }
0xb: {  	[smem:$0x3FAD] =	sst s3  }
0xc: {  	[smem:$0x3FAE] =	sst s4  }
0xd: {  	[smem:$0x3FAF] =	sst s5  }
0xe: {  	[smem:$0x3FB0] =	sst s6  }
0xf: {  	[smem:$0x3FB1] =	sst s7  }
0x10: {  	[smem:$0x3FB2] =	sst s8  }
0x11: {  	[smem:$0x3FB3] =	sst s9;
	s0 =	simm.s32 @!p0 $0x0  }
0x12: {  	s1 =	sld [smem:$0x3F99];
	s0 =	simm.s32 @p0 $0x1  }
0x13: {  	[smem:$0x3FB4] =	sst s0;
	s0 =	simm.s32 @!p1 $0x0  }
0x14: {  	s2 =	sld [smem:$0x3F98];
	s0 =	simm.s32 @p1 $0x1  }
0x15: {  	[smem:$0x3FB5] =	sst s0;
	s0 =	simm.s32 @!p2 $0x0  }
0x16: {  	s3 =	sld [smem:$0x3FDB];
	s0 =	simm.s32 @p2 $0x1  }
0x17: {  	s4 =	simm.s32 $0x1BF5;
	[smem:$0x3FB7] =	sst s0  }
0x18: {  	s0 =	sld [smem:$0x3F9A];
	_ =	swait.ge [sflag:s4], $0x0  }
0x19: {  	s7 =	sld [smem:$0x3F9B]  }
0x1a: {  	s8 =	sadd.s32 $0xFFFFE003, lr  }
0x1b: {  	s9 =	sadd.s32 $0xFFFFFEF7, lr;
	s5 =	simm.s32 $0xFFFFFFFF;
	p2 =	slt.u32 s8, $0xFFFFF086  }
0x1c: {  	p1 =	slt.u32 s9, $0xF7A;
	s5 =	simm.s32 @!p2 $0x0  }
0x1d: {  	s5 =	simm.s32 @p1 $0x1;
	p0 =	seq.s32 s7, s2  }
0x1e: {  	s7 =	smul.u32 @!p0 $0xF7A, s2;
	p2 =	seq.s32 @!p0 s5, $0x0  }
0x1f: {  	s9 =	smul.u32 $0xF7A, s1;
	s8 =	simm.s32 @!p0 $0x1BF5;
	p2 =	por !p2, p0  }
0x20: {  	[sflag:s8] =	ssyncset.s32 @!p0 $0xFFFFF086;
	s6 =	sadd.s32 @!p0 s3, s7;
	s7 =	simm.s32 @!p0 $0x108  }
0x21: {  	s3 =	sadd.s32 s3, s9;
	s6 =	sadd.s32 @!p0 $0x88, s6;
	s7 =	simm.s32 @p2 $0x1082  }
0x22: {  	[simem:s7], [sflag:s8] =	dma.local @!p0 [hbm:s6], $0xF7A  }
0x23: {  	s9 =	sor.u32 $0xD0000000, s2;
	s6 =	simm.s32 $0x108;
	_ =	swait.ge @!p0 [sflag:s8], $0x0  }
0x24: {  	s3 =	sadd.s32 $0x88, s3;
	s6 =	simm.s32 @!p1 $0x1082;
	[sflag:s4] =	ssyncset.s32 $0xFFFFF086  }
0x25: {  	[simem:s6], [sflag:s4] =	dma.local [hbm:s3], $0xF7A  }
0x26: {  	[smem:$0x3F9B] =	sst s1;
	(tag) =	ssettag s2;
	_ =	strace s9  }
0x27: {  	s1 =	sld [smem:$0x3FAB]  }
0x28: {  	s2 =	sld [smem:$0x3FAC]  }
0x29: {  	s4 =	sld [smem:$0x3FAE]  }
0x2a: {  	p0 =	seq.s32 s5, $0x0;
	s5 =	sld [smem:$0x3FAF]  }
0x2b: {  	s6 =	sld [smem:$0x3FB0]  }
0x2c: {  	s7 =	sld [smem:$0x3FB1]  }
0x2d: {  	s3 =	simm.s32 $0x108;
	s8 =	sld [smem:$0x3FB2]  }
0x2e: {  	s3 =	simm.s32 @!p0 $0x1082;
	s9 =	sld [smem:$0x3FB3]  }
0x2f: {  	lr =	sadd.s32 s0, s3;
	s0 =	sld [smem:$0x3FAA]  }
0x30: {  	s3 =	sld [smem:$0x3FAD]  }
0x31: {  	[smem:$0x3FB6] =	sst s10  }
0x32: {  	s10 =	sld [smem:$0x3FB4];
	_ =	sdelay $0x3  }
0x33: {  	p0 =	seq.s32 s10, $0x1;
	s10 =	sld [smem:$0x3FB6];
	_ =	sdelay $0x3  }
0x34: {  	[smem:$0x3FB6] =	sst s10  }
0x35: {  	s10 =	sld [smem:$0x3FB5];
	_ =	sdelay $0x3  }
0x36: {  	p1 =	seq.s32 s10, $0x1;
	s10 =	sld [smem:$0x3FB6];
	_ =	sdelay $0x3  }
0x37: {  	[smem:$0x3FB6] =	sst s10  }
0x38: {  	s10 =	sld [smem:$0x3FB7]  }
0x39: {  	_ = 	snop;
	(pc) =	sbr.ind lr, $3  }
0x3a: {  	_ = 	snop  }
0x3b: {  	_ = 	snop  }
0x3c: {  	p2 =	seq.s32 s10, $0x1;
	s10 =	sld [smem:$0x3FB6]  }
0x3d: {  	_ =	shalt  }
0x3e: {  	_ =	shalt  }
0x3f: {  	_ =	shalt  }
0x40: {  	_ =	shalt  }
0x41: {  	_ =	shalt  }
0x42: {  	_ =	shalt  }
0x43: {  	_ =	shalt  }
0x44: {  	_ =	shalt  }
0x45: {  	_ =	shalt  }
0x46: {  	_ =	shalt  }
0x47: {  	_ =	shalt  }
0x48: {  	_ =	shalt  }
0x49: {  	_ =	shalt  }
0x4a: {  	_ =	shalt  }
0x4b: {  	_ =	shalt  }
0x4c: {  	_ =	shalt  }
0x4d: {  	_ =	shalt  }
0x4e: {  	_ =	shalt  }
0x4f: {  	_ =	shalt  }
0x50: {  	_ =	shalt  }
0x51: {  	_ =	shalt  }
0x52: {  	_ =	shalt  }
0x53: {  	_ =	shalt  }
0x54: {  	_ =	shalt  }
0x55: {  	_ =	shalt  }
0x56: {  	_ =	shalt  }
0x57: {  	_ =	shalt  }
0x58: {  	_ =	shalt  }
0x59: {  	_ =	shalt  }
0x5a: {  	_ =	shalt  }
0x5b: {  	_ =	shalt  }
0x5c: {  	_ =	shalt  }
0x5d: {  	_ =	shalt  }
0x5e: {  	_ =	shalt  }
0x5f: {  	_ =	shalt  }
0x60: {  	_ =	shalt  }
0x61: {  	_ =	shalt  }
0x62: {  	_ =	shalt  }
0x63: {  	_ =	shalt  }
0x64: {  	_ =	shalt  }
0x65: {  	_ =	shalt  }
0x66: {  	_ =	shalt  }
0x67: {  	_ =	shalt  }
0x68: {  	_ =	shalt  }
0x69: {  	_ =	shalt  }
0x6a: {  	_ =	shalt  }
0x6b: {  	_ =	shalt  }
0x6c: {  	_ =	shalt  }
0x6d: {  	_ =	shalt  }
0x6e: {  	_ =	shalt  }
0x6f: {  	_ =	shalt  }
0x70: {  	_ =	shalt  }
0x71: {  	_ =	shalt  }
0x72: {  	_ =	shalt  }
0x73: {  	_ =	shalt  }
0x74: {  	_ =	shalt  }
0x75: {  	_ =	shalt  }
0x76: {  	_ =	shalt  }
0x77: {  	_ =	shalt  }
0x78: {  	_ =	shalt  }
0x79: {  	_ =	shalt  }
0x7a: {  	_ =	shalt  }
0x7b: {  	_ =	shalt  }
0x7c: {  	_ =	shalt  }
0x7d: {  	_ =	shalt  }
0x7e: {  	_ =	shalt  }
0x7f: {  	_ =	shalt  }
0x80: {  	_ =	shalt  }
0x81: {  	_ =	shalt  }
0x82: {  	_ =	shalt  }
0x83: {  	_ =	shalt  }
0x84: {  	_ =	shalt  }
0x85: {  	_ =	shalt  }
0x86: {  	_ =	shalt  }
0x87: {  	_ =	shalt  }
.Lfunc_end0:
.L_simem_size_0:
called_computation.3_lowered:
.L_overlay_start_0:
0x88: {  	s2 =	sld [smem:$0x3FD9]  }
0x89: {  	s3 =	sld [smem:$0x3FFE];
	_ =	sdelay $0x1  }
0x8a: {  	s1 =	srdreg.scid  }
0x8b: {  	s0 =	sand.u32 $0x1, s1  }
0x8c: {  	s16 =	sshll.u32 s0, $0xA;
	s2 =	sadd.s32 s3, s2  }
0x8d: {  	s2 =	sadd.s32 s2, s16  }
0x8e: {  	[smem:$0x3FC2] =	sst s2  }
0x8f: {  	_ = 	snop  }
0x90: {  	(tm) =	ssettm $0x1  }
0x91: {  	s17 =	sld [smem:$0x3FFB];
	_ =	sdelay $0x3  }
0x92: {  	_ =	strace s17  }
0x93: {  	s2 =	sld [smem:$0x3FFC];
	_ =	sdelay $0x3  }
0x94: {  	_ =	strace s2  }
0x95: {  	s2 =	sld [smem:$0x3FFD];
	_ =	sdelay $0x3  }
0x96: {  	_ =	strace s2  }
0x97: {  	_ =	strace $0x8FFFFFFF  }
0x98: {  	s18 =	sld [smem:$0x3FDB];
	_ =	sdelay $0x1  }
0x99: {  	s19 =	simm.s32 $_scs_section_size  }
0x9a: {  	s4 =	simm.s32 $_size__tile_overlayer_lowered;
	s5 =	simm.s32 $_tile_overlayer_lowered  }
0x9b: {  	s22 =	simm.s32 $0x1BFF;
	s21 =	sshll.u32 s5, $0x1;
	s2 =	sadd.s32 s19, s18  }
0x9c: {  	s6 =	simm.s32 $0x0;
	s20 =	sshll.u32 s4, $0x1;
	s4 =	sadd.s32 s21, s2  }
0x9d: {  	[timem:s6], [sflag:s22] =	dma.local [hbm:s4], s20  }
0x9e: {  	_ =	swait.ge [sflag:s22], s20  }
0x9f: {  	s3 =	ssub.s32 $0x0, s20;
	[sflag:s22] =	ssyncset.done $0x0  }
0xa0: {  	[sflag:s22] =	ssyncadd.s32 s3;
	_ =	sdelay $0x1  }
0xa1: {  	s23 =	simm.s32 $0x1B8B  }
0xa2: {  	_ =	swait.ge [sflag:s23], $0x1  }
0xa3: {  	[sflag:s23] =	ssyncset.done $0x0  }
0xa4: {  	s25 =	simm.s32 $0x1B8E;
	s24 =	sld [smem:$0x3FFE];
	[sflag:s23] =	ssyncadd.s32 $0xFFFFFFFF  }
0xa5: {  	s26 =	simm.s32 $execute0_lowered;
	[smem:$0x3FD2] =	sst s25  }
0xa6: {  	s4 =	sshll.u32 s26, $0x1;
	_ =	strace $0x80000046;
	[dreg:$0x1] =	wrdreg $0xFFFFFFFF  }
0xa7: {  	s28 =	simm.s32 $_size_execute0_lowered;
	s2 =	sadd.s32 s2, s4;
	[dreg:$0x0] =	wrdreg $0x0  }
0xa8: {  	s4 =	sshll.u32 s28, $0x1;
	[dreg:$0x2] =	wrdreg s2  }
0xa9: {  	[dreg:$0x3] =	wrdreg s4  }
0xaa: {  	[dreg:$0x4] =	wrdreg $0xC0  }
0xab: {  	_ =	task [dreg:s6], $0x5FFFF  }
0xac: {  	[dreg:$0x1] =	wrdreg $0xFFFFFFFF  }
0xad: {  	[dreg:$0x0] =	wrdreg $0x60  }
0xae: {  	[dreg:$0x2] =	wrdreg s24  }
0xaf: {  	[dreg:$0x3] =	wrdreg $0x87000  }
0xb0: {  	[dreg:$0x4] =	wrdreg $0xC  }
0xb1: {  	_ =	task.clear_ibuf [dreg:s6], $0x5FFFF;
	_ =	strace $0x90000046  }
0xb2: {  	s29 =	simm.s32 $0xC;
	_ =	strace $0x80000048  }
0xb3: {  	_ =	swait.ge [sflag:s29], $0x1  }
0xb4: {  	[sflag:s29] =	ssyncadd.s32 $0xFFFFFFFF  }
0xb5: {  	_ =	strace $0x90000048  }
0xb6: {  	_ =	sfence  }
0xb7: {  	s30 =	sld [smem:$0x0];
	_ =	sdelay $0x2  }
0xb8: {  	s31 =	sshll.u32 s1, $0xD;
	s1 =	sshrl.u32 s1, $0x2  }
0xb9: {  	s3 =	sand.u32 $0x4000, s31;
	s1 =	sadd.s32 s1, s30  }
0xba: {  	s0 =	sor.u32 s3, s0;
	s1 =	sshll.u32 s1, $0x11  }
0xbb: {  	s0 =	sor.u32 s1, s0  }
0xbc: {  	s0 =	sadd.s32 $0x8F2B, s0  }
0xbd: {  	[sflag:s0] =	ssyncadd.remote.s32 $0x1  }
0xbe: {  	_ =	sfence.sel $0xFFFF  }
0xbf: {  	[dreg:$0x0] =	wrdreg $0xFFFFFFFF;
	(pc) =	sbr.abs _section_cstart, $3  }
0xc0: {  	[dreg:$0x1] =	wrdreg $0xFFFFFFFF  }
0xc1: {  	_ =	task.clear_ibuf [dreg:s6], $0x2FFFF;
	_ =	strace $0x9FFFFFFF  }
0xc2: {  	(tm) =	ssettm $0x7FFFFFFF  }
0xc3: {  	_ =	shalt  }
tec
execute0_lowered:
.L_overlay_start_1:
0x0: {  	(tag) =	ssettag $0x1  }
0x1: {  	s1 =	srdreg.scid;
	s6 =	rddreg [dreg:$0x0]  }
0x2: {  	s0 =	stileid.u32;
	s2 =	rddreg [dreg:$0x1]  }
0x3: {  	s3 =	simm.s32 $0x0;
	s16 =	simm.s32 $0x4880;
	s17 =	simm.s32 $0x1  }
0x4: {  	s18 =	simm.s32 $0x7D;
	s19 =	simm.s32 $0x2;
	s20 =	simm.s32 $0x900  }
0x5: {  	s21 =	simm.s32 $0x980;
	s22 =	simm.s32 $0x0;
	s8 =	smul.u32 $0x13880, s0  }
0x6: {  	s5 =	sand.u32 $0x1, s1;
	s1 =	rddreg [dreg:$0x2];
	s26 =	smul.u32 $0x1388, s0  }
0x7: {  	s25 =	sshll.u32 s0, $0x1;
	[smem:$0x7FF] =	sst s3;
	s9 =	smul.u32 $0x138800, s5  }
0x8: {  	s11 =	sadd.s32 $0x9200, s6;
	s7 =	sor.u32 s5, s25;
	s29 =	smul.u32 $0x9C4, s5  }
0x9: {  	s28 =	sshll.u32 s0, $0x6;
	_ =	strace $0x80000047;
	s4 =	smul.u32 $0x140, s7  }
0xa: {  	s12 =	ssub.s32 $0x2, s5;
	s5 =	sor.u32 $0x1C03, s28;
	s14 =	smul.u32 $0x4E200, s7  }
0xb: {  	s13 =	sshrl.u32 s12, $0x1;
	s15 =	sadd.s32 s8, s2;
	s7 =	smul.u32 $0x9C40, s7  }
0xc: {  	s9 =	sadd.s32 s8, s9;
	s12 =	ssub.s32 s12, s13;
	s13 =	sadd.s32 s29, s26  }
0xd: {  	s10 =	sadd.s32 s4, s6;
	s4 =	sadd.s32 $0x168C00, s6;
	s9 =	sshrl.u32 s9, $0x3  }
0xe: {  	s14 =	sshrl.u32 s14, $0x3;
	s7 =	sadd.s32 s11, s7;
	s13 =	sshll.u32 s13, $0x4  }
0xf: {  	s9 =	sadd.s32 s9, s6;
	s6 =	sadd.s32 $0x6A00, s10;
	s30 =	sadd.s32 s11, s14  }
0x10: {  	s10 =	smax.u32 s12, $0x1;
	s31 =	sadd.s32 s11, s13;
	s13 =	sshrl.u32 s15, $0x3  }
0x11: {  	s14 =	simm.s32 $0x3;
	s15 =	simm.s32 $0xA00;
	s8 =	sadd.s32 $0x7D0, s30  }
0x12: {  	s9 =	sadd.s32 $0x16B400, s9;
	s11 =	sadd.s32 $0x1770, s31;
	s12 =	sadd.s32 $0xFA0, s31  }
.LBB2_1:
0x13: {  	[spmem:s13], [sflag:s5] =	dma.local [hbm:s4], $0x2710  }
0x14: {  	_ =	swait.ge [sflag:s14], $0x2710  }
0x15: {  	[sflag:s14] =	ssyncset.done $0x0  }
0x16: {  	[sflag:s14] =	ssyncadd.s32 $0xFFFFD8F0  }
0x17: {  	[tilespmem:s3], [sflag:$0x3] =	stream.linear.gather [hbm4b:s6+s3], $0xA00, $0x38;
	[tilespmem:$0x1BF80] =	vst v63  }
0x18: {  	_ =	swait.ge [sflag:s14], $0xA00  }
0x19: {  	[sflag:s14] =	ssyncset.done $0x0  }
0x1a: {  	[sflag:s14] =	ssyncadd.s32 $0xFFFFF600  }
0x1b: {  	[bflag:$0x0] =	sbarrier.arrive $0xFFFF  }
0x1c: {  	[tilespmem:s15], [sflag:$0x1] =	stream.linear.gather [hbm4b:s7+s3], $0x3E80, $0x38;
	[tilespmem:$0x1BF80] =	vst v63  }
0x1d: {  	_ = 	snop  }
0x1e: {  	[tilespmem:s16], [sflag:$0x2] =	stream.linear.gather [hbm4b:s8+s3], $0x3E80, $0x38;
	[tilespmem:$0x1BF80] =	vst v63  }
0x1f: {  	_ =	swait.ge [sflag:s17], $0x3E80  }
0x20: {  	[sflag:s17] =	ssyncset.done $0x0  }
0x21: {  	s23 =	simm.s32 $0x0;
	[sflag:s17] =	ssyncadd.s32 $0xFFFFC180  }
0x22: {  	[spmem:s2] =	stream.indirect.scatter.add.f32 [tilespmem:s15], [sflag:$0x3], $0x80, s23, s18, $0xb8;
	[tilespmem:$0x1BF80] =	vst v63  }
0x23: {  	_ =	swait.ge [sflag:s14], $0x3E80  }
0x24: {  	[sflag:s14] =	ssyncset.done $0x0  }
0x25: {  	s30 =	sadd.s32 $0x0, s12;
	[sflag:s14] =	ssyncadd.s32 $0xFFFFC180  }
0x26: {  	[tilespmem:s15], [sflag:$0x1] =	stream.linear.gather [hbm4b:s30+s3], $0x3E80, $0x38;
	[tilespmem:$0x1BF80] =	vst v63  }
0x27: {  	_ =	swait.ge [sflag:s19], $0x3E80  }
0x28: {  	[sflag:s19] =	ssyncset.done $0x0  }
0x29: {  	s31 =	simm.s32 $0x80;
	[sflag:s19] =	ssyncadd.s32 $0xFFFFC180  }
0x2a: {  	[spmem:s2] =	stream.indirect.scatter.add.f32 [tilespmem:s16], [sflag:$0x3], $0x80, s31, s18, $0xb8;
	[tilespmem:$0x1BF80] =	vst v63  }
0x2b: {  	_ =	swait.ge [sflag:s14], $0x3E80  }
0x2c: {  	s25 =	sadd.s32 $0x0, s11;
	[sflag:s14] =	ssyncset.done $0x0  }
0x2d: {  	s24 =	simm.s32 $0x180;
	s23 =	simm.s32 $0xFA0;
	[sflag:s14] =	ssyncadd.s32 $0xFFFFC180  }
.LBB2_2:
0x2e: {  	[tilespmem:s16], [sflag:$0x2] =	stream.linear.gather [hbm4b:s25+s3], $0x3E80, $0x38;
	[tilespmem:$0x1BF80] =	vst v63  }
0x2f: {  	s25 =	smov.u32 s23  }
0x30: {  	p0 =	sne.s32 s23, $0x7D00;
	s23 =	sadd.s32 $0xFA0, s23;
	_ =	swait.ge [sflag:s17], $0x3E80  }
0x31: {  	[sflag:s17] =	ssyncset.done $0x0  }
0x32: {  	s26 =	sadd.s32 $0xFFFFFF80, s24;
	[sflag:s17] =	ssyncadd.s32 $0xFFFFC180  }
0x33: {  	[spmem:s2] =	stream.indirect.scatter.add.f32 [tilespmem:s15], [sflag:$0x3], $0x80, s26, s18, $0xb8;
	[tilespmem:$0x1BF80] =	vst v63  }
0x34: {  	_ =	swait.ge [sflag:s14], $0x3E80  }
0x35: {  	[sflag:s14] =	ssyncset.done $0x0  }
0x36: {  	s26 =	sadd.s32 s25, s12;
	[sflag:s14] =	ssyncadd.s32 $0xFFFFC180  }
0x37: {  	[tilespmem:s15], [sflag:$0x1] =	stream.linear.gather [hbm4b:s26+s3], $0x3E80, $0x38;
	[tilespmem:$0x1BF80] =	vst v63  }
0x38: {  	_ =	swait.ge [sflag:s19], $0x3E80  }
0x39: {  	[sflag:s19] =	ssyncset.done $0x0  }
.Ltmp0:
0x3a: {  	[sflag:s19] =	ssyncadd.s32 $0xFFFFC180;
	(pc) =	sbr.rel @p0 .LBB2_2-.Ltmp0, $4  }
0x3b: {  	[spmem:s2] =	stream.indirect.scatter.add.f32 [tilespmem:s16], [sflag:$0x3], $0x80, s24, s18, $0xb8;
	[tilespmem:$0x1BF80] =	vst v63  }
0x3c: {  	_ =	swait.ge [sflag:s14], $0x3E80  }
0x3d: {  	[sflag:s14] =	ssyncset.done $0x0  }
0x3e: {  	s25 =	sadd.s32 s25, s11;
	s24 =	sadd.s32 $0x100, s24;
	[sflag:s14] =	ssyncadd.s32 $0xFFFFC180  }
0x3f: {  	[tilespmem:s16], [sflag:$0x2] =	stream.linear.gather [hbm4b:s25+s3], $0x3E80, $0x38;
	[tilespmem:$0x1BF80] =	vst v63  }
0x40: {  	_ =	swait.ge [sflag:s17], $0x3E80  }
0x41: {  	[sflag:s17] =	ssyncset.done $0x0  }
0x42: {  	[sflag:s17] =	ssyncadd.s32 $0xFFFFC180  }
0x43: {  	[spmem:s2] =	stream.indirect.scatter.add.f32 [tilespmem:s15], [sflag:$0x3], $0x80, s20, s18, $0xb8;
	[tilespmem:$0x1BF80] =	vst v63  }
0x44: {  	_ =	swait.ge [sflag:s14], $0x3E80  }
0x45: {  	[sflag:s14] =	ssyncset.done $0x0  }
0x46: {  	[sflag:s14] =	ssyncadd.s32 $0xFFFFC180  }
0x47: {  	_ =	swait.ge [sflag:s19], $0x3E80  }
0x48: {  	[sflag:s19] =	ssyncset.done $0x0  }
0x49: {  	[sflag:s19] =	ssyncadd.s32 $0xFFFFC180  }
0x4a: {  	[spmem:s2] =	stream.indirect.scatter.add.f32 [tilespmem:s16], [sflag:$0x3], $0x80, s21, s18, $0xb8;
	[tilespmem:$0x1BF80] =	vst v63  }
0x4b: {  	_ =	swait.ge [sflag:s14], $0x3E80  }
0x4c: {  	s22 =	sadd.s32 $0x1, s22;
	[sflag:s14] =	ssyncset.done $0x0  }
0x4d: {  	p0 =	sne.s32 s22, s10;
	[sflag:s14] =	ssyncadd.s32 $0xFFFFC180  }
.Ltmp1:
0x4e: {  	[bflag:$0x0] =	sbarrier.arrive $0xFFFF;
	(pc) =	sbr.rel @p0 .LBB2_1-.Ltmp1, $4  }
0x4f: {  	[hbm:s9], [sflag:s5] =	dma.local [spmem:s13], $0x2710  }
0x50: {  	_ =	swait.ge [sflag:s14], $0x2710  }
0x51: {  	[sflag:s14] =	ssyncset.done $0x0  }
0x52: {  	[sflag:s14] =	ssyncadd.s32 $0xFFFFD8F0  }
0x53: {  	_ =	sfence.sel $0x180000  }
0x54: {  	[bflag:$0x0] =	sbarrier.arrive $0xFFFF  }
0x55: {  	p0 =	sne.s32 s0, $0x0;
	_ =	strace $0x90000047  }
0x56: {  	s0 =	sadd.s32 @!p0 $0x100000, s1;
	[bflag:$0x2] =	sbarrier.arrive $0xFFFF  }
0x57: {  	[sflag:s0] =	ssyncadd.tile.s32 @!p0 $0x1;
	_ =	shalt  }
.Lfunc_end2:
_tile_overlayer_lowered:
.L_overlay_start_2:
0x58: {  	(tag) =	ssettag $0x2  }
0x59: {  	s0 =	rddreg [dreg:$0x0];
	s2 =	stileid.u32  }
0x5a: {  	s1 =	rddreg [dreg:$0x1];
	p0 =	sne.s32 s2, $0x0  }
0x5b: {  	s3 =	rddreg [dreg:$0x2];
	[bflag:$0x3] =	sbarrier.arrive $0xFFFF;
	s2 =	simm.s32 @!p0 $0x1C03  }
0x5c: {  	[timem:s3], [sflag:s2] =	dma.local @!p0 [hbm:s0], s1  }
0x5d: {  	s0 =	simm.s32 @!p0 $0x3  }
0x5e: {  	_ =	swait.ge @!p0 [sflag:s0], s1  }
0x5f: {  	s1 =	ssub.s32 @!p0 $0x0, s1;
	[sflag:s0] =	ssyncset.done @!p0 $0x0  }
0x60: {  	[sflag:s0] =	ssyncadd.s32 @!p0 s1  }
0x61: {  	[bflag:$0x3] =	sbarrier.arrive $0xFFFF  }
0x62: {  	_ =	shalt  }

</sc_bundles>
